<compile_context>
chip_gen: v7x
topology: tpu7x:2x2x1
jax: 0.10.2.dev20260603
libtpu: 0.0.44.dev20260713+nightly
codegen_flags: <defaults>
</compile_context>

<pallas_src>
import functools

import jax
import jax.numpy as jnp
from jax import lax
from jax.experimental import pallas as pl
from jax.experimental.pallas import tpu as pltpu
from jax.experimental.pallas import tpu_sc as plsc

_N = 10000
_E = 320000
_D = 128
_G = 128
_NB = 10
_BN = _N // _NB

_K = 128
_NC = 2
_NS = 16
_NW = _NC * _NS
_CHUNKS = _E // _K
_FULL = _CHUNKS // _NW
_REM = _CHUNKS - _FULL * _NW
_NP = 10240
_RPT = _NP // _NS


def _sc_segment_sum(h, src1, dst1, zeros):
    mesh = plsc.VectorSubcoreMesh(core_axis_name="c", subcore_axis_name="s")

    @functools.partial(
        pl.kernel,
        out_type=jax.ShapeDtypeStruct((_NC, _NP, _D), jnp.float32),
        mesh=mesh,
        scratch_types=[
            pltpu.VMEM((_K,), jnp.int32),
            pltpu.VMEM((_K,), jnp.int32),
            pltpu.VMEM((_K,), jnp.int32),
            pltpu.VMEM((_K,), jnp.int32),
            pltpu.VMEM((_K, _D), jnp.float32),
            pltpu.VMEM((_K, _D), jnp.float32),
            pltpu.VMEM_SHARED((_NP, _D), jnp.float32),
            pltpu.SemaphoreType.DMA,
            pltpu.SemaphoreType.DMA,
            pltpu.SemaphoreType.DMA,
            pltpu.SemaphoreType.DMA,
        ],
    )
    def k(h_hbm, src_hbm, dst_hbm, z_hbm, out_hbm, sbuf0, sbuf1, dbuf0, dbuf1,
          rows0, rows1, agg, semi0, semi1, semg0, semg1):
        c = lax.axis_index("c")
        s = lax.axis_index("s")
        w = s * _NC + c
        sbuf = (sbuf0, sbuf1)
        dbuf = (dbuf0, dbuf1)
        rows = (rows0, rows1)
        semi = (semi0, semi1)
        semg = (semg0, semg1)

        def eoff(jj):
            return pl.multiple_of((w + jj * _NW) * _K, _K)

        def issue_idx(jj, b):
            pltpu.async_copy(src_hbm.at[pl.ds(eoff(jj), _K)], sbuf[b], semi[b])
            pltpu.async_copy(dst_hbm.at[pl.ds(eoff(jj), _K)], dbuf[b], semi[b])

        def wait_idx(jj, b):
            pltpu.make_async_copy(src_hbm.at[pl.ds(eoff(jj), _K)], sbuf[b],
                                  semi[b]).wait()
            pltpu.make_async_copy(dst_hbm.at[pl.ds(eoff(jj), _K)], dbuf[b],
                                  semi[b]).wait()

        issue_idx(0, 0)
        issue_idx(1, 1)
        pltpu.sync_copy(z_hbm.at[pl.ds(s * _RPT, _RPT)],
                        agg.at[pl.ds(s * _RPT, _RPT)])
        plsc.subcore_barrier()
        wait_idx(0, 0)
        pltpu.async_copy(h_hbm.at[sbuf[0]], rows[0], semg[0])

        def body(j, carry):
            for b in range(2):
                jj = j * 2 + b

                @pl.when(jj + 1 < _FULL)
                def _():
                    wait_idx(jj + 1, 1 - b)
                    pltpu.async_copy(h_hbm.at[sbuf[1 - b]], rows[1 - b],
                                     semg[1 - b])

                pltpu.make_async_copy(h_hbm.at[sbuf[b]], rows[b],
                                      semg[b]).wait()
                pltpu.sync_copy(rows[b], agg.at[dbuf[b]], add=True)

                @pl.when(jj + 2 < _FULL)
                def _():
                    issue_idx(jj + 2, b)
            return carry

        lax.fori_loop(0, _FULL // 2, body, 0)

        @pl.when(w < _REM)
        def _():
            base = pl.multiple_of((w + _FULL * _NW) * _K, _K)
            pltpu.sync_copy(src_hbm.at[pl.ds(base, _K)], sbuf[0])
            pltpu.sync_copy(dst_hbm.at[pl.ds(base, _K)], dbuf[0])
            pltpu.async_copy(h_hbm.at[sbuf[0]], rows[0], semg[0]).wait()
            pltpu.sync_copy(rows[0], agg.at[dbuf[0]], add=True)

        plsc.subcore_barrier()
        pltpu.sync_copy(agg.at[pl.ds(s * _RPT, _RPT)],
                        out_hbm.at[c].at[pl.ds(s * _RPT, _RPT)])

    return k(h, src1, dst1, zeros)


def _mlp_stats_body(h_ref, a0_ref, a1_ref, w1_ref, b1_ref, w2_ref, b2_ref,
                    t_ref, st_ref):
    i = pl.program_id(0)
    m = h_ref[...] + a0_ref[...] + a1_ref[...]
    z = jnp.dot(m, w1_ref[...], preferred_element_type=jnp.float32)
    z = jnp.maximum(z + b1_ref[...], 0.0)
    t = jnp.dot(z, w2_ref[...], preferred_element_type=jnp.float32)
    t = jnp.maximum(t + b2_ref[...], 0.0)
    t_ref[...] = t
    tc = t - 1.0
    stats = jnp.concatenate([jnp.sum(tc, 0, keepdims=True),
                             jnp.sum(tc * tc, 0, keepdims=True)], axis=0)

    @pl.when(i == 0)
    def _():
        st_ref[...] = stats

    @pl.when(i > 0)
    def _():
        st_ref[...] += stats


def _tc_mlp_stats(h, a0, a1, w1, b1, w2, b2):
    blk = lambda i: (i, 0)
    const = lambda i: (0, 0)
    return pl.pallas_call(
        _mlp_stats_body,
        grid=(_NB,),
        in_specs=[
            pl.BlockSpec((_BN, _D), blk),
            pl.BlockSpec((_BN, _D), blk),
            pl.BlockSpec((_BN, _D), blk),
            pl.BlockSpec((_D, _D), const),
            pl.BlockSpec((1, _D), const),
            pl.BlockSpec((_D, _D), const),
            pl.BlockSpec((1, _D), const),
        ],
        out_specs=[
            pl.BlockSpec((_BN, _D), blk),
            pl.BlockSpec((2, _D), const),
        ],
        out_shape=[
            jax.ShapeDtypeStruct((_N, _D), jnp.float32),
            jax.ShapeDtypeStruct((2, _D), jnp.float32),
        ],
    )(h, a0, a1, w1, b1, w2, b2)


def _norm_pool_body(t_ref, st_ref, g_ref, b_ref, bt_ref, h_ref, p_ref):
    i = pl.program_id(0)
    m1 = st_ref[0:1, :] * (1.0 / _N)
    mean = m1 + 1.0
    var = st_ref[1:2, :] * (1.0 / _N) - m1 * m1
    scale = lax.rsqrt(var + 1e-5) * g_ref[...]
    off = b_ref[...] - mean * scale
    hh = t_ref[...] * scale + off
    h_ref[...] = hh
    bt = bt_ref[0, :, :]
    gids = lax.broadcasted_iota(jnp.int32, (_G, _BN), 0)
    onehot = (bt == gids).astype(jnp.float32)
    contrib = jnp.dot(onehot, hh, preferred_element_type=jnp.float32)

    @pl.when(i == 0)
    def _():
        p_ref[...] = contrib

    @pl.when(i > 0)
    def _():
        p_ref[...] += contrib


def _tc_norm_pool(t, stats, gamma, beta, batch3):
    blk = lambda i: (i, 0)
    const = lambda i: (0, 0)
    return pl.pallas_call(
        _norm_pool_body,
        grid=(_NB,),
        in_specs=[
            pl.BlockSpec((_BN, _D), blk),
            pl.BlockSpec((2, _D), const),
            pl.BlockSpec((1, _D), const),
            pl.BlockSpec((1, _D), const),
            pl.BlockSpec((1, 1, _BN), lambda i: (i, 0, 0)),
        ],
        out_specs=[
            pl.BlockSpec((_BN, _D), blk),
            pl.BlockSpec((_G, _D), const),
        ],
        out_shape=[
            jax.ShapeDtypeStruct((_N, _D), jnp.float32),
            jax.ShapeDtypeStruct((_G, _D), jnp.float32),
        ],
    )(t, stats, gamma, beta, batch3)


def _head_body(p0_ref, p1_ref, p2_ref, w1_ref, b1_ref, w2_ref, b2_ref,
               yn_ref, xn_ref):
    xc = jnp.concatenate([p0_ref[...], p1_ref[...], p2_ref[...]], axis=1)
    z = jnp.dot(xc, w1_ref[...], preferred_element_type=jnp.float32)
    z = jnp.maximum(z + b1_ref[...], 0.0)
    y = jnp.dot(z, w2_ref[...], preferred_element_type=jnp.float32) + b2_ref[...]
    xnorm = jnp.sqrt(jnp.sum(xc * xc, axis=1, keepdims=True))
    ynorm = jnp.sqrt(jnp.sum(y * y, axis=1, keepdims=True))
    xn_ref[...] = xc / jnp.maximum(xnorm, 1e-12)
    yn_ref[...] = y / jnp.maximum(ynorm, 1e-12)


def _tc_head(p0, p1, p2, pw1, pb1, pw2, pb2):
    H = 3 * _D
    return pl.pallas_call(
        _head_body,
        out_shape=[
            jax.ShapeDtypeStruct((_G, H), jnp.float32),
            jax.ShapeDtypeStruct((_G, H), jnp.float32),
        ],
    )(p0, p1, p2, pw1, pb1, pw2, pb2)


def kernel(x, edge_index, batch,
           l0_W1, l0_b1, l0_W2, l0_b2, l0_gamma, l0_beta,
           l1_W1, l1_b1, l1_W2, l1_b2, l1_gamma, l1_beta,
           l2_W1, l2_b1, l2_W2, l2_b2, l2_gamma, l2_beta,
           p_W1, p_b1, p_W2, p_b2):
    src1 = edge_index[0]
    dst1 = edge_index[1]
    batch3 = batch.reshape(_NB, 1, _BN)
    zeros = jnp.zeros((_NP, _D), jnp.float32)
    layers = [
        (l0_W1, l0_b1, l0_W2, l0_b2, l0_gamma, l0_beta),
        (l1_W1, l1_b1, l1_W2, l1_b2, l1_gamma, l1_beta),
        (l2_W1, l2_b1, l2_W2, l2_b2, l2_gamma, l2_beta),
    ]
    h = x
    pools = []
    for (w1, b1, w2, b2, g, b) in layers:
        a = _sc_segment_sum(h, src1, dst1, zeros)
        t, st = _tc_mlp_stats(h, a[0, :_N], a[1, :_N], w1, b1.reshape(1, _D),
                              w2, b2.reshape(1, _D))
        h, p = _tc_norm_pool(t, st, g.reshape(1, _D), b.reshape(1, _D), batch3)
        pools.append(p)
    yn, xn = _tc_head(pools[0], pools[1], pools[2],
                      p_W1, p_b1.reshape(1, 3 * _D), p_W2, p_b2.reshape(1, 3 * _D))
    return (yn, xn)

# --- scband reference (transcript-rebuilt; emitter-appended) ---
"""Pipeline reference for scband-encoder-core-78563541778981 (READ-ONLY COPY).

The authoritative reference and input builder live on the scoring server;
editing this copy changes nothing except your own understanding.
"""

import jax, jax.numpy as jnp
import numpy as np

N = 10000
E = 320000
F_IN = 128
DIM = 128
L = 3
G = 128

def setup_inputs(seed: int = 0):
    key = jax.random.key(seed)
    ks = jax.random.split(key, 32)
    inp = {}
    inp['x'] = jax.random.normal(ks[0], (N, F_IN), dtype=jnp.float32)
    inp['edge_index'] = jax.random.randint(ks[1], (2, E), 0, N, dtype=jnp.int32)
    inp['batch'] = jnp.sort(jax.random.randint(ks[2], (N,), 0, G, dtype=jnp.int32))
    scale = 0.05
    i = 3
    for l in range(L):
        fin = F_IN if l == 0 else DIM
        inp[f'l{l}_W1'] = jax.random.normal(ks[i], (fin, DIM), dtype=jnp.float32) * scale; i += 1
        inp[f'l{l}_b1'] = jnp.zeros((DIM,), dtype=jnp.float32)
        inp[f'l{l}_W2'] = jax.random.normal(ks[i], (DIM, DIM), dtype=jnp.float32) * scale; i += 1
        inp[f'l{l}_b2'] = jnp.zeros((DIM,), dtype=jnp.float32)
        inp[f'l{l}_gamma'] = jnp.ones((DIM,), dtype=jnp.float32)
        inp[f'l{l}_beta'] = jnp.zeros((DIM,), dtype=jnp.float32)
    H = L * DIM
    inp['p_W1'] = jax.random.normal(ks[i], (H, H), dtype=jnp.float32) * scale; i += 1
    inp['p_b1'] = jnp.zeros((H,), dtype=jnp.float32)
    inp['p_W2'] = jax.random.normal(ks[i], (H, H), dtype=jnp.float32) * scale; i += 1
    inp['p_b2'] = jnp.zeros((H,), dtype=jnp.float32)
    return inp

def _forward(x, edge_index, batch, layer_params, p_W1, p_b1, p_W2, p_b2):
    src = edge_index[0]
    dst = edge_index[1]
    xs = []
    h = x
    for (W1, b1, W2, b2, g, b) in layer_params:
        # GINConv (eps=0): out[i] = nn(x[i] + sum_{j->i} x[j])
        agg = jax.ops.segment_sum(h[src], dst, num_segments=h.shape[0])
        m = h + agg
        m = jnp.maximum(m @ W1 + b1, 0.0) @ W2 + b2
        m = jnp.maximum(m, 0.0)  # F.relu after conv
        # BatchNorm1d (training mode, biased variance)
        mean = jnp.mean(m, axis=0)
        var = jnp.var(m, axis=0)
        m = (m - mean) / jnp.sqrt(var + 1e-5) * g + b
        xs.append(m)
        h = m
    pools = [jax.ops.segment_sum(t, batch, num_segments=G) for t in xs]
    xc = jnp.concatenate(pools, axis=1)
    y = jnp.maximum(xc @ p_W1 + p_b1, 0.0) @ p_W2 + p_b2
    xn = xc / jnp.maximum(jnp.linalg.norm(xc, axis=1, keepdims=True), 1e-12)
    yn = y / jnp.maximum(jnp.linalg.norm(y, axis=1, keepdims=True), 1e-12)
    return (yn, xn)

def reference(x, edge_index, batch,
              l0_W1, l0_b1, l0_W2, l0_b2, l0_gamma, l0_beta,
              l1_W1, l1_b1, l1_W2, l1_b2, l1_gamma, l1_beta,
              l2_W1, l2_b1, l2_W2, l2_b2, l2_gamma, l2_beta,
              p_W1, p_b1, p_W2, p_b2):
    # Encoder_support is modeled as identity (see notes)
    layer_params = [
        (l0_W1, l0_b1, l0_W2, l0_b2, l0_gamma, l0_beta),
        (l1_W1, l1_b1, l1_W2, l1_b2, l1_gamma, l1_beta),
        (l2_W1, l2_b1, l2_W2, l2_b2, l2_gamma, l2_beta),
    ]
    return _forward(x, edge_index, batch, layer_params, p_W1, p_b1, p_W2, p_b2)

if __name__ == "__main__":
    import jax
    _d = setup_inputs()
    print(jax.jit(kernel)(*tuple(_d.values())))

</pallas_src>

<mosaic_0001>
#map = affine_map<(d0, d1) -> (0, 0)>
#map1 = affine_map<(d0, d1) -> (0)>
#map2 = affine_map<(d0, d1) -> (0, 0, 0)>
module attributes {stable_mosaic.version = 14 : i64} {
  func.func @k(%arg0: i32, %arg1: i32, %arg2: memref<10000x128xf32, #tpu.memory_space<hbm>>, %arg3: memref<320000xi32, #tpu.memory_space<hbm>>, %arg4: memref<320000xi32, #tpu.memory_space<hbm>>, %arg5: memref<10240x128xf32, #tpu.memory_space<hbm>>, %arg6: memref<2x10240x128xf32, #tpu.memory_space<hbm>>, %arg7: memref<128xi32, #tpu.memory_space<vmem>>, %arg8: memref<128xi32, #tpu.memory_space<vmem>>, %arg9: memref<128xi32, #tpu.memory_space<vmem>>, %arg10: memref<128xi32, #tpu.memory_space<vmem>>, %arg11: memref<128x128xf32, #tpu.memory_space<vmem>>, %arg12: memref<128x128xf32, #tpu.memory_space<vmem>>, %arg13: memref<10240x128xf32, #tpu.memory_space<vmem_shared>>, %arg14: memref<!tpu.dma_semaphore, #tpu.memory_space<semaphore_mem>>, %arg15: memref<!tpu.dma_semaphore, #tpu.memory_space<semaphore_mem>>, %arg16: memref<!tpu.dma_semaphore, #tpu.memory_space<semaphore_mem>>, %arg17: memref<!tpu.dma_semaphore, #tpu.memory_space<semaphore_mem>>) attributes {dimension_semantics = [#tpu.dimension_semantics<core_parallel>, #tpu.dimension_semantics<subcore_parallel>], iteration_bounds = array<i64: 2, 16>, scalar_prefetch = 0 : i64, scratch_operands = 11 : i64, tpu.core_type = #tpu.core_type<sc_vector_subcore>, window_params = [{transform_indices = #map}, {transform_indices = #map1}, {transform_indices = #map1}, {transform_indices = #map}, {transform_indices = #map2}]} {
    %mul3A = arith.constant 2 : i32
    %mul3A_0 = arith.muli %arg1, %mul3A : i32
    %add3A = arith.addi %mul3A_0, %arg0 : i32
    %add3A_1 = arith.constant 0 : i32
    %add3A_2 = arith.addi %add3A, %add3A_1 : i32
    %mul3A_3 = arith.constant 128 : i32
    %mul3A_4 = arith.muli %add3A_2, %mul3A_3 : i32
    %multiple_of3A = tpu.assume_multiple %mul3A_4, 128 : i32
    %dma_start3A = tpu.memref_slice %arg3[%multiple_of3A] : memref<320000xi32, #tpu.memory_space<hbm>> -> memref<128xi32, #tpu.memory_space<hbm>>
    %dma_start3A_5 = tpu.memref_slice %arg3[%multiple_of3A] : memref<320000xi32, #tpu.memory_space<hbm>> -> memref<128xi32, #tpu.memory_space<hbm>>
    tpu.enqueue_dma source(%dma_start3A_5 : memref<128xi32, #tpu.memory_space<hbm>>) target(%arg7 : memref<128xi32, #tpu.memory_space<vmem>>) target_semaphore(%arg14 : memref<!tpu.dma_semaphore, #tpu.memory_space<semaphore_mem>>)
    %add3A_6 = arith.constant 0 : i32
    %add3A_7 = arith.addi %add3A, %add3A_6 : i32
    %mul3A_8 = arith.constant 128 : i32
    %mul3A_9 = arith.muli %add3A_7, %mul3A_8 : i32
    %multiple_of3A_10 = tpu.assume_multiple %mul3A_9, 128 : i32
    %dma_start3A_11 = tpu.memref_slice %arg4[%multiple_of3A_10] : memref<320000xi32, #tpu.memory_space<hbm>> -> memref<128xi32, #tpu.memory_space<hbm>>
    %dma_start3A_12 = tpu.memref_slice %arg4[%multiple_of3A_10] : memref<320000xi32, #tpu.memory_space<hbm>> -> memref<128xi32, #tpu.memory_space<hbm>>
    tpu.enqueue_dma source(%dma_start3A_12 : memref<128xi32, #tpu.memory_space<hbm>>) target(%arg9 : memref<128xi32, #tpu.memory_space<vmem>>) target_semaphore(%arg14 : memref<!tpu.dma_semaphore, #tpu.memory_space<semaphore_mem>>)
    %add3A_13 = arith.constant 32 : i32
    %add3A_14 = arith.addi %add3A, %add3A_13 : i32
    %mul3A_15 = arith.constant 128 : i32
    %mul3A_16 = arith.muli %add3A_14, %mul3A_15 : i32
    %multiple_of3A_17 = tpu.assume_multiple %mul3A_16, 128 : i32
    %dma_start3A_18 = tpu.memref_slice %arg3[%multiple_of3A_17] : memref<320000xi32, #tpu.memory_space<hbm>> -> memref<128xi32, #tpu.memory_space<hbm>>
    %dma_start3A_19 = tpu.memref_slice %arg3[%multiple_of3A_17] : memref<320000xi32, #tpu.memory_space<hbm>> -> memref<128xi32, #tpu.memory_space<hbm>>
    tpu.enqueue_dma source(%dma_start3A_19 : memref<128xi32, #tpu.memory_space<hbm>>) target(%arg8 : memref<128xi32, #tpu.memory_space<vmem>>) target_semaphore(%arg15 : memref<!tpu.dma_semaphore, #tpu.memory_space<semaphore_mem>>)
    %add3A_20 = arith.constant 32 : i32
    %add3A_21 = arith.addi %add3A, %add3A_20 : i32
    %mul3A_22 = arith.constant 128 : i32
    %mul3A_23 = arith.muli %add3A_21, %mul3A_22 : i32
    %multiple_of3A_24 = tpu.assume_multiple %mul3A_23, 128 : i32
    %dma_start3A_25 = tpu.memref_slice %arg4[%multiple_of3A_24] : memref<320000xi32, #tpu.memory_space<hbm>> -> memref<128xi32, #tpu.memory_space<hbm>>
    %dma_start3A_26 = tpu.memref_slice %arg4[%multiple_of3A_24] : memref<320000xi32, #tpu.memory_space<hbm>> -> memref<128xi32, #tpu.memory_space<hbm>>
    tpu.enqueue_dma source(%dma_start3A_26 : memref<128xi32, #tpu.memory_space<hbm>>) target(%arg10 : memref<128xi32, #tpu.memory_space<vmem>>) target_semaphore(%arg15 : memref<!tpu.dma_semaphore, #tpu.memory_space<semaphore_mem>>)
    %mul3A_27 = arith.constant 640 : i32
    %mul3A_28 = arith.muli %arg1, %mul3A_27 : i32
    %mul3A_29 = arith.constant 640 : i32
    %mul3A_30 = arith.muli %arg1, %mul3A_29 : i32
    "tpu.region"() ({
      %run_scoped3A = tpu.sem_alloc : memref<!tpu.dma_semaphore, #tpu.memory_space<semaphore_mem>>
      %dma_start3A_59 = arith.constant 0 : i32
      %dma_start3A_60 = tpu.memref_slice %arg13[%mul3A_30, %dma_start3A_59] : memref<10240x128xf32, #tpu.memory_space<vmem_shared>> -> memref<640x128xf32, #tpu.memory_space<vmem_shared>>
      %dma_start3A_61 = arith.constant 0 : i32
      %dma_start3A_62 = tpu.memref_slice %arg5[%mul3A_28, %dma_start3A_61] : memref<10240x128xf32, #tpu.memory_space<hbm>> -> memref<640x128xf32, #tpu.memory_space<hbm>>
      tpu.enqueue_dma source(%dma_start3A_62 : memref<640x128xf32, #tpu.memory_space<hbm>>) target(%dma_start3A_60 : memref<640x128xf32, #tpu.memory_space<vmem_shared>>) target_semaphore(%run_scoped3A : memref<!tpu.dma_semaphore, #tpu.memory_space<semaphore_mem>>)
      %dma_wait3A_63 = arith.constant 0 : i32
      %dma_wait3A_64 = tpu.memref_slice %arg13[%mul3A_30, %dma_wait3A_63] : memref<10240x128xf32, #tpu.memory_space<vmem_shared>> -> memref<640x128xf32, #tpu.memory_space<vmem_shared>>
      %dma_wait3A_65 = arith.constant 0 : i32
      %dma_wait3A_66 = tpu.memref_slice %arg5[%mul3A_28, %dma_wait3A_65] : memref<10240x128xf32, #tpu.memory_space<hbm>> -> memref<640x128xf32, #tpu.memory_space<hbm>>
      tpu.wait_dma2 semaphore(%run_scoped3A : memref<!tpu.dma_semaphore, #tpu.memory_space<semaphore_mem>>) src(%dma_wait3A_66 : memref<640x128xf32, #tpu.memory_space<hbm>>) dst(%dma_wait3A_64 : memref<640x128xf32, #tpu.memory_space<vmem_shared>>)
      tpu.yield
    }) : () -> ()
    %barrier3A = arith.constant 0 : index
    tpu.barrier barrier_id(%barrier3A)
    %add3A_31 = arith.constant 0 : i32
    %add3A_32 = arith.addi %add3A, %add3A_31 : i32
    %mul3A_33 = arith.constant 128 : i32
    %mul3A_34 = arith.muli %add3A_32, %mul3A_33 : i32
    %multiple_of3A_35 = tpu.assume_multiple %mul3A_34, 128 : i32
    %dma_wait3A = tpu.memref_slice %arg3[%multiple_of3A_35] : memref<320000xi32, #tpu.memory_space<hbm>> -> memref<128xi32, #tpu.memory_space<hbm>>
    %dma_wait3A_36 = tpu.memref_slice %arg3[%multiple_of3A_35] : memref<320000xi32, #tpu.memory_space<hbm>> -> memref<128xi32, #tpu.memory_space<hbm>>
    tpu.wait_dma2 semaphore(%arg14 : memref<!tpu.dma_semaphore, #tpu.memory_space<semaphore_mem>>) src(%dma_wait3A_36 : memref<128xi32, #tpu.memory_space<hbm>>) dst(%arg7 : memref<128xi32, #tpu.memory_space<vmem>>)
    %add3A_37 = arith.constant 0 : i32
    %add3A_38 = arith.addi %add3A, %add3A_37 : i32
    %mul3A_39 = arith.constant 128 : i32
    %mul3A_40 = arith.muli %add3A_38, %mul3A_39 : i32
    %multiple_of3A_41 = tpu.assume_multiple %mul3A_40, 128 : i32
    %dma_wait3A_42 = tpu.memref_slice %arg4[%multiple_of3A_41] : memref<320000xi32, #tpu.memory_space<hbm>> -> memref<128xi32, #tpu.memory_space<hbm>>
    %dma_wait3A_43 = tpu.memref_slice %arg4[%multiple_of3A_41] : memref<320000xi32, #tpu.memory_space<hbm>> -> memref<128xi32, #tpu.memory_space<hbm>>
    tpu.wait_dma2 semaphore(%arg14 : memref<!tpu.dma_semaphore, #tpu.memory_space<semaphore_mem>>) src(%dma_wait3A_43 : memref<128xi32, #tpu.memory_space<hbm>>) dst(%arg9 : memref<128xi32, #tpu.memory_space<vmem>>)
    %dma_start3A_44 = arith.constant 0 : i32
    %dma_start3A_45 = arith.constant 0 : i32
    %dma_start3A_46 = tpu.memref_slice %arg2[%dma_start3A_44, %dma_start3A_45] : memref<10000x128xf32, #tpu.memory_space<hbm>> -> memref<10000x128xf32, #tpu.memory_space<hbm>>
    tpu.enqueue_indirect_dma source(%dma_start3A_46 : memref<10000x128xf32, #tpu.memory_space<hbm>>) target(%arg11 : memref<128x128xf32, #tpu.memory_space<vmem>>) offsets(%arg7 : memref<128xi32, #tpu.memory_space<vmem>>) semaphore(%arg16 : memref<!tpu.dma_semaphore, #tpu.memory_space<semaphore_mem>>)
    %scan3A = arith.constant 0 : i32
    %scan3A_47 = arith.constant 0 : i32
    %scan3A_48 = arith.constant 39 : i32
    %scan3A_49 = arith.addi %scan3A_47, %scan3A_48 : i32
    %scan3A_50 = arith.constant 1 : i32
    scf.for %scan3A_59 = %scan3A_47 to %scan3A_49 step %scan3A_50  : i32 {
      %mul3A_60 = arith.constant 2 : i32
      %mul3A_61 = arith.muli %scan3A_59, %mul3A_60 : i32
      %add3A_62 = arith.constant 0 : i32
      %add3A_63 = arith.addi %mul3A_61, %add3A_62 : i32
      %add3A_64 = arith.constant 1 : i32
      %add3A_65 = arith.addi %add3A_63, %add3A_64 : i32
      %lt3A_66 = arith.constant 78 : i32
      %lt3A_67 = arith.cmpi slt, %add3A_65, %lt3A_66 : i32
      %convert_element_type3A_68 = arith.extui %lt3A_67 : i1 to i32
      %cond3A_69 = arith.constant 0 : i32
      %cond3A_70 = arith.cmpi ne, %convert_element_type3A_68, %cond3A_69 : i32
      scf.if %cond3A_70 {
        %add3A_102 = arith.constant 1 : i32
        %add3A_103 = arith.addi %add3A_63, %add3A_102 : i32
        %mul3A_104 = arith.constant 32 : i32
        %mul3A_105 = arith.muli %add3A_103, %mul3A_104 : i32
        %add3A_106 = arith.addi %add3A, %mul3A_105 : i32
        %mul3A_107 = arith.constant 128 : i32
        %mul3A_108 = arith.muli %add3A_106, %mul3A_107 : i32
        %multiple_of3A_109 = tpu.assume_multiple %mul3A_108, 128 : i32
        %dma_wait3A_110 = tpu.memref_slice %arg3[%multiple_of3A_109] : memref<320000xi32, #tpu.memory_space<hbm>> -> memref<128xi32, #tpu.memory_space<hbm>>
        %dma_wait3A_111 = tpu.memref_slice %arg3[%multiple_of3A_109] : memref<320000xi32, #tpu.memory_space<hbm>> -> memref<128xi32, #tpu.memory_space<hbm>>
        tpu.wait_dma2 semaphore(%arg15 : memref<!tpu.dma_semaphore, #tpu.memory_space<semaphore_mem>>) src(%dma_wait3A_111 : memref<128xi32, #tpu.memory_space<hbm>>) dst(%arg8 : memref<128xi32, #tpu.memory_space<vmem>>)
        %mul3A_112 = arith.constant 32 : i32
        %mul3A_113 = arith.muli %add3A_103, %mul3A_112 : i32
        %add3A_114 = arith.addi %add3A, %mul3A_113 : i32
        %mul3A_115 = arith.constant 128 : i32
        %mul3A_116 = arith.muli %add3A_114, %mul3A_115 : i32
        %multiple_of3A_117 = tpu.assume_multiple %mul3A_116, 128 : i32
        %dma_wait3A_118 = tpu.memref_slice %arg4[%multiple_of3A_117] : memref<320000xi32, #tpu.memory_space<hbm>> -> memref<128xi32, #tpu.memory_space<hbm>>
        %dma_wait3A_119 = tpu.memref_slice %arg4[%multiple_of3A_117] : memref<320000xi32, #tpu.memory_space<hbm>> -> memref<128xi32, #tpu.memory_space<hbm>>
        tpu.wait_dma2 semaphore(%arg15 : memref<!tpu.dma_semaphore, #tpu.memory_space<semaphore_mem>>) src(%dma_wait3A_119 : memref<128xi32, #tpu.memory_space<hbm>>) dst(%arg10 : memref<128xi32, #tpu.memory_space<vmem>>)
        %dma_start3A_120 = arith.constant 0 : i32
        %dma_start3A_121 = arith.constant 0 : i32
        %dma_start3A_122 = tpu.memref_slice %arg2[%dma_start3A_120, %dma_start3A_121] : memref<10000x128xf32, #tpu.memory_space<hbm>> -> memref<10000x128xf32, #tpu.memory_space<hbm>>
        tpu.enqueue_indirect_dma source(%dma_start3A_122 : memref<10000x128xf32, #tpu.memory_space<hbm>>) target(%arg12 : memref<128x128xf32, #tpu.memory_space<vmem>>) offsets(%arg8 : memref<128xi32, #tpu.memory_space<vmem>>) semaphore(%arg17 : memref<!tpu.dma_semaphore, #tpu.memory_space<semaphore_mem>>)
      } else {
      }
      %dma_wait3A_71 = arith.constant 0 : i32
      %dma_wait3A_72 = arith.constant 0 : i32
      %dma_wait3A_73 = tpu.memref_slice %arg2[%dma_wait3A_71, %dma_wait3A_72] : memref<10000x128xf32, #tpu.memory_space<hbm>> -> memref<10000x128xf32, #tpu.memory_space<hbm>>
      tpu.wait_indirect_dma semaphore(%arg16 : memref<!tpu.dma_semaphore, #tpu.memory_space<semaphore_mem>>) src(%dma_wait3A_73 : memref<10000x128xf32, #tpu.memory_space<hbm>>) dst(%arg11 : memref<128x128xf32, #tpu.memory_space<vmem>>)
      "tpu.region"() ({
        %run_scoped3A = tpu.sem_alloc : memref<!tpu.dma_semaphore, #tpu.memory_space<semaphore_mem>>
        %dma_start3A_102 = arith.constant 0 : i32
        %dma_start3A_103 = arith.constant 0 : i32
        %dma_start3A_104 = tpu.memref_slice %arg13[%dma_start3A_102, %dma_start3A_103] : memref<10240x128xf32, #tpu.memory_space<vmem_shared>> -> memref<10240x128xf32, #tpu.memory_space<vmem_shared>>
        tpu.enqueue_indirect_dma source(%arg11 : memref<128x128xf32, #tpu.memory_space<vmem>>) target(%dma_start3A_104 : memref<10240x128xf32, #tpu.memory_space<vmem_shared>>) offsets(%arg9 : memref<128xi32, #tpu.memory_space<vmem>>) semaphore(%run_scoped3A : memref<!tpu.dma_semaphore, #tpu.memory_space<semaphore_mem>>) {add = true}
        %dma_wait3A_105 = arith.constant 0 : i32
        %dma_wait3A_106 = arith.constant 0 : i32
        %dma_wait3A_107 = tpu.memref_slice %arg13[%dma_wait3A_105, %dma_wait3A_106] : memref<10240x128xf32, #tpu.memory_space<vmem_shared>> -> memref<10240x128xf32, #tpu.memory_space<vmem_shared>>
        tpu.wait_indirect_dma semaphore(%run_scoped3A : memref<!tpu.dma_semaphore, #tpu.memory_space<semaphore_mem>>) src(%arg11 : memref<128x128xf32, #tpu.memory_space<vmem>>) dst(%dma_wait3A_107 : memref<10240x128xf32, #tpu.memory_space<vmem_shared>>)
        tpu.yield
      }) : () -> ()
      %add3A_74 = arith.constant 2 : i32
      %add3A_75 = arith.addi %add3A_63, %add3A_74 : i32
      %lt3A_76 = arith.constant 78 : i32
      %lt3A_77 = arith.cmpi slt, %add3A_75, %lt3A_76 : i32
      %convert_element_type3A_78 = arith.extui %lt3A_77 : i1 to i32
      %cond3A_79 = arith.constant 0 : i32
      %cond3A_80 = arith.cmpi ne, %convert_element_type3A_78, %cond3A_79 : i32
      scf.if %cond3A_80 {
        %add3A_102 = arith.constant 2 : i32
        %add3A_103 = arith.addi %add3A_63, %add3A_102 : i32
        %mul3A_104 = arith.constant 32 : i32
        %mul3A_105 = arith.muli %add3A_103, %mul3A_104 : i32
        %add3A_106 = arith.addi %add3A, %mul3A_105 : i32
        %mul3A_107 = arith.constant 128 : i32
        %mul3A_108 = arith.muli %add3A_106, %mul3A_107 : i32
        %multiple_of3A_109 = tpu.assume_multiple %mul3A_108, 128 : i32
        %dma_start3A_110 = tpu.memref_slice %arg3[%multiple_of3A_109] : memref<320000xi32, #tpu.memory_space<hbm>> -> memref<128xi32, #tpu.memory_space<hbm>>
        %dma_start3A_111 = tpu.memref_slice %arg3[%multiple_of3A_109] : memref<320000xi32, #tpu.memory_space<hbm>> -> memref<128xi32, #tpu.memory_space<hbm>>
        tpu.enqueue_dma source(%dma_start3A_111 : memref<128xi32, #tpu.memory_space<hbm>>) target(%arg7 : memref<128xi32, #tpu.memory_space<vmem>>) target_semaphore(%arg14 : memref<!tpu.dma_semaphore, #tpu.memory_space<semaphore_mem>>)
        %mul3A_112 = arith.constant 32 : i32
        %mul3A_113 = arith.muli %add3A_103, %mul3A_112 : i32
        %add3A_114 = arith.addi %add3A, %mul3A_113 : i32
        %mul3A_115 = arith.constant 128 : i32
        %mul3A_116 = arith.muli %add3A_114, %mul3A_115 : i32
        %multiple_of3A_117 = tpu.assume_multiple %mul3A_116, 128 : i32
        %dma_start3A_118 = tpu.memref_slice %arg4[%multiple_of3A_117] : memref<320000xi32, #tpu.memory_space<hbm>> -> memref<128xi32, #tpu.memory_space<hbm>>
        %dma_start3A_119 = tpu.memref_slice %arg4[%multiple_of3A_117] : memref<320000xi32, #tpu.memory_space<hbm>> -> memref<128xi32, #tpu.memory_space<hbm>>
        tpu.enqueue_dma source(%dma_start3A_119 : memref<128xi32, #tpu.memory_space<hbm>>) target(%arg9 : memref<128xi32, #tpu.memory_space<vmem>>) target_semaphore(%arg14 : memref<!tpu.dma_semaphore, #tpu.memory_space<semaphore_mem>>)
      } else {
      }
      %mul3A_81 = arith.constant 2 : i32
      %mul3A_82 = arith.muli %scan3A_59, %mul3A_81 : i32
      %add3A_83 = arith.constant 1 : i32
      %add3A_84 = arith.addi %mul3A_82, %add3A_83 : i32
      %add3A_85 = arith.constant 1 : i32
      %add3A_86 = arith.addi %add3A_84, %add3A_85 : i32
      %lt3A_87 = arith.constant 78 : i32
      %lt3A_88 = arith.cmpi slt, %add3A_86, %lt3A_87 : i32
      %convert_element_type3A_89 = arith.extui %lt3A_88 : i1 to i32
      %cond3A_90 = arith.constant 0 : i32
      %cond3A_91 = arith.cmpi ne, %convert_element_type3A_89, %cond3A_90 : i32
      scf.if %cond3A_91 {
        %add3A_102 = arith.constant 1 : i32
        %add3A_103 = arith.addi %add3A_84, %add3A_102 : i32
        %mul3A_104 = arith.constant 32 : i32
        %mul3A_105 = arith.muli %add3A_103, %mul3A_104 : i32
        %add3A_106 = arith.addi %add3A, %mul3A_105 : i32
        %mul3A_107 = arith.constant 128 : i32
        %mul3A_108 = arith.muli %add3A_106, %mul3A_107 : i32
        %multiple_of3A_109 = tpu.assume_multiple %mul3A_108, 128 : i32
        %dma_wait3A_110 = tpu.memref_slice %arg3[%multiple_of3A_109] : memref<320000xi32, #tpu.memory_space<hbm>> -> memref<128xi32, #tpu.memory_space<hbm>>
        %dma_wait3A_111 = tpu.memref_slice %arg3[%multiple_of3A_109] : memref<320000xi32, #tpu.memory_space<hbm>> -> memref<128xi32, #tpu.memory_space<hbm>>
        tpu.wait_dma2 semaphore(%arg14 : memref<!tpu.dma_semaphore, #tpu.memory_space<semaphore_mem>>) src(%dma_wait3A_111 : memref<128xi32, #tpu.memory_space<hbm>>) dst(%arg7 : memref<128xi32, #tpu.memory_space<vmem>>)
        %mul3A_112 = arith.constant 32 : i32
        %mul3A_113 = arith.muli %add3A_103, %mul3A_112 : i32
        %add3A_114 = arith.addi %add3A, %mul3A_113 : i32
        %mul3A_115 = arith.constant 128 : i32
        %mul3A_116 = arith.muli %add3A_114, %mul3A_115 : i32
        %multiple_of3A_117 = tpu.assume_multiple %mul3A_116, 128 : i32
        %dma_wait3A_118 = tpu.memref_slice %arg4[%multiple_of3A_117] : memref<320000xi32, #tpu.memory_space<hbm>> -> memref<128xi32, #tpu.memory_space<hbm>>
        %dma_wait3A_119 = tpu.memref_slice %arg4[%multiple_of3A_117] : memref<320000xi32, #tpu.memory_space<hbm>> -> memref<128xi32, #tpu.memory_space<hbm>>
        tpu.wait_dma2 semaphore(%arg14 : memref<!tpu.dma_semaphore, #tpu.memory_space<semaphore_mem>>) src(%dma_wait3A_119 : memref<128xi32, #tpu.memory_space<hbm>>) dst(%arg9 : memref<128xi32, #tpu.memory_space<vmem>>)
        %dma_start3A_120 = arith.constant 0 : i32
        %dma_start3A_121 = arith.constant 0 : i32
        %dma_start3A_122 = tpu.memref_slice %arg2[%dma_start3A_120, %dma_start3A_121] : memref<10000x128xf32, #tpu.memory_space<hbm>> -> memref<10000x128xf32, #tpu.memory_space<hbm>>
        tpu.enqueue_indirect_dma source(%dma_start3A_122 : memref<10000x128xf32, #tpu.memory_space<hbm>>) target(%arg11 : memref<128x128xf32, #tpu.memory_space<vmem>>) offsets(%arg7 : memref<128xi32, #tpu.memory_space<vmem>>) semaphore(%arg16 : memref<!tpu.dma_semaphore, #tpu.memory_space<semaphore_mem>>)
      } else {
      }
      %dma_wait3A_92 = arith.constant 0 : i32
      %dma_wait3A_93 = arith.constant 0 : i32
      %dma_wait3A_94 = tpu.memref_slice %arg2[%dma_wait3A_92, %dma_wait3A_93] : memref<10000x128xf32, #tpu.memory_space<hbm>> -> memref<10000x128xf32, #tpu.memory_space<hbm>>
      tpu.wait_indirect_dma semaphore(%arg17 : memref<!tpu.dma_semaphore, #tpu.memory_space<semaphore_mem>>) src(%dma_wait3A_94 : memref<10000x128xf32, #tpu.memory_space<hbm>>) dst(%arg12 : memref<128x128xf32, #tpu.memory_space<vmem>>)
      "tpu.region"() ({
        %run_scoped3A = tpu.sem_alloc : memref<!tpu.dma_semaphore, #tpu.memory_space<semaphore_mem>>
        %dma_start3A_102 = arith.constant 0 : i32
        %dma_start3A_103 = arith.constant 0 : i32
        %dma_start3A_104 = tpu.memref_slice %arg13[%dma_start3A_102, %dma_start3A_103] : memref<10240x128xf32, #tpu.memory_space<vmem_shared>> -> memref<10240x128xf32, #tpu.memory_space<vmem_shared>>
        tpu.enqueue_indirect_dma source(%arg12 : memref<128x128xf32, #tpu.memory_space<vmem>>) target(%dma_start3A_104 : memref<10240x128xf32, #tpu.memory_space<vmem_shared>>) offsets(%arg10 : memref<128xi32, #tpu.memory_space<vmem>>) semaphore(%run_scoped3A : memref<!tpu.dma_semaphore, #tpu.memory_space<semaphore_mem>>) {add = true}
        %dma_wait3A_105 = arith.constant 0 : i32
        %dma_wait3A_106 = arith.constant 0 : i32
        %dma_wait3A_107 = tpu.memref_slice %arg13[%dma_wait3A_105, %dma_wait3A_106] : memref<10240x128xf32, #tpu.memory_space<vmem_shared>> -> memref<10240x128xf32, #tpu.memory_space<vmem_shared>>
        tpu.wait_indirect_dma semaphore(%run_scoped3A : memref<!tpu.dma_semaphore, #tpu.memory_space<semaphore_mem>>) src(%arg12 : memref<128x128xf32, #tpu.memory_space<vmem>>) dst(%dma_wait3A_107 : memref<10240x128xf32, #tpu.memory_space<vmem_shared>>)
        tpu.yield
      }) : () -> ()
      %add3A_95 = arith.constant 2 : i32
      %add3A_96 = arith.addi %add3A_84, %add3A_95 : i32
      %lt3A_97 = arith.constant 78 : i32
      %lt3A_98 = arith.cmpi slt, %add3A_96, %lt3A_97 : i32
      %convert_element_type3A_99 = arith.extui %lt3A_98 : i1 to i32
      %cond3A_100 = arith.constant 0 : i32
      %cond3A_101 = arith.cmpi ne, %convert_element_type3A_99, %cond3A_100 : i32
      scf.if %cond3A_101 {
        %add3A_102 = arith.constant 2 : i32
        %add3A_103 = arith.addi %add3A_84, %add3A_102 : i32
        %mul3A_104 = arith.constant 32 : i32
        %mul3A_105 = arith.muli %add3A_103, %mul3A_104 : i32
        %add3A_106 = arith.addi %add3A, %mul3A_105 : i32
        %mul3A_107 = arith.constant 128 : i32
        %mul3A_108 = arith.muli %add3A_106, %mul3A_107 : i32
        %multiple_of3A_109 = tpu.assume_multiple %mul3A_108, 128 : i32
        %dma_start3A_110 = tpu.memref_slice %arg3[%multiple_of3A_109] : memref<320000xi32, #tpu.memory_space<hbm>> -> memref<128xi32, #tpu.memory_space<hbm>>
        %dma_start3A_111 = tpu.memref_slice %arg3[%multiple_of3A_109] : memref<320000xi32, #tpu.memory_space<hbm>> -> memref<128xi32, #tpu.memory_space<hbm>>
        tpu.enqueue_dma source(%dma_start3A_111 : memref<128xi32, #tpu.memory_space<hbm>>) target(%arg8 : memref<128xi32, #tpu.memory_space<vmem>>) target_semaphore(%arg15 : memref<!tpu.dma_semaphore, #tpu.memory_space<semaphore_mem>>)
        %mul3A_112 = arith.constant 32 : i32
        %mul3A_113 = arith.muli %add3A_103, %mul3A_112 : i32
        %add3A_114 = arith.addi %add3A, %mul3A_113 : i32
        %mul3A_115 = arith.constant 128 : i32
        %mul3A_116 = arith.muli %add3A_114, %mul3A_115 : i32
        %multiple_of3A_117 = tpu.assume_multiple %mul3A_116, 128 : i32
        %dma_start3A_118 = tpu.memref_slice %arg4[%multiple_of3A_117] : memref<320000xi32, #tpu.memory_space<hbm>> -> memref<128xi32, #tpu.memory_space<hbm>>
        %dma_start3A_119 = tpu.memref_slice %arg4[%multiple_of3A_117] : memref<320000xi32, #tpu.memory_space<hbm>> -> memref<128xi32, #tpu.memory_space<hbm>>
        tpu.enqueue_dma source(%dma_start3A_119 : memref<128xi32, #tpu.memory_space<hbm>>) target(%arg10 : memref<128xi32, #tpu.memory_space<vmem>>) target_semaphore(%arg15 : memref<!tpu.dma_semaphore, #tpu.memory_space<semaphore_mem>>)
      } else {
      }
    }
    %scan3A_51 = arith.constant 39 : i32
    %lt3A = arith.constant 4 : i32
    %lt3A_52 = arith.cmpi slt, %add3A, %lt3A : i32
    %convert_element_type3A = arith.extui %lt3A_52 : i1 to i32
    %cond3A = arith.constant 0 : i32
    %cond3A_53 = arith.cmpi ne, %convert_element_type3A, %cond3A : i32
    scf.if %cond3A_53 {
      %add3A_59 = arith.constant 2496 : i32
      %add3A_60 = arith.addi %add3A, %add3A_59 : i32
      %mul3A_61 = arith.constant 128 : i32
      %mul3A_62 = arith.muli %add3A_60, %mul3A_61 : i32
      %multiple_of3A_63 = tpu.assume_multiple %mul3A_62, 128 : i32
      "tpu.region"() ({
        %run_scoped3A = tpu.sem_alloc : memref<!tpu.dma_semaphore, #tpu.memory_space<semaphore_mem>>
        %dma_start3A_70 = tpu.memref_slice %arg3[%multiple_of3A_63] : memref<320000xi32, #tpu.memory_space<hbm>> -> memref<128xi32, #tpu.memory_space<hbm>>
        %dma_start3A_71 = tpu.memref_slice %arg3[%multiple_of3A_63] : memref<320000xi32, #tpu.memory_space<hbm>> -> memref<128xi32, #tpu.memory_space<hbm>>
        tpu.enqueue_dma source(%dma_start3A_71 : memref<128xi32, #tpu.memory_space<hbm>>) target(%arg7 : memref<128xi32, #tpu.memory_space<vmem>>) target_semaphore(%run_scoped3A : memref<!tpu.dma_semaphore, #tpu.memory_space<semaphore_mem>>)
        %dma_wait3A_72 = tpu.memref_slice %arg3[%multiple_of3A_63] : memref<320000xi32, #tpu.memory_space<hbm>> -> memref<128xi32, #tpu.memory_space<hbm>>
        %dma_wait3A_73 = tpu.memref_slice %arg3[%multiple_of3A_63] : memref<320000xi32, #tpu.memory_space<hbm>> -> memref<128xi32, #tpu.memory_space<hbm>>
        tpu.wait_dma2 semaphore(%run_scoped3A : memref<!tpu.dma_semaphore, #tpu.memory_space<semaphore_mem>>) src(%dma_wait3A_73 : memref<128xi32, #tpu.memory_space<hbm>>) dst(%arg7 : memref<128xi32, #tpu.memory_space<vmem>>)
        tpu.yield
      }) : () -> ()
      "tpu.region"() ({
        %run_scoped3A = tpu.sem_alloc : memref<!tpu.dma_semaphore, #tpu.memory_space<semaphore_mem>>
        %dma_start3A_70 = tpu.memref_slice %arg4[%multiple_of3A_63] : memref<320000xi32, #tpu.memory_space<hbm>> -> memref<128xi32, #tpu.memory_space<hbm>>
        %dma_start3A_71 = tpu.memref_slice %arg4[%multiple_of3A_63] : memref<320000xi32, #tpu.memory_space<hbm>> -> memref<128xi32, #tpu.memory_space<hbm>>
        tpu.enqueue_dma source(%dma_start3A_71 : memref<128xi32, #tpu.memory_space<hbm>>) target(%arg9 : memref<128xi32, #tpu.memory_space<vmem>>) target_semaphore(%run_scoped3A : memref<!tpu.dma_semaphore, #tpu.memory_space<semaphore_mem>>)
        %dma_wait3A_72 = tpu.memref_slice %arg4[%multiple_of3A_63] : memref<320000xi32, #tpu.memory_space<hbm>> -> memref<128xi32, #tpu.memory_space<hbm>>
        %dma_wait3A_73 = tpu.memref_slice %arg4[%multiple_of3A_63] : memref<320000xi32, #tpu.memory_space<hbm>> -> memref<128xi32, #tpu.memory_space<hbm>>
        tpu.wait_dma2 semaphore(%run_scoped3A : memref<!tpu.dma_semaphore, #tpu.memory_space<semaphore_mem>>) src(%dma_wait3A_73 : memref<128xi32, #tpu.memory_space<hbm>>) dst(%arg9 : memref<128xi32, #tpu.memory_space<vmem>>)
        tpu.yield
      }) : () -> ()
      %dma_start3A_64 = arith.constant 0 : i32
      %dma_start3A_65 = arith.constant 0 : i32
      %dma_start3A_66 = tpu.memref_slice %arg2[%dma_start3A_64, %dma_start3A_65] : memref<10000x128xf32, #tpu.memory_space<hbm>> -> memref<10000x128xf32, #tpu.memory_space<hbm>>
      tpu.enqueue_indirect_dma source(%dma_start3A_66 : memref<10000x128xf32, #tpu.memory_space<hbm>>) target(%arg11 : memref<128x128xf32, #tpu.memory_space<vmem>>) offsets(%arg7 : memref<128xi32, #tpu.memory_space<vmem>>) semaphore(%arg16 : memref<!tpu.dma_semaphore, #tpu.memory_space<semaphore_mem>>)
      %dma_wait3A_67 = arith.constant 0 : i32
      %dma_wait3A_68 = arith.constant 0 : i32
      %dma_wait3A_69 = tpu.memref_slice %arg2[%dma_wait3A_67, %dma_wait3A_68] : memref<10000x128xf32, #tpu.memory_space<hbm>> -> memref<10000x128xf32, #tpu.memory_space<hbm>>
      tpu.wait_indirect_dma semaphore(%arg16 : memref<!tpu.dma_semaphore, #tpu.memory_space<semaphore_mem>>) src(%dma_wait3A_69 : memref<10000x128xf32, #tpu.memory_space<hbm>>) dst(%arg11 : memref<128x128xf32, #tpu.memory_space<vmem>>)
      "tpu.region"() ({
        %run_scoped3A = tpu.sem_alloc : memref<!tpu.dma_semaphore, #tpu.memory_space<semaphore_mem>>
        %dma_start3A_70 = arith.constant 0 : i32
        %dma_start3A_71 = arith.constant 0 : i32
        %dma_start3A_72 = tpu.memref_slice %arg13[%dma_start3A_70, %dma_start3A_71] : memref<10240x128xf32, #tpu.memory_space<vmem_shared>> -> memref<10240x128xf32, #tpu.memory_space<vmem_shared>>
        tpu.enqueue_indirect_dma source(%arg11 : memref<128x128xf32, #tpu.memory_space<vmem>>) target(%dma_start3A_72 : memref<10240x128xf32, #tpu.memory_space<vmem_shared>>) offsets(%arg9 : memref<128xi32, #tpu.memory_space<vmem>>) semaphore(%run_scoped3A : memref<!tpu.dma_semaphore, #tpu.memory_space<semaphore_mem>>) {add = true}
        %dma_wait3A_73 = arith.constant 0 : i32
        %dma_wait3A_74 = arith.constant 0 : i32
        %dma_wait3A_75 = tpu.memref_slice %arg13[%dma_wait3A_73, %dma_wait3A_74] : memref<10240x128xf32, #tpu.memory_space<vmem_shared>> -> memref<10240x128xf32, #tpu.memory_space<vmem_shared>>
        tpu.wait_indirect_dma semaphore(%run_scoped3A : memref<!tpu.dma_semaphore, #tpu.memory_space<semaphore_mem>>) src(%arg11 : memref<128x128xf32, #tpu.memory_space<vmem>>) dst(%dma_wait3A_75 : memref<10240x128xf32, #tpu.memory_space<vmem_shared>>)
        tpu.yield
      }) : () -> ()
    } else {
    }
    %barrier3A_54 = arith.constant 0 : index
    tpu.barrier barrier_id(%barrier3A_54)
    %mul3A_55 = arith.constant 640 : i32
    %mul3A_56 = arith.muli %arg1, %mul3A_55 : i32
    %mul3A_57 = arith.constant 640 : i32
    %mul3A_58 = arith.muli %arg1, %mul3A_57 : i32
    "tpu.region"() ({
      %run_scoped3A = tpu.sem_alloc : memref<!tpu.dma_semaphore, #tpu.memory_space<semaphore_mem>>
      %dma_start3A_59 = arith.constant 0 : i32
      %dma_start3A_60 = arith.constant 0 : i32
      %dma_start3A_61 = tpu.memref_slice %arg6[%arg0, %dma_start3A_59, %dma_start3A_60] : memref<2x10240x128xf32, #tpu.memory_space<hbm>> -> memref<1x10240x128xf32, #tpu.memory_space<hbm>>
      %dma_start3A_62 = tpu.memref_squeeze %dma_start3A_61 : memref<1x10240x128xf32, #tpu.memory_space<hbm>> -> memref<10240x128xf32, #tpu.memory_space<hbm>>
      %dma_start3A_63 = arith.constant 0 : i32
      %dma_start3A_64 = tpu.memref_slice %dma_start3A_62[%mul3A_58, %dma_start3A_63] : memref<10240x128xf32, #tpu.memory_space<hbm>> -> memref<640x128xf32, #tpu.memory_space<hbm>>
      %dma_start3A_65 = arith.constant 0 : i32
      %dma_start3A_66 = tpu.memref_slice %arg13[%mul3A_56, %dma_start3A_65] : memref<10240x128xf32, #tpu.memory_space<vmem_shared>> -> memref<640x128xf32, #tpu.memory_space<vmem_shared>>
      tpu.enqueue_dma source(%dma_start3A_66 : memref<640x128xf32, #tpu.memory_space<vmem_shared>>) target(%dma_start3A_64 : memref<640x128xf32, #tpu.memory_space<hbm>>) target_semaphore(%run_scoped3A : memref<!tpu.dma_semaphore, #tpu.memory_space<semaphore_mem>>)
      %dma_wait3A_67 = arith.constant 0 : i32
      %dma_wait3A_68 = arith.constant 0 : i32
      %dma_wait3A_69 = tpu.memref_slice %arg6[%arg0, %dma_wait3A_67, %dma_wait3A_68] : memref<2x10240x128xf32, #tpu.memory_space<hbm>> -> memref<1x10240x128xf32, #tpu.memory_space<hbm>>
      %dma_wait3A_70 = tpu.memref_squeeze %dma_wait3A_69 : memref<1x10240x128xf32, #tpu.memory_space<hbm>> -> memref<10240x128xf32, #tpu.memory_space<hbm>>
      %dma_wait3A_71 = arith.constant 0 : i32
      %dma_wait3A_72 = tpu.memref_slice %dma_wait3A_70[%mul3A_58, %dma_wait3A_71] : memref<10240x128xf32, #tpu.memory_space<hbm>> -> memref<640x128xf32, #tpu.memory_space<hbm>>
      %dma_wait3A_73 = arith.constant 0 : i32
      %dma_wait3A_74 = tpu.memref_slice %arg13[%mul3A_56, %dma_wait3A_73] : memref<10240x128xf32, #tpu.memory_space<vmem_shared>> -> memref<640x128xf32, #tpu.memory_space<vmem_shared>>
      tpu.wait_dma2 semaphore(%run_scoped3A : memref<!tpu.dma_semaphore, #tpu.memory_space<semaphore_mem>>) src(%dma_wait3A_74 : memref<640x128xf32, #tpu.memory_space<vmem_shared>>) dst(%dma_wait3A_72 : memref<640x128xf32, #tpu.memory_space<hbm>>)
      tpu.yield
    }) : () -> ()
    return
  }
}

#map = affine_map<(d0, d1) -> (0, 0)>
#map1 = affine_map<(d0, d1) -> (0)>
#map2 = affine_map<(d0, d1) -> (0, 0, 0)>
module attributes {stable_mosaic.version = 14 : i64} {
  func.func @k(%arg0: i32, %arg1: i32, %arg2: memref<10000x128xf32, #tpu.memory_space<hbm>>, %arg3: memref<320000xi32, #tpu.memory_space<hbm>>, %arg4: memref<320000xi32, #tpu.memory_space<hbm>>, %arg5: memref<10240x128xf32, #tpu.memory_space<hbm>>, %arg6: memref<2x10240x128xf32, #tpu.memory_space<hbm>>, %arg7: memref<128xi32, #tpu.memory_space<vmem>>, %arg8: memref<128xi32, #tpu.memory_space<vmem>>, %arg9: memref<128xi32, #tpu.memory_space<vmem>>, %arg10: memref<128xi32, #tpu.memory_space<vmem>>, %arg11: memref<128x128xf32, #tpu.memory_space<vmem>>, %arg12: memref<128x128xf32, #tpu.memory_space<vmem>>, %arg13: memref<10240x128xf32, #tpu.memory_space<vmem_shared>>, %arg14: memref<!tpu.dma_semaphore, #tpu.memory_space<semaphore_mem>>, %arg15: memref<!tpu.dma_semaphore, #tpu.memory_space<semaphore_mem>>, %arg16: memref<!tpu.dma_semaphore, #tpu.memory_space<semaphore_mem>>, %arg17: memref<!tpu.dma_semaphore, #tpu.memory_space<semaphore_mem>>) attributes {dimension_semantics = [#tpu.dimension_semantics<core_parallel>, #tpu.dimension_semantics<subcore_parallel>], iteration_bounds = array<i64: 2, 16>, scalar_prefetch = 0 : i64, scratch_operands = 11 : i64, tpu.core_type = #tpu.core_type<sc_vector_subcore>, window_params = [{transform_indices = #map}, {transform_indices = #map1}, {transform_indices = #map1}, {transform_indices = #map}, {transform_indices = #map2}]} {
    %mul3A = arith.constant 2 : i32
    %mul3A_0 = arith.muli %arg1, %mul3A : i32
    %add3A = arith.addi %mul3A_0, %arg0 : i32
    %add3A_1 = arith.constant 0 : i32
    %add3A_2 = arith.addi %add3A, %add3A_1 : i32
    %mul3A_3 = arith.constant 128 : i32
    %mul3A_4 = arith.muli %add3A_2, %mul3A_3 : i32
    %multiple_of3A = tpu.assume_multiple %mul3A_4, 128 : i32
    %dma_start3A = tpu.memref_slice %arg3[%multiple_of3A] : memref<320000xi32, #tpu.memory_space<hbm>> -> memref<128xi32, #tpu.memory_space<hbm>>
    %dma_start3A_5 = tpu.memref_slice %arg3[%multiple_of3A] : memref<320000xi32, #tpu.memory_space<hbm>> -> memref<128xi32, #tpu.memory_space<hbm>>
    tpu.enqueue_dma source(%dma_start3A_5 : memref<128xi32, #tpu.memory_space<hbm>>) target(%arg7 : memref<128xi32, #tpu.memory_space<vmem>>) target_semaphore(%arg14 : memref<!tpu.dma_semaphore, #tpu.memory_space<semaphore_mem>>)
    %add3A_6 = arith.constant 0 : i32
    %add3A_7 = arith.addi %add3A, %add3A_6 : i32
    %mul3A_8 = arith.constant 128 : i32
    %mul3A_9 = arith.muli %add3A_7, %mul3A_8 : i32
    %multiple_of3A_10 = tpu.assume_multiple %mul3A_9, 128 : i32
    %dma_start3A_11 = tpu.memref_slice %arg4[%multiple_of3A_10] : memref<320000xi32, #tpu.memory_space<hbm>> -> memref<128xi32, #tpu.memory_space<hbm>>
    %dma_start3A_12 = tpu.memref_slice %arg4[%multiple_of3A_10] : memref<320000xi32, #tpu.memory_space<hbm>> -> memref<128xi32, #tpu.memory_space<hbm>>
    tpu.enqueue_dma source(%dma_start3A_12 : memref<128xi32, #tpu.memory_space<hbm>>) target(%arg9 : memref<128xi32, #tpu.memory_space<vmem>>) target_semaphore(%arg14 : memref<!tpu.dma_semaphore, #tpu.memory_space<semaphore_mem>>)
    %add3A_13 = arith.constant 32 : i32
    %add3A_14 = arith.addi %add3A, %add3A_13 : i32
    %mul3A_15 = arith.constant 128 : i32
    %mul3A_16 = arith.muli %add3A_14, %mul3A_15 : i32
    %multiple_of3A_17 = tpu.assume_multiple %mul3A_16, 128 : i32
    %dma_start3A_18 = tpu.memref_slice %arg3[%multiple_of3A_17] : memref<320000xi32, #tpu.memory_space<hbm>> -> memref<128xi32, #tpu.memory_space<hbm>>
    %dma_start3A_19 = tpu.memref_slice %arg3[%multiple_of3A_17] : memref<320000xi32, #tpu.memory_space<hbm>> -> memref<128xi32, #tpu.memory_space<hbm>>
    tpu.enqueue_dma source(%dma_start3A_19 : memref<128xi32, #tpu.memory_space<hbm>>) target(%arg8 : memref<128xi32, #tpu.memory_space<vmem>>) target_semaphore(%arg15 : memref<!tpu.dma_semaphore, #tpu.memory_space<semaphore_mem>>)
    %add3A_20 = arith.constant 32 : i32
    %add3A_21 = arith.addi %add3A, %add3A_20 : i32
    %mul3A_22 = arith.constant 128 : i32
    %mul3A_23 = arith.muli %add3A_21, %mul3A_22 : i32
    %multiple_of3A_24 = tpu.assume_multiple %mul3A_23, 128 : i32
    %dma_start3A_25 = tpu.memref_slice %arg4[%multiple_of3A_24] : memref<320000xi32, #tpu.memory_space<hbm>> -> memref<128xi32, #tpu.memory_space<hbm>>
    %dma_start3A_26 = tpu.memref_slice %arg4[%multiple_of3A_24] : memref<320000xi32, #tpu.memory_space<hbm>> -> memref<128xi32, #tpu.memory_space<hbm>>
    tpu.enqueue_dma source(%dma_start3A_26 : memref<128xi32, #tpu.memory_space<hbm>>) target(%arg10 : memref<128xi32, #tpu.memory_space<vmem>>) target_semaphore(%arg15 : memref<!tpu.dma_semaphore, #tpu.memory_space<semaphore_mem>>)
    %mul3A_27 = arith.constant 640 : i32
    %mul3A_28 = arith.muli %arg1, %mul3A_27 : i32
    %mul3A_29 = arith.constant 640 : i32
    %mul3A_30 = arith.muli %arg1, %mul3A_29 : i32
    "tpu.region"() ({
      %run_scoped3A = tpu.sem_alloc : memref<!tpu.dma_semaphore, #tpu.memory_space<semaphore_mem>>
      %dma_start3A_59 = arith.constant 0 : i32
      %dma_start3A_60 = tpu.memref_slice %arg13[%mul3A_30, %dma_start3A_59] : memref<10240x128xf32, #tpu.memory_space<vmem_shared>> -> memref<640x128xf32, #tpu.memory_space<vmem_shared>>
      %dma_start3A_61 = arith.constant 0 : i32
      %dma_start3A_62 = tpu.memref_slice %arg5[%mul3A_28, %dma_start3A_61] : memref<10240x128xf32, #tpu.memory_space<hbm>> -> memref<640x128xf32, #tpu.memory_space<hbm>>
      tpu.enqueue_dma source(%dma_start3A_62 : memref<640x128xf32, #tpu.memory_space<hbm>>) target(%dma_start3A_60 : memref<640x128xf32, #tpu.memory_space<vmem_shared>>) target_semaphore(%run_scoped3A : memref<!tpu.dma_semaphore, #tpu.memory_space<semaphore_mem>>)
      %dma_wait3A_63 = arith.constant 0 : i32
      %dma_wait3A_64 = tpu.memref_slice %arg13[%mul3A_30, %dma_wait3A_63] : memref<10240x128xf32, #tpu.memory_space<vmem_shared>> -> memref<640x128xf32, #tpu.memory_space<vmem_shared>>
      %dma_wait3A_65 = arith.constant 0 : i32
      %dma_wait3A_66 = tpu.memref_slice %arg5[%mul3A_28, %dma_wait3A_65] : memref<10240x128xf32, #tpu.memory_space<hbm>> -> memref<640x128xf32, #tpu.memory_space<hbm>>
      tpu.wait_dma2 semaphore(%run_scoped3A : memref<!tpu.dma_semaphore, #tpu.memory_space<semaphore_mem>>) src(%dma_wait3A_66 : memref<640x128xf32, #tpu.memory_space<hbm>>) dst(%dma_wait3A_64 : memref<640x128xf32, #tpu.memory_space<vmem_shared>>)
      tpu.yield
    }) : () -> ()
    %barrier3A = arith.constant 0 : index
    tpu.barrier barrier_id(%barrier3A)
    %add3A_31 = arith.constant 0 : i32
    %add3A_32 = arith.addi %add3A, %add3A_31 : i32
    %mul3A_33 = arith.constant 128 : i32
    %mul3A_34 = arith.muli %add3A_32, %mul3A_33 : i32
    %multiple_of3A_35 = tpu.assume_multiple %mul3A_34, 128 : i32
    %dma_wait3A = tpu.memref_slice %arg3[%multiple_of3A_35] : memref<320000xi32, #tpu.memory_space<hbm>> -> memref<128xi32, #tpu.memory_space<hbm>>
    %dma_wait3A_36 = tpu.memref_slice %arg3[%multiple_of3A_35] : memref<320000xi32, #tpu.memory_space<hbm>> -> memref<128xi32, #tpu.memory_space<hbm>>
    tpu.wait_dma2 semaphore(%arg14 : memref<!tpu.dma_semaphore, #tpu.memory_space<semaphore_mem>>) src(%dma_wait3A_36 : memref<128xi32, #tpu.memory_space<hbm>>) dst(%arg7 : memref<128xi32, #tpu.memory_space<vmem>>)
    %add3A_37 = arith.constant 0 : i32
    %add3A_38 = arith.addi %add3A, %add3A_37 : i32
    %mul3A_39 = arith.constant 128 : i32
    %mul3A_40 = arith.muli %add3A_38, %mul3A_39 : i32
    %multiple_of3A_41 = tpu.assume_multiple %mul3A_40, 128 : i32
    %dma_wait3A_42 = tpu.memref_slice %arg4[%multiple_of3A_41] : memref<320000xi32, #tpu.memory_space<hbm>> -> memref<128xi32, #tpu.memory_space<hbm>>
    %dma_wait3A_43 = tpu.memref_slice %arg4[%multiple_of3A_41] : memref<320000xi32, #tpu.memory_space<hbm>> -> memref<128xi32, #tpu.memory_space<hbm>>
    tpu.wait_dma2 semaphore(%arg14 : memref<!tpu.dma_semaphore, #tpu.memory_space<semaphore_mem>>) src(%dma_wait3A_43 : memref<128xi32, #tpu.memory_space<hbm>>) dst(%arg9 : memref<128xi32, #tpu.memory_space<vmem>>)
    %dma_start3A_44 = arith.constant 0 : i32
    %dma_start3A_45 = arith.constant 0 : i32
    %dma_start3A_46 = tpu.memref_slice %arg2[%dma_start3A_44, %dma_start3A_45] : memref<10000x128xf32, #tpu.memory_space<hbm>> -> memref<10000x128xf32, #tpu.memory_space<hbm>>
    tpu.enqueue_indirect_dma source(%dma_start3A_46 : memref<10000x128xf32, #tpu.memory_space<hbm>>) target(%arg11 : memref<128x128xf32, #tpu.memory_space<vmem>>) offsets(%arg7 : memref<128xi32, #tpu.memory_space<vmem>>) semaphore(%arg16 : memref<!tpu.dma_semaphore, #tpu.memory_space<semaphore_mem>>)
    %scan3A = arith.constant 0 : i32
    %scan3A_47 = arith.constant 0 : i32
    %scan3A_48 = arith.constant 39 : i32
    %scan3A_49 = arith.addi %scan3A_47, %scan3A_48 : i32
    %scan3A_50 = arith.constant 1 : i32
    scf.for %scan3A_59 = %scan3A_47 to %scan3A_49 step %scan3A_50  : i32 {
      %mul3A_60 = arith.constant 2 : i32
      %mul3A_61 = arith.muli %scan3A_59, %mul3A_60 : i32
      %add3A_62 = arith.constant 0 : i32
      %add3A_63 = arith.addi %mul3A_61, %add3A_62 : i32
      %add3A_64 = arith.constant 1 : i32
      %add3A_65 = arith.addi %add3A_63, %add3A_64 : i32
      %lt3A_66 = arith.constant 78 : i32
      %lt3A_67 = arith.cmpi slt, %add3A_65, %lt3A_66 : i32
      %convert_element_type3A_68 = arith.extui %lt3A_67 : i1 to i32
      %cond3A_69 = arith.constant 0 : i32
      %cond3A_70 = arith.cmpi ne, %convert_element_type3A_68, %cond3A_69 : i32
      scf.if %cond3A_70 {
        %add3A_102 = arith.constant 1 : i32
        %add3A_103 = arith.addi %add3A_63, %add3A_102 : i32
        %mul3A_104 = arith.constant 32 : i32
        %mul3A_105 = arith.muli %add3A_103, %mul3A_104 : i32
        %add3A_106 = arith.addi %add3A, %mul3A_105 : i32
        %mul3A_107 = arith.constant 128 : i32
        %mul3A_108 = arith.muli %add3A_106, %mul3A_107 : i32
        %multiple_of3A_109 = tpu.assume_multiple %mul3A_108, 128 : i32
        %dma_wait3A_110 = tpu.memref_slice %arg3[%multiple_of3A_109] : memref<320000xi32, #tpu.memory_space<hbm>> -> memref<128xi32, #tpu.memory_space<hbm>>
        %dma_wait3A_111 = tpu.memref_slice %arg3[%multiple_of3A_109] : memref<320000xi32, #tpu.memory_space<hbm>> -> memref<128xi32, #tpu.memory_space<hbm>>
        tpu.wait_dma2 semaphore(%arg15 : memref<!tpu.dma_semaphore, #tpu.memory_space<semaphore_mem>>) src(%dma_wait3A_111 : memref<128xi32, #tpu.memory_space<hbm>>) dst(%arg8 : memref<128xi32, #tpu.memory_space<vmem>>)
        %mul3A_112 = arith.constant 32 : i32
        %mul3A_113 = arith.muli %add3A_103, %mul3A_112 : i32
        %add3A_114 = arith.addi %add3A, %mul3A_113 : i32
        %mul3A_115 = arith.constant 128 : i32
        %mul3A_116 = arith.muli %add3A_114, %mul3A_115 : i32
        %multiple_of3A_117 = tpu.assume_multiple %mul3A_116, 128 : i32
        %dma_wait3A_118 = tpu.memref_slice %arg4[%multiple_of3A_117] : memref<320000xi32, #tpu.memory_space<hbm>> -> memref<128xi32, #tpu.memory_space<hbm>>
        %dma_wait3A_119 = tpu.memref_slice %arg4[%multiple_of3A_117] : memref<320000xi32, #tpu.memory_space<hbm>> -> memref<128xi32, #tpu.memory_space<hbm>>
        tpu.wait_dma2 semaphore(%arg15 : memref<!tpu.dma_semaphore, #tpu.memory_space<semaphore_mem>>) src(%dma_wait3A_119 : memref<128xi32, #tpu.memory_space<hbm>>) dst(%arg10 : memref<128xi32, #tpu.memory_space<vmem>>)
        %dma_start3A_120 = arith.constant 0 : i32
        %dma_start3A_121 = arith.constant 0 : i32
        %dma_start3A_122 = tpu.memref_slice %arg2[%dma_start3A_120, %dma_start3A_121] : memref<10000x128xf32, #tpu.memory_space<hbm>> -> memref<10000x128xf32, #tpu.memory_space<hbm>>
        tpu.enqueue_indirect_dma source(%dma_start3A_122 : memref<10000x128xf32, #tpu.memory_space<hbm>>) target(%arg12 : memref<128x128xf32, #tpu.memory_space<vmem>>) offsets(%arg8 : memref<128xi32, #tpu.memory_space<vmem>>) semaphore(%arg17 : memref<!tpu.dma_semaphore, #tpu.memory_space<semaphore_mem>>)
      } else {
      }
      %dma_wait3A_71 = arith.constant 0 : i32
      %dma_wait3A_72 = arith.constant 0 : i32
      %dma_wait3A_73 = tpu.memref_slice %arg2[%dma_wait3A_71, %dma_wait3A_72] : memref<10000x128xf32, #tpu.memory_space<hbm>> -> memref<10000x128xf32, #tpu.memory_space<hbm>>
      tpu.wait_indirect_dma semaphore(%arg16 : memref<!tpu.dma_semaphore, #tpu.memory_space<semaphore_mem>>) src(%dma_wait3A_73 : memref<10000x128xf32, #tpu.memory_space<hbm>>) dst(%arg11 : memref<128x128xf32, #tpu.memory_space<vmem>>)
      "tpu.region"() ({
        %run_scoped3A = tpu.sem_alloc : memref<!tpu.dma_semaphore, #tpu.memory_space<semaphore_mem>>
        %dma_start3A_102 = arith.constant 0 : i32
        %dma_start3A_103 = arith.constant 0 : i32
        %dma_start3A_104 = tpu.memref_slice %arg13[%dma_start3A_102, %dma_start3A_103] : memref<10240x128xf32, #tpu.memory_space<vmem_shared>> -> memref<10240x128xf32, #tpu.memory_space<vmem_shared>>
        tpu.enqueue_indirect_dma source(%arg11 : memref<128x128xf32, #tpu.memory_space<vmem>>) target(%dma_start3A_104 : memref<10240x128xf32, #tpu.memory_space<vmem_shared>>) offsets(%arg9 : memref<128xi32, #tpu.memory_space<vmem>>) semaphore(%run_scoped3A : memref<!tpu.dma_semaphore, #tpu.memory_space<semaphore_mem>>) {add = true}
        %dma_wait3A_105 = arith.constant 0 : i32
        %dma_wait3A_106 = arith.constant 0 : i32
        %dma_wait3A_107 = tpu.memref_slice %arg13[%dma_wait3A_105, %dma_wait3A_106] : memref<10240x128xf32, #tpu.memory_space<vmem_shared>> -> memref<10240x128xf32, #tpu.memory_space<vmem_shared>>
        tpu.wait_indirect_dma semaphore(%run_scoped3A : memref<!tpu.dma_semaphore, #tpu.memory_space<semaphore_mem>>) src(%arg11 : memref<128x128xf32, #tpu.memory_space<vmem>>) dst(%dma_wait3A_107 : memref<10240x128xf32, #tpu.memory_space<vmem_shared>>)
        tpu.yield
      }) : () -> ()
      %add3A_74 = arith.constant 2 : i32
      %add3A_75 = arith.addi %add3A_63, %add3A_74 : i32
      %lt3A_76 = arith.constant 78 : i32
      %lt3A_77 = arith.cmpi slt, %add3A_75, %lt3A_76 : i32
      %convert_element_type3A_78 = arith.extui %lt3A_77 : i1 to i32
      %cond3A_79 = arith.constant 0 : i32
      %cond3A_80 = arith.cmpi ne, %convert_element_type3A_78, %cond3A_79 : i32
      scf.if %cond3A_80 {
        %add3A_102 = arith.constant 2 : i32
        %add3A_103 = arith.addi %add3A_63, %add3A_102 : i32
        %mul3A_104 = arith.constant 32 : i32
        %mul3A_105 = arith.muli %add3A_103, %mul3A_104 : i32
        %add3A_106 = arith.addi %add3A, %mul3A_105 : i32
        %mul3A_107 = arith.constant 128 : i32
        %mul3A_108 = arith.muli %add3A_106, %mul3A_107 : i32
        %multiple_of3A_109 = tpu.assume_multiple %mul3A_108, 128 : i32
        %dma_start3A_110 = tpu.memref_slice %arg3[%multiple_of3A_109] : memref<320000xi32, #tpu.memory_space<hbm>> -> memref<128xi32, #tpu.memory_space<hbm>>
        %dma_start3A_111 = tpu.memref_slice %arg3[%multiple_of3A_109] : memref<320000xi32, #tpu.memory_space<hbm>> -> memref<128xi32, #tpu.memory_space<hbm>>
        tpu.enqueue_dma source(%dma_start3A_111 : memref<128xi32, #tpu.memory_space<hbm>>) target(%arg7 : memref<128xi32, #tpu.memory_space<vmem>>) target_semaphore(%arg14 : memref<!tpu.dma_semaphore, #tpu.memory_space<semaphore_mem>>)
        %mul3A_112 = arith.constant 32 : i32
        %mul3A_113 = arith.muli %add3A_103, %mul3A_112 : i32
        %add3A_114 = arith.addi %add3A, %mul3A_113 : i32
        %mul3A_115 = arith.constant 128 : i32
        %mul3A_116 = arith.muli %add3A_114, %mul3A_115 : i32
        %multiple_of3A_117 = tpu.assume_multiple %mul3A_116, 128 : i32
        %dma_start3A_118 = tpu.memref_slice %arg4[%multiple_of3A_117] : memref<320000xi32, #tpu.memory_space<hbm>> -> memref<128xi32, #tpu.memory_space<hbm>>
        %dma_start3A_119 = tpu.memref_slice %arg4[%multiple_of3A_117] : memref<320000xi32, #tpu.memory_space<hbm>> -> memref<128xi32, #tpu.memory_space<hbm>>
        tpu.enqueue_dma source(%dma_start3A_119 : memref<128xi32, #tpu.memory_space<hbm>>) target(%arg9 : memref<128xi32, #tpu.memory_space<vmem>>) target_semaphore(%arg14 : memref<!tpu.dma_semaphore, #tpu.memory_space<semaphore_mem>>)
      } else {
      }
      %mul3A_81 = arith.constant 2 : i32
      %mul3A_82 = arith.muli %scan3A_59, %mul3A_81 : i32
      %add3A_83 = arith.constant 1 : i32
      %add3A_84 = arith.addi %mul3A_82, %add3A_83 : i32
      %add3A_85 = arith.constant 1 : i32
      %add3A_86 = arith.addi %add3A_84, %add3A_85 : i32
      %lt3A_87 = arith.constant 78 : i32
      %lt3A_88 = arith.cmpi slt, %add3A_86, %lt3A_87 : i32
      %convert_element_type3A_89 = arith.extui %lt3A_88 : i1 to i32
      %cond3A_90 = arith.constant 0 : i32
      %cond3A_91 = arith.cmpi ne, %convert_element_type3A_89, %cond3A_90 : i32
      scf.if %cond3A_91 {
        %add3A_102 = arith.constant 1 : i32
        %add3A_103 = arith.addi %add3A_84, %add3A_102 : i32
        %mul3A_104 = arith.constant 32 : i32
        %mul3A_105 = arith.muli %add3A_103, %mul3A_104 : i32
        %add3A_106 = arith.addi %add3A, %mul3A_105 : i32
        %mul3A_107 = arith.constant 128 : i32
        %mul3A_108 = arith.muli %add3A_106, %mul3A_107 : i32
        %multiple_of3A_109 = tpu.assume_multiple %mul3A_108, 128 : i32
        %dma_wait3A_110 = tpu.memref_slice %arg3[%multiple_of3A_109] : memref<320000xi32, #tpu.memory_space<hbm>> -> memref<128xi32, #tpu.memory_space<hbm>>
        %dma_wait3A_111 = tpu.memref_slice %arg3[%multiple_of3A_109] : memref<320000xi32, #tpu.memory_space<hbm>> -> memref<128xi32, #tpu.memory_space<hbm>>
        tpu.wait_dma2 semaphore(%arg14 : memref<!tpu.dma_semaphore, #tpu.memory_space<semaphore_mem>>) src(%dma_wait3A_111 : memref<128xi32, #tpu.memory_space<hbm>>) dst(%arg7 : memref<128xi32, #tpu.memory_space<vmem>>)
        %mul3A_112 = arith.constant 32 : i32
        %mul3A_113 = arith.muli %add3A_103, %mul3A_112 : i32
        %add3A_114 = arith.addi %add3A, %mul3A_113 : i32
        %mul3A_115 = arith.constant 128 : i32
        %mul3A_116 = arith.muli %add3A_114, %mul3A_115 : i32
        %multiple_of3A_117 = tpu.assume_multiple %mul3A_116, 128 : i32
        %dma_wait3A_118 = tpu.memref_slice %arg4[%multiple_of3A_117] : memref<320000xi32, #tpu.memory_space<hbm>> -> memref<128xi32, #tpu.memory_space<hbm>>
        %dma_wait3A_119 = tpu.memref_slice %arg4[%multiple_of3A_117] : memref<320000xi32, #tpu.memory_space<hbm>> -> memref<128xi32, #tpu.memory_space<hbm>>
        tpu.wait_dma2 semaphore(%arg14 : memref<!tpu.dma_semaphore, #tpu.memory_space<semaphore_mem>>) src(%dma_wait3A_119 : memref<128xi32, #tpu.memory_space<hbm>>) dst(%arg9 : memref<128xi32, #tpu.memory_space<vmem>>)
        %dma_start3A_120 = arith.constant 0 : i32
        %dma_start3A_121 = arith.constant 0 : i32
        %dma_start3A_122 = tpu.memref_slice %arg2[%dma_start3A_120, %dma_start3A_121] : memref<10000x128xf32, #tpu.memory_space<hbm>> -> memref<10000x128xf32, #tpu.memory_space<hbm>>
        tpu.enqueue_indirect_dma source(%dma_start3A_122 : memref<10000x128xf32, #tpu.memory_space<hbm>>) target(%arg11 : memref<128x128xf32, #tpu.memory_space<vmem>>) offsets(%arg7 : memref<128xi32, #tpu.memory_space<vmem>>) semaphore(%arg16 : memref<!tpu.dma_semaphore, #tpu.memory_space<semaphore_mem>>)
      } else {
      }
      %dma_wait3A_92 = arith.constant 0 : i32
      %dma_wait3A_93 = arith.constant 0 : i32
      %dma_wait3A_94 = tpu.memref_slice %arg2[%dma_wait3A_92, %dma_wait3A_93] : memref<10000x128xf32, #tpu.memory_space<hbm>> -> memref<10000x128xf32, #tpu.memory_space<hbm>>
      tpu.wait_indirect_dma semaphore(%arg17 : memref<!tpu.dma_semaphore, #tpu.memory_space<semaphore_mem>>) src(%dma_wait3A_94 : memref<10000x128xf32, #tpu.memory_space<hbm>>) dst(%arg12 : memref<128x128xf32, #tpu.memory_space<vmem>>)
      "tpu.region"() ({
        %run_scoped3A = tpu.sem_alloc : memref<!tpu.dma_semaphore, #tpu.memory_space<semaphore_mem>>
        %dma_start3A_102 = arith.constant 0 : i32
        %dma_start3A_103 = arith.constant 0 : i32
        %dma_start3A_104 = tpu.memref_slice %arg13[%dma_start3A_102, %dma_start3A_103] : memref<10240x128xf32, #tpu.memory_space<vmem_shared>> -> memref<10240x128xf32, #tpu.memory_space<vmem_shared>>
        tpu.enqueue_indirect_dma source(%arg12 : memref<128x128xf32, #tpu.memory_space<vmem>>) target(%dma_start3A_104 : memref<10240x128xf32, #tpu.memory_space<vmem_shared>>) offsets(%arg10 : memref<128xi32, #tpu.memory_space<vmem>>) semaphore(%run_scoped3A : memref<!tpu.dma_semaphore, #tpu.memory_space<semaphore_mem>>) {add = true}
        %dma_wait3A_105 = arith.constant 0 : i32
        %dma_wait3A_106 = arith.constant 0 : i32
        %dma_wait3A_107 = tpu.memref_slice %arg13[%dma_wait3A_105, %dma_wait3A_106] : memref<10240x128xf32, #tpu.memory_space<vmem_shared>> -> memref<10240x128xf32, #tpu.memory_space<vmem_shared>>
        tpu.wait_indirect_dma semaphore(%run_scoped3A : memref<!tpu.dma_semaphore, #tpu.memory_space<semaphore_mem>>) src(%arg12 : memref<128x128xf32, #tpu.memory_space<vmem>>) dst(%dma_wait3A_107 : memref<10240x128xf32, #tpu.memory_space<vmem_shared>>)
        tpu.yield
      }) : () -> ()
      %add3A_95 = arith.constant 2 : i32
      %add3A_96 = arith.addi %add3A_84, %add3A_95 : i32
      %lt3A_97 = arith.constant 78 : i32
      %lt3A_98 = arith.cmpi slt, %add3A_96, %lt3A_97 : i32
      %convert_element_type3A_99 = arith.extui %lt3A_98 : i1 to i32
      %cond3A_100 = arith.constant 0 : i32
      %cond3A_101 = arith.cmpi ne, %convert_element_type3A_99, %cond3A_100 : i32
      scf.if %cond3A_101 {
        %add3A_102 = arith.constant 2 : i32
        %add3A_103 = arith.addi %add3A_84, %add3A_102 : i32
        %mul3A_104 = arith.constant 32 : i32
        %mul3A_105 = arith.muli %add3A_103, %mul3A_104 : i32
        %add3A_106 = arith.addi %add3A, %mul3A_105 : i32
        %mul3A_107 = arith.constant 128 : i32
        %mul3A_108 = arith.muli %add3A_106, %mul3A_107 : i32
        %multiple_of3A_109 = tpu.assume_multiple %mul3A_108, 128 : i32
        %dma_start3A_110 = tpu.memref_slice %arg3[%multiple_of3A_109] : memref<320000xi32, #tpu.memory_space<hbm>> -> memref<128xi32, #tpu.memory_space<hbm>>
        %dma_start3A_111 = tpu.memref_slice %arg3[%multiple_of3A_109] : memref<320000xi32, #tpu.memory_space<hbm>> -> memref<128xi32, #tpu.memory_space<hbm>>
        tpu.enqueue_dma source(%dma_start3A_111 : memref<128xi32, #tpu.memory_space<hbm>>) target(%arg8 : memref<128xi32, #tpu.memory_space<vmem>>) target_semaphore(%arg15 : memref<!tpu.dma_semaphore, #tpu.memory_space<semaphore_mem>>)
        %mul3A_112 = arith.constant 32 : i32
        %mul3A_113 = arith.muli %add3A_103, %mul3A_112 : i32
        %add3A_114 = arith.addi %add3A, %mul3A_113 : i32
        %mul3A_115 = arith.constant 128 : i32
        %mul3A_116 = arith.muli %add3A_114, %mul3A_115 : i32
        %multiple_of3A_117 = tpu.assume_multiple %mul3A_116, 128 : i32
        %dma_start3A_118 = tpu.memref_slice %arg4[%multiple_of3A_117] : memref<320000xi32, #tpu.memory_space<hbm>> -> memref<128xi32, #tpu.memory_space<hbm>>
        %dma_start3A_119 = tpu.memref_slice %arg4[%multiple_of3A_117] : memref<320000xi32, #tpu.memory_space<hbm>> -> memref<128xi32, #tpu.memory_space<hbm>>
        tpu.enqueue_dma source(%dma_start3A_119 : memref<128xi32, #tpu.memory_space<hbm>>) target(%arg10 : memref<128xi32, #tpu.memory_space<vmem>>) target_semaphore(%arg15 : memref<!tpu.dma_semaphore, #tpu.memory_space<semaphore_mem>>)
      } else {
      }
    }
    %scan3A_51 = arith.constant 39 : i32
    %lt3A = arith.constant 4 : i32
    %lt3A_52 = arith.cmpi slt, %add3A, %lt3A : i32
    %convert_element_type3A = arith.extui %lt3A_52 : i1 to i32
    %cond3A = arith.constant 0 : i32
    %cond3A_53 = arith.cmpi ne, %convert_element_type3A, %cond3A : i32
    scf.if %cond3A_53 {
      %add3A_59 = arith.constant 2496 : i32
      %add3A_60 = arith.addi %add3A, %add3A_59 : i32
      %mul3A_61 = arith.constant 128 : i32
      %mul3A_62 = arith.muli %add3A_60, %mul3A_61 : i32
      %multiple_of3A_63 = tpu.assume_multiple %mul3A_62, 128 : i32
      "tpu.region"() ({
        %run_scoped3A = tpu.sem_alloc : memref<!tpu.dma_semaphore, #tpu.memory_space<semaphore_mem>>
        %dma_start3A_70 = tpu.memref_slice %arg3[%multiple_of3A_63] : memref<320000xi32, #tpu.memory_space<hbm>> -> memref<128xi32, #tpu.memory_space<hbm>>
        %dma_start3A_71 = tpu.memref_slice %arg3[%multiple_of3A_63] : memref<320000xi32, #tpu.memory_space<hbm>> -> memref<128xi32, #tpu.memory_space<hbm>>
        tpu.enqueue_dma source(%dma_start3A_71 : memref<128xi32, #tpu.memory_space<hbm>>) target(%arg7 : memref<128xi32, #tpu.memory_space<vmem>>) target_semaphore(%run_scoped3A : memref<!tpu.dma_semaphore, #tpu.memory_space<semaphore_mem>>)
        %dma_wait3A_72 = tpu.memref_slice %arg3[%multiple_of3A_63] : memref<320000xi32, #tpu.memory_space<hbm>> -> memref<128xi32, #tpu.memory_space<hbm>>
        %dma_wait3A_73 = tpu.memref_slice %arg3[%multiple_of3A_63] : memref<320000xi32, #tpu.memory_space<hbm>> -> memref<128xi32, #tpu.memory_space<hbm>>
        tpu.wait_dma2 semaphore(%run_scoped3A : memref<!tpu.dma_semaphore, #tpu.memory_space<semaphore_mem>>) src(%dma_wait3A_73 : memref<128xi32, #tpu.memory_space<hbm>>) dst(%arg7 : memref<128xi32, #tpu.memory_space<vmem>>)
        tpu.yield
      }) : () -> ()
      "tpu.region"() ({
        %run_scoped3A = tpu.sem_alloc : memref<!tpu.dma_semaphore, #tpu.memory_space<semaphore_mem>>
        %dma_start3A_70 = tpu.memref_slice %arg4[%multiple_of3A_63] : memref<320000xi32, #tpu.memory_space<hbm>> -> memref<128xi32, #tpu.memory_space<hbm>>
        %dma_start3A_71 = tpu.memref_slice %arg4[%multiple_of3A_63] : memref<320000xi32, #tpu.memory_space<hbm>> -> memref<128xi32, #tpu.memory_space<hbm>>
        tpu.enqueue_dma source(%dma_start3A_71 : memref<128xi32, #tpu.memory_space<hbm>>) target(%arg9 : memref<128xi32, #tpu.memory_space<vmem>>) target_semaphore(%run_scoped3A : memref<!tpu.dma_semaphore, #tpu.memory_space<semaphore_mem>>)
        %dma_wait3A_72 = tpu.memref_slice %arg4[%multiple_of3A_63] : memref<320000xi32, #tpu.memory_space<hbm>> -> memref<128xi32, #tpu.memory_space<hbm>>
        %dma_wait3A_73 = tpu.memref_slice %arg4[%multiple_of3A_63] : memref<320000xi32, #tpu.memory_space<hbm>> -> memref<128xi32, #tpu.memory_space<hbm>>
        tpu.wait_dma2 semaphore(%run_scoped3A : memref<!tpu.dma_semaphore, #tpu.memory_space<semaphore_mem>>) src(%dma_wait3A_73 : memref<128xi32, #tpu.memory_space<hbm>>) dst(%arg9 : memref<128xi32, #tpu.memory_space<vmem>>)
        tpu.yield
      }) : () -> ()
      %dma_start3A_64 = arith.constant 0 : i32
      %dma_start3A_65 = arith.constant 0 : i32
      %dma_start3A_66 = tpu.memref_slice %arg2[%dma_start3A_64, %dma_start3A_65] : memref<10000x128xf32, #tpu.memory_space<hbm>> -> memref<10000x128xf32, #tpu.memory_space<hbm>>
      tpu.enqueue_indirect_dma source(%dma_start3A_66 : memref<10000x128xf32, #tpu.memory_space<hbm>>) target(%arg11 : memref<128x128xf32, #tpu.memory_space<vmem>>) offsets(%arg7 : memref<128xi32, #tpu.memory_space<vmem>>) semaphore(%arg16 : memref<!tpu.dma_semaphore, #tpu.memory_space<semaphore_mem>>)
      %dma_wait3A_67 = arith.constant 0 : i32
      %dma_wait3A_68 = arith.constant 0 : i32
      %dma_wait3A_69 = tpu.memref_slice %arg2[%dma_wait3A_67, %dma_wait3A_68] : memref<10000x128xf32, #tpu.memory_space<hbm>> -> memref<10000x128xf32, #tpu.memory_space<hbm>>
      tpu.wait_indirect_dma semaphore(%arg16 : memref<!tpu.dma_semaphore, #tpu.memory_space<semaphore_mem>>) src(%dma_wait3A_69 : memref<10000x128xf32, #tpu.memory_space<hbm>>) dst(%arg11 : memref<128x128xf32, #tpu.memory_space<vmem>>)
      "tpu.region"() ({
        %run_scoped3A = tpu.sem_alloc : memref<!tpu.dma_semaphore, #tpu.memory_space<semaphore_mem>>
        %dma_start3A_70 = arith.constant 0 : i32
        %dma_start3A_71 = arith.constant 0 : i32
        %dma_start3A_72 = tpu.memref_slice %arg13[%dma_start3A_70, %dma_start3A_71] : memref<10240x128xf32, #tpu.memory_space<vmem_shared>> -> memref<10240x128xf32, #tpu.memory_space<vmem_shared>>
        tpu.enqueue_indirect_dma source(%arg11 : memref<128x128xf32, #tpu.memory_space<vmem>>) target(%dma_start3A_72 : memref<10240x128xf32, #tpu.memory_space<vmem_shared>>) offsets(%arg9 : memref<128xi32, #tpu.memory_space<vmem>>) semaphore(%run_scoped3A : memref<!tpu.dma_semaphore, #tpu.memory_space<semaphore_mem>>) {add = true}
        %dma_wait3A_73 = arith.constant 0 : i32
        %dma_wait3A_74 = arith.constant 0 : i32
        %dma_wait3A_75 = tpu.memref_slice %arg13[%dma_wait3A_73, %dma_wait3A_74] : memref<10240x128xf32, #tpu.memory_space<vmem_shared>> -> memref<10240x128xf32, #tpu.memory_space<vmem_shared>>
        tpu.wait_indirect_dma semaphore(%run_scoped3A : memref<!tpu.dma_semaphore, #tpu.memory_space<semaphore_mem>>) src(%arg11 : memref<128x128xf32, #tpu.memory_space<vmem>>) dst(%dma_wait3A_75 : memref<10240x128xf32, #tpu.memory_space<vmem_shared>>)
        tpu.yield
      }) : () -> ()
    } else {
    }
    %barrier3A_54 = arith.constant 0 : index
    tpu.barrier barrier_id(%barrier3A_54)
    %mul3A_55 = arith.constant 640 : i32
    %mul3A_56 = arith.muli %arg1, %mul3A_55 : i32
    %mul3A_57 = arith.constant 640 : i32
    %mul3A_58 = arith.muli %arg1, %mul3A_57 : i32
    "tpu.region"() ({
      %run_scoped3A = tpu.sem_alloc : memref<!tpu.dma_semaphore, #tpu.memory_space<semaphore_mem>>
      %dma_start3A_59 = arith.constant 0 : i32
      %dma_start3A_60 = arith.constant 0 : i32
      %dma_start3A_61 = tpu.memref_slice %arg6[%arg0, %dma_start3A_59, %dma_start3A_60] : memref<2x10240x128xf32, #tpu.memory_space<hbm>> -> memref<1x10240x128xf32, #tpu.memory_space<hbm>>
      %dma_start3A_62 = tpu.memref_squeeze %dma_start3A_61 : memref<1x10240x128xf32, #tpu.memory_space<hbm>> -> memref<10240x128xf32, #tpu.memory_space<hbm>>
      %dma_start3A_63 = arith.constant 0 : i32
      %dma_start3A_64 = tpu.memref_slice %dma_start3A_62[%mul3A_58, %dma_start3A_63] : memref<10240x128xf32, #tpu.memory_space<hbm>> -> memref<640x128xf32, #tpu.memory_space<hbm>>
      %dma_start3A_65 = arith.constant 0 : i32
      %dma_start3A_66 = tpu.memref_slice %arg13[%mul3A_56, %dma_start3A_65] : memref<10240x128xf32, #tpu.memory_space<vmem_shared>> -> memref<640x128xf32, #tpu.memory_space<vmem_shared>>
      tpu.enqueue_dma source(%dma_start3A_66 : memref<640x128xf32, #tpu.memory_space<vmem_shared>>) target(%dma_start3A_64 : memref<640x128xf32, #tpu.memory_space<hbm>>) target_semaphore(%run_scoped3A : memref<!tpu.dma_semaphore, #tpu.memory_space<semaphore_mem>>)
      %dma_wait3A_67 = arith.constant 0 : i32
      %dma_wait3A_68 = arith.constant 0 : i32
      %dma_wait3A_69 = tpu.memref_slice %arg6[%arg0, %dma_wait3A_67, %dma_wait3A_68] : memref<2x10240x128xf32, #tpu.memory_space<hbm>> -> memref<1x10240x128xf32, #tpu.memory_space<hbm>>
      %dma_wait3A_70 = tpu.memref_squeeze %dma_wait3A_69 : memref<1x10240x128xf32, #tpu.memory_space<hbm>> -> memref<10240x128xf32, #tpu.memory_space<hbm>>
      %dma_wait3A_71 = arith.constant 0 : i32
      %dma_wait3A_72 = tpu.memref_slice %dma_wait3A_70[%mul3A_58, %dma_wait3A_71] : memref<10240x128xf32, #tpu.memory_space<hbm>> -> memref<640x128xf32, #tpu.memory_space<hbm>>
      %dma_wait3A_73 = arith.constant 0 : i32
      %dma_wait3A_74 = tpu.memref_slice %arg13[%mul3A_56, %dma_wait3A_73] : memref<10240x128xf32, #tpu.memory_space<vmem_shared>> -> memref<640x128xf32, #tpu.memory_space<vmem_shared>>
      tpu.wait_dma2 semaphore(%run_scoped3A : memref<!tpu.dma_semaphore, #tpu.memory_space<semaphore_mem>>) src(%dma_wait3A_74 : memref<640x128xf32, #tpu.memory_space<vmem_shared>>) dst(%dma_wait3A_72 : memref<640x128xf32, #tpu.memory_space<hbm>>)
      tpu.yield
    }) : () -> ()
    return
  }
}

#map = affine_map<(d0, d1) -> (0, 0)>
#map1 = affine_map<(d0, d1) -> (0)>
#map2 = affine_map<(d0, d1) -> (0, 0, 0)>
module attributes {stable_mosaic.version = 14 : i64} {
  func.func @k(%arg0: i32, %arg1: i32, %arg2: memref<10000x128xf32, #tpu.memory_space<hbm>>, %arg3: memref<320000xi32, #tpu.memory_space<hbm>>, %arg4: memref<320000xi32, #tpu.memory_space<hbm>>, %arg5: memref<10240x128xf32, #tpu.memory_space<hbm>>, %arg6: memref<2x10240x128xf32, #tpu.memory_space<hbm>>, %arg7: memref<128xi32, #tpu.memory_space<vmem>>, %arg8: memref<128xi32, #tpu.memory_space<vmem>>, %arg9: memref<128xi32, #tpu.memory_space<vmem>>, %arg10: memref<128xi32, #tpu.memory_space<vmem>>, %arg11: memref<128x128xf32, #tpu.memory_space<vmem>>, %arg12: memref<128x128xf32, #tpu.memory_space<vmem>>, %arg13: memref<10240x128xf32, #tpu.memory_space<vmem_shared>>, %arg14: memref<!tpu.dma_semaphore, #tpu.memory_space<semaphore_mem>>, %arg15: memref<!tpu.dma_semaphore, #tpu.memory_space<semaphore_mem>>, %arg16: memref<!tpu.dma_semaphore, #tpu.memory_space<semaphore_mem>>, %arg17: memref<!tpu.dma_semaphore, #tpu.memory_space<semaphore_mem>>) attributes {dimension_semantics = [#tpu.dimension_semantics<core_parallel>, #tpu.dimension_semantics<subcore_parallel>], iteration_bounds = array<i64: 2, 16>, scalar_prefetch = 0 : i64, scratch_operands = 11 : i64, tpu.core_type = #tpu.core_type<sc_vector_subcore>, window_params = [{transform_indices = #map}, {transform_indices = #map1}, {transform_indices = #map1}, {transform_indices = #map}, {transform_indices = #map2}]} {
    %mul3A = arith.constant 2 : i32
    %mul3A_0 = arith.muli %arg1, %mul3A : i32
    %add3A = arith.addi %mul3A_0, %arg0 : i32
    %add3A_1 = arith.constant 0 : i32
    %add3A_2 = arith.addi %add3A, %add3A_1 : i32
    %mul3A_3 = arith.constant 128 : i32
    %mul3A_4 = arith.muli %add3A_2, %mul3A_3 : i32
    %multiple_of3A = tpu.assume_multiple %mul3A_4, 128 : i32
    %dma_start3A = tpu.memref_slice %arg3[%multiple_of3A] : memref<320000xi32, #tpu.memory_space<hbm>> -> memref<128xi32, #tpu.memory_space<hbm>>
    %dma_start3A_5 = tpu.memref_slice %arg3[%multiple_of3A] : memref<320000xi32, #tpu.memory_space<hbm>> -> memref<128xi32, #tpu.memory_space<hbm>>
    tpu.enqueue_dma source(%dma_start3A_5 : memref<128xi32, #tpu.memory_space<hbm>>) target(%arg7 : memref<128xi32, #tpu.memory_space<vmem>>) target_semaphore(%arg14 : memref<!tpu.dma_semaphore, #tpu.memory_space<semaphore_mem>>)
    %add3A_6 = arith.constant 0 : i32
    %add3A_7 = arith.addi %add3A, %add3A_6 : i32
    %mul3A_8 = arith.constant 128 : i32
    %mul3A_9 = arith.muli %add3A_7, %mul3A_8 : i32
    %multiple_of3A_10 = tpu.assume_multiple %mul3A_9, 128 : i32
    %dma_start3A_11 = tpu.memref_slice %arg4[%multiple_of3A_10] : memref<320000xi32, #tpu.memory_space<hbm>> -> memref<128xi32, #tpu.memory_space<hbm>>
    %dma_start3A_12 = tpu.memref_slice %arg4[%multiple_of3A_10] : memref<320000xi32, #tpu.memory_space<hbm>> -> memref<128xi32, #tpu.memory_space<hbm>>
    tpu.enqueue_dma source(%dma_start3A_12 : memref<128xi32, #tpu.memory_space<hbm>>) target(%arg9 : memref<128xi32, #tpu.memory_space<vmem>>) target_semaphore(%arg14 : memref<!tpu.dma_semaphore, #tpu.memory_space<semaphore_mem>>)
    %add3A_13 = arith.constant 32 : i32
    %add3A_14 = arith.addi %add3A, %add3A_13 : i32
    %mul3A_15 = arith.constant 128 : i32
    %mul3A_16 = arith.muli %add3A_14, %mul3A_15 : i32
    %multiple_of3A_17 = tpu.assume_multiple %mul3A_16, 128 : i32
    %dma_start3A_18 = tpu.memref_slice %arg3[%multiple_of3A_17] : memref<320000xi32, #tpu.memory_space<hbm>> -> memref<128xi32, #tpu.memory_space<hbm>>
    %dma_start3A_19 = tpu.memref_slice %arg3[%multiple_of3A_17] : memref<320000xi32, #tpu.memory_space<hbm>> -> memref<128xi32, #tpu.memory_space<hbm>>
    tpu.enqueue_dma source(%dma_start3A_19 : memref<128xi32, #tpu.memory_space<hbm>>) target(%arg8 : memref<128xi32, #tpu.memory_space<vmem>>) target_semaphore(%arg15 : memref<!tpu.dma_semaphore, #tpu.memory_space<semaphore_mem>>)
    %add3A_20 = arith.constant 32 : i32
    %add3A_21 = arith.addi %add3A, %add3A_20 : i32
    %mul3A_22 = arith.constant 128 : i32
    %mul3A_23 = arith.muli %add3A_21, %mul3A_22 : i32
    %multiple_of3A_24 = tpu.assume_multiple %mul3A_23, 128 : i32
    %dma_start3A_25 = tpu.memref_slice %arg4[%multiple_of3A_24] : memref<320000xi32, #tpu.memory_space<hbm>> -> memref<128xi32, #tpu.memory_space<hbm>>
    %dma_start3A_26 = tpu.memref_slice %arg4[%multiple_of3A_24] : memref<320000xi32, #tpu.memory_space<hbm>> -> memref<128xi32, #tpu.memory_space<hbm>>
    tpu.enqueue_dma source(%dma_start3A_26 : memref<128xi32, #tpu.memory_space<hbm>>) target(%arg10 : memref<128xi32, #tpu.memory_space<vmem>>) target_semaphore(%arg15 : memref<!tpu.dma_semaphore, #tpu.memory_space<semaphore_mem>>)
    %mul3A_27 = arith.constant 640 : i32
    %mul3A_28 = arith.muli %arg1, %mul3A_27 : i32
    %mul3A_29 = arith.constant 640 : i32
    %mul3A_30 = arith.muli %arg1, %mul3A_29 : i32
    "tpu.region"() ({
      %run_scoped3A = tpu.sem_alloc : memref<!tpu.dma_semaphore, #tpu.memory_space<semaphore_mem>>
      %dma_start3A_59 = arith.constant 0 : i32
      %dma_start3A_60 = tpu.memref_slice %arg13[%mul3A_30, %dma_start3A_59] : memref<10240x128xf32, #tpu.memory_space<vmem_shared>> -> memref<640x128xf32, #tpu.memory_space<vmem_shared>>
      %dma_start3A_61 = arith.constant 0 : i32
      %dma_start3A_62 = tpu.memref_slice %arg5[%mul3A_28, %dma_start3A_61] : memref<10240x128xf32, #tpu.memory_space<hbm>> -> memref<640x128xf32, #tpu.memory_space<hbm>>
      tpu.enqueue_dma source(%dma_start3A_62 : memref<640x128xf32, #tpu.memory_space<hbm>>) target(%dma_start3A_60 : memref<640x128xf32, #tpu.memory_space<vmem_shared>>) target_semaphore(%run_scoped3A : memref<!tpu.dma_semaphore, #tpu.memory_space<semaphore_mem>>)
      %dma_wait3A_63 = arith.constant 0 : i32
      %dma_wait3A_64 = tpu.memref_slice %arg13[%mul3A_30, %dma_wait3A_63] : memref<10240x128xf32, #tpu.memory_space<vmem_shared>> -> memref<640x128xf32, #tpu.memory_space<vmem_shared>>
      %dma_wait3A_65 = arith.constant 0 : i32
      %dma_wait3A_66 = tpu.memref_slice %arg5[%mul3A_28, %dma_wait3A_65] : memref<10240x128xf32, #tpu.memory_space<hbm>> -> memref<640x128xf32, #tpu.memory_space<hbm>>
      tpu.wait_dma2 semaphore(%run_scoped3A : memref<!tpu.dma_semaphore, #tpu.memory_space<semaphore_mem>>) src(%dma_wait3A_66 : memref<640x128xf32, #tpu.memory_space<hbm>>) dst(%dma_wait3A_64 : memref<640x128xf32, #tpu.memory_space<vmem_shared>>)
      tpu.yield
    }) : () -> ()
    %barrier3A = arith.constant 0 : index
    tpu.barrier barrier_id(%barrier3A)
    %add3A_31 = arith.constant 0 : i32
    %add3A_32 = arith.addi %add3A, %add3A_31 : i32
    %mul3A_33 = arith.constant 128 : i32
    %mul3A_34 = arith.muli %add3A_32, %mul3A_33 : i32
    %multiple_of3A_35 = tpu.assume_multiple %mul3A_34, 128 : i32
    %dma_wait3A = tpu.memref_slice %arg3[%multiple_of3A_35] : memref<320000xi32, #tpu.memory_space<hbm>> -> memref<128xi32, #tpu.memory_space<hbm>>
    %dma_wait3A_36 = tpu.memref_slice %arg3[%multiple_of3A_35] : memref<320000xi32, #tpu.memory_space<hbm>> -> memref<128xi32, #tpu.memory_space<hbm>>
    tpu.wait_dma2 semaphore(%arg14 : memref<!tpu.dma_semaphore, #tpu.memory_space<semaphore_mem>>) src(%dma_wait3A_36 : memref<128xi32, #tpu.memory_space<hbm>>) dst(%arg7 : memref<128xi32, #tpu.memory_space<vmem>>)
    %add3A_37 = arith.constant 0 : i32
    %add3A_38 = arith.addi %add3A, %add3A_37 : i32
    %mul3A_39 = arith.constant 128 : i32
    %mul3A_40 = arith.muli %add3A_38, %mul3A_39 : i32
    %multiple_of3A_41 = tpu.assume_multiple %mul3A_40, 128 : i32
    %dma_wait3A_42 = tpu.memref_slice %arg4[%multiple_of3A_41] : memref<320000xi32, #tpu.memory_space<hbm>> -> memref<128xi32, #tpu.memory_space<hbm>>
    %dma_wait3A_43 = tpu.memref_slice %arg4[%multiple_of3A_41] : memref<320000xi32, #tpu.memory_space<hbm>> -> memref<128xi32, #tpu.memory_space<hbm>>
    tpu.wait_dma2 semaphore(%arg14 : memref<!tpu.dma_semaphore, #tpu.memory_space<semaphore_mem>>) src(%dma_wait3A_43 : memref<128xi32, #tpu.memory_space<hbm>>) dst(%arg9 : memref<128xi32, #tpu.memory_space<vmem>>)
    %dma_start3A_44 = arith.constant 0 : i32
    %dma_start3A_45 = arith.constant 0 : i32
    %dma_start3A_46 = tpu.memref_slice %arg2[%dma_start3A_44, %dma_start3A_45] : memref<10000x128xf32, #tpu.memory_space<hbm>> -> memref<10000x128xf32, #tpu.memory_space<hbm>>
    tpu.enqueue_indirect_dma source(%dma_start3A_46 : memref<10000x128xf32, #tpu.memory_space<hbm>>) target(%arg11 : memref<128x128xf32, #tpu.memory_space<vmem>>) offsets(%arg7 : memref<128xi32, #tpu.memory_space<vmem>>) semaphore(%arg16 : memref<!tpu.dma_semaphore, #tpu.memory_space<semaphore_mem>>)
    %scan3A = arith.constant 0 : i32
    %scan3A_47 = arith.constant 0 : i32
    %scan3A_48 = arith.constant 39 : i32
    %scan3A_49 = arith.addi %scan3A_47, %scan3A_48 : i32
    %scan3A_50 = arith.constant 1 : i32
    scf.for %scan3A_59 = %scan3A_47 to %scan3A_49 step %scan3A_50  : i32 {
      %mul3A_60 = arith.constant 2 : i32
      %mul3A_61 = arith.muli %scan3A_59, %mul3A_60 : i32
      %add3A_62 = arith.constant 0 : i32
      %add3A_63 = arith.addi %mul3A_61, %add3A_62 : i32
      %add3A_64 = arith.constant 1 : i32
      %add3A_65 = arith.addi %add3A_63, %add3A_64 : i32
      %lt3A_66 = arith.constant 78 : i32
      %lt3A_67 = arith.cmpi slt, %add3A_65, %lt3A_66 : i32
      %convert_element_type3A_68 = arith.extui %lt3A_67 : i1 to i32
      %cond3A_69 = arith.constant 0 : i32
      %cond3A_70 = arith.cmpi ne, %convert_element_type3A_68, %cond3A_69 : i32
      scf.if %cond3A_70 {
        %add3A_102 = arith.constant 1 : i32
        %add3A_103 = arith.addi %add3A_63, %add3A_102 : i32
        %mul3A_104 = arith.constant 32 : i32
        %mul3A_105 = arith.muli %add3A_103, %mul3A_104 : i32
        %add3A_106 = arith.addi %add3A, %mul3A_105 : i32
        %mul3A_107 = arith.constant 128 : i32
        %mul3A_108 = arith.muli %add3A_106, %mul3A_107 : i32
        %multiple_of3A_109 = tpu.assume_multiple %mul3A_108, 128 : i32
        %dma_wait3A_110 = tpu.memref_slice %arg3[%multiple_of3A_109] : memref<320000xi32, #tpu.memory_space<hbm>> -> memref<128xi32, #tpu.memory_space<hbm>>
        %dma_wait3A_111 = tpu.memref_slice %arg3[%multiple_of3A_109] : memref<320000xi32, #tpu.memory_space<hbm>> -> memref<128xi32, #tpu.memory_space<hbm>>
        tpu.wait_dma2 semaphore(%arg15 : memref<!tpu.dma_semaphore, #tpu.memory_space<semaphore_mem>>) src(%dma_wait3A_111 : memref<128xi32, #tpu.memory_space<hbm>>) dst(%arg8 : memref<128xi32, #tpu.memory_space<vmem>>)
        %mul3A_112 = arith.constant 32 : i32
        %mul3A_113 = arith.muli %add3A_103, %mul3A_112 : i32
        %add3A_114 = arith.addi %add3A, %mul3A_113 : i32
        %mul3A_115 = arith.constant 128 : i32
        %mul3A_116 = arith.muli %add3A_114, %mul3A_115 : i32
        %multiple_of3A_117 = tpu.assume_multiple %mul3A_116, 128 : i32
        %dma_wait3A_118 = tpu.memref_slice %arg4[%multiple_of3A_117] : memref<320000xi32, #tpu.memory_space<hbm>> -> memref<128xi32, #tpu.memory_space<hbm>>
        %dma_wait3A_119 = tpu.memref_slice %arg4[%multiple_of3A_117] : memref<320000xi32, #tpu.memory_space<hbm>> -> memref<128xi32, #tpu.memory_space<hbm>>
        tpu.wait_dma2 semaphore(%arg15 : memref<!tpu.dma_semaphore, #tpu.memory_space<semaphore_mem>>) src(%dma_wait3A_119 : memref<128xi32, #tpu.memory_space<hbm>>) dst(%arg10 : memref<128xi32, #tpu.memory_space<vmem>>)
        %dma_start3A_120 = arith.constant 0 : i32
        %dma_start3A_121 = arith.constant 0 : i32
        %dma_start3A_122 = tpu.memref_slice %arg2[%dma_start3A_120, %dma_start3A_121] : memref<10000x128xf32, #tpu.memory_space<hbm>> -> memref<10000x128xf32, #tpu.memory_space<hbm>>
        tpu.enqueue_indirect_dma source(%dma_start3A_122 : memref<10000x128xf32, #tpu.memory_space<hbm>>) target(%arg12 : memref<128x128xf32, #tpu.memory_space<vmem>>) offsets(%arg8 : memref<128xi32, #tpu.memory_space<vmem>>) semaphore(%arg17 : memref<!tpu.dma_semaphore, #tpu.memory_space<semaphore_mem>>)
      } else {
      }
      %dma_wait3A_71 = arith.constant 0 : i32
      %dma_wait3A_72 = arith.constant 0 : i32
      %dma_wait3A_73 = tpu.memref_slice %arg2[%dma_wait3A_71, %dma_wait3A_72] : memref<10000x128xf32, #tpu.memory_space<hbm>> -> memref<10000x128xf32, #tpu.memory_space<hbm>>
      tpu.wait_indirect_dma semaphore(%arg16 : memref<!tpu.dma_semaphore, #tpu.memory_space<semaphore_mem>>) src(%dma_wait3A_73 : memref<10000x128xf32, #tpu.memory_space<hbm>>) dst(%arg11 : memref<128x128xf32, #tpu.memory_space<vmem>>)
      "tpu.region"() ({
        %run_scoped3A = tpu.sem_alloc : memref<!tpu.dma_semaphore, #tpu.memory_space<semaphore_mem>>
        %dma_start3A_102 = arith.constant 0 : i32
        %dma_start3A_103 = arith.constant 0 : i32
        %dma_start3A_104 = tpu.memref_slice %arg13[%dma_start3A_102, %dma_start3A_103] : memref<10240x128xf32, #tpu.memory_space<vmem_shared>> -> memref<10240x128xf32, #tpu.memory_space<vmem_shared>>
        tpu.enqueue_indirect_dma source(%arg11 : memref<128x128xf32, #tpu.memory_space<vmem>>) target(%dma_start3A_104 : memref<10240x128xf32, #tpu.memory_space<vmem_shared>>) offsets(%arg9 : memref<128xi32, #tpu.memory_space<vmem>>) semaphore(%run_scoped3A : memref<!tpu.dma_semaphore, #tpu.memory_space<semaphore_mem>>) {add = true}
        %dma_wait3A_105 = arith.constant 0 : i32
        %dma_wait3A_106 = arith.constant 0 : i32
        %dma_wait3A_107 = tpu.memref_slice %arg13[%dma_wait3A_105, %dma_wait3A_106] : memref<10240x128xf32, #tpu.memory_space<vmem_shared>> -> memref<10240x128xf32, #tpu.memory_space<vmem_shared>>
        tpu.wait_indirect_dma semaphore(%run_scoped3A : memref<!tpu.dma_semaphore, #tpu.memory_space<semaphore_mem>>) src(%arg11 : memref<128x128xf32, #tpu.memory_space<vmem>>) dst(%dma_wait3A_107 : memref<10240x128xf32, #tpu.memory_space<vmem_shared>>)
        tpu.yield
      }) : () -> ()
      %add3A_74 = arith.constant 2 : i32
      %add3A_75 = arith.addi %add3A_63, %add3A_74 : i32
      %lt3A_76 = arith.constant 78 : i32
      %lt3A_77 = arith.cmpi slt, %add3A_75, %lt3A_76 : i32
      %convert_element_type3A_78 = arith.extui %lt3A_77 : i1 to i32
      %cond3A_79 = arith.constant 0 : i32
      %cond3A_80 = arith.cmpi ne, %convert_element_type3A_78, %cond3A_79 : i32
      scf.if %cond3A_80 {
        %add3A_102 = arith.constant 2 : i32
        %add3A_103 = arith.addi %add3A_63, %add3A_102 : i32
        %mul3A_104 = arith.constant 32 : i32
        %mul3A_105 = arith.muli %add3A_103, %mul3A_104 : i32
        %add3A_106 = arith.addi %add3A, %mul3A_105 : i32
        %mul3A_107 = arith.constant 128 : i32
        %mul3A_108 = arith.muli %add3A_106, %mul3A_107 : i32
        %multiple_of3A_109 = tpu.assume_multiple %mul3A_108, 128 : i32
        %dma_start3A_110 = tpu.memref_slice %arg3[%multiple_of3A_109] : memref<320000xi32, #tpu.memory_space<hbm>> -> memref<128xi32, #tpu.memory_space<hbm>>
        %dma_start3A_111 = tpu.memref_slice %arg3[%multiple_of3A_109] : memref<320000xi32, #tpu.memory_space<hbm>> -> memref<128xi32, #tpu.memory_space<hbm>>
        tpu.enqueue_dma source(%dma_start3A_111 : memref<128xi32, #tpu.memory_space<hbm>>) target(%arg7 : memref<128xi32, #tpu.memory_space<vmem>>) target_semaphore(%arg14 : memref<!tpu.dma_semaphore, #tpu.memory_space<semaphore_mem>>)
        %mul3A_112 = arith.constant 32 : i32
        %mul3A_113 = arith.muli %add3A_103, %mul3A_112 : i32
        %add3A_114 = arith.addi %add3A, %mul3A_113 : i32
        %mul3A_115 = arith.constant 128 : i32
        %mul3A_116 = arith.muli %add3A_114, %mul3A_115 : i32
        %multiple_of3A_117 = tpu.assume_multiple %mul3A_116, 128 : i32
        %dma_start3A_118 = tpu.memref_slice %arg4[%multiple_of3A_117] : memref<320000xi32, #tpu.memory_space<hbm>> -> memref<128xi32, #tpu.memory_space<hbm>>
        %dma_start3A_119 = tpu.memref_slice %arg4[%multiple_of3A_117] : memref<320000xi32, #tpu.memory_space<hbm>> -> memref<128xi32, #tpu.memory_space<hbm>>
        tpu.enqueue_dma source(%dma_start3A_119 : memref<128xi32, #tpu.memory_space<hbm>>) target(%arg9 : memref<128xi32, #tpu.memory_space<vmem>>) target_semaphore(%arg14 : memref<!tpu.dma_semaphore, #tpu.memory_space<semaphore_mem>>)
      } else {
      }
      %mul3A_81 = arith.constant 2 : i32
      %mul3A_82 = arith.muli %scan3A_59, %mul3A_81 : i32
      %add3A_83 = arith.constant 1 : i32
      %add3A_84 = arith.addi %mul3A_82, %add3A_83 : i32
      %add3A_85 = arith.constant 1 : i32
      %add3A_86 = arith.addi %add3A_84, %add3A_85 : i32
      %lt3A_87 = arith.constant 78 : i32
      %lt3A_88 = arith.cmpi slt, %add3A_86, %lt3A_87 : i32
      %convert_element_type3A_89 = arith.extui %lt3A_88 : i1 to i32
      %cond3A_90 = arith.constant 0 : i32
      %cond3A_91 = arith.cmpi ne, %convert_element_type3A_89, %cond3A_90 : i32
      scf.if %cond3A_91 {
        %add3A_102 = arith.constant 1 : i32
        %add3A_103 = arith.addi %add3A_84, %add3A_102 : i32
        %mul3A_104 = arith.constant 32 : i32
        %mul3A_105 = arith.muli %add3A_103, %mul3A_104 : i32
        %add3A_106 = arith.addi %add3A, %mul3A_105 : i32
        %mul3A_107 = arith.constant 128 : i32
        %mul3A_108 = arith.muli %add3A_106, %mul3A_107 : i32
        %multiple_of3A_109 = tpu.assume_multiple %mul3A_108, 128 : i32
        %dma_wait3A_110 = tpu.memref_slice %arg3[%multiple_of3A_109] : memref<320000xi32, #tpu.memory_space<hbm>> -> memref<128xi32, #tpu.memory_space<hbm>>
        %dma_wait3A_111 = tpu.memref_slice %arg3[%multiple_of3A_109] : memref<320000xi32, #tpu.memory_space<hbm>> -> memref<128xi32, #tpu.memory_space<hbm>>
        tpu.wait_dma2 semaphore(%arg14 : memref<!tpu.dma_semaphore, #tpu.memory_space<semaphore_mem>>) src(%dma_wait3A_111 : memref<128xi32, #tpu.memory_space<hbm>>) dst(%arg7 : memref<128xi32, #tpu.memory_space<vmem>>)
        %mul3A_112 = arith.constant 32 : i32
        %mul3A_113 = arith.muli %add3A_103, %mul3A_112 : i32
        %add3A_114 = arith.addi %add3A, %mul3A_113 : i32
        %mul3A_115 = arith.constant 128 : i32
        %mul3A_116 = arith.muli %add3A_114, %mul3A_115 : i32
        %multiple_of3A_117 = tpu.assume_multiple %mul3A_116, 128 : i32
        %dma_wait3A_118 = tpu.memref_slice %arg4[%multiple_of3A_117] : memref<320000xi32, #tpu.memory_space<hbm>> -> memref<128xi32, #tpu.memory_space<hbm>>
        %dma_wait3A_119 = tpu.memref_slice %arg4[%multiple_of3A_117] : memref<320000xi32, #tpu.memory_space<hbm>> -> memref<128xi32, #tpu.memory_space<hbm>>
        tpu.wait_dma2 semaphore(%arg14 : memref<!tpu.dma_semaphore, #tpu.memory_space<semaphore_mem>>) src(%dma_wait3A_119 : memref<128xi32, #tpu.memory_space<hbm>>) dst(%arg9 : memref<128xi32, #tpu.memory_space<vmem>>)
        %dma_start3A_120 = arith.constant 0 : i32
        %dma_start3A_121 = arith.constant 0 : i32
        %dma_start3A_122 = tpu.memref_slice %arg2[%dma_start3A_120, %dma_start3A_121] : memref<10000x128xf32, #tpu.memory_space<hbm>> -> memref<10000x128xf32, #tpu.memory_space<hbm>>
        tpu.enqueue_indirect_dma source(%dma_start3A_122 : memref<10000x128xf32, #tpu.memory_space<hbm>>) target(%arg11 : memref<128x128xf32, #tpu.memory_space<vmem>>) offsets(%arg7 : memref<128xi32, #tpu.memory_space<vmem>>) semaphore(%arg16 : memref<!tpu.dma_semaphore, #tpu.memory_space<semaphore_mem>>)
      } else {
      }
      %dma_wait3A_92 = arith.constant 0 : i32
      %dma_wait3A_93 = arith.constant 0 : i32
      %dma_wait3A_94 = tpu.memref_slice %arg2[%dma_wait3A_92, %dma_wait3A_93] : memref<10000x128xf32, #tpu.memory_space<hbm>> -> memref<10000x128xf32, #tpu.memory_space<hbm>>
      tpu.wait_indirect_dma semaphore(%arg17 : memref<!tpu.dma_semaphore, #tpu.memory_space<semaphore_mem>>) src(%dma_wait3A_94 : memref<10000x128xf32, #tpu.memory_space<hbm>>) dst(%arg12 : memref<128x128xf32, #tpu.memory_space<vmem>>)
      "tpu.region"() ({
        %run_scoped3A = tpu.sem_alloc : memref<!tpu.dma_semaphore, #tpu.memory_space<semaphore_mem>>
        %dma_start3A_102 = arith.constant 0 : i32
        %dma_start3A_103 = arith.constant 0 : i32
        %dma_start3A_104 = tpu.memref_slice %arg13[%dma_start3A_102, %dma_start3A_103] : memref<10240x128xf32, #tpu.memory_space<vmem_shared>> -> memref<10240x128xf32, #tpu.memory_space<vmem_shared>>
        tpu.enqueue_indirect_dma source(%arg12 : memref<128x128xf32, #tpu.memory_space<vmem>>) target(%dma_start3A_104 : memref<10240x128xf32, #tpu.memory_space<vmem_shared>>) offsets(%arg10 : memref<128xi32, #tpu.memory_space<vmem>>) semaphore(%run_scoped3A : memref<!tpu.dma_semaphore, #tpu.memory_space<semaphore_mem>>) {add = true}
        %dma_wait3A_105 = arith.constant 0 : i32
        %dma_wait3A_106 = arith.constant 0 : i32
        %dma_wait3A_107 = tpu.memref_slice %arg13[%dma_wait3A_105, %dma_wait3A_106] : memref<10240x128xf32, #tpu.memory_space<vmem_shared>> -> memref<10240x128xf32, #tpu.memory_space<vmem_shared>>
        tpu.wait_indirect_dma semaphore(%run_scoped3A : memref<!tpu.dma_semaphore, #tpu.memory_space<semaphore_mem>>) src(%arg12 : memref<128x128xf32, #tpu.memory_space<vmem>>) dst(%dma_wait3A_107 : memref<10240x128xf32, #tpu.memory_space<vmem_shared>>)
        tpu.yield
      }) : () -> ()
      %add3A_95 = arith.constant 2 : i32
      %add3A_96 = arith.addi %add3A_84, %add3A_95 : i32
      %lt3A_97 = arith.constant 78 : i32
      %lt3A_98 = arith.cmpi slt, %add3A_96, %lt3A_97 : i32
      %convert_element_type3A_99 = arith.extui %lt3A_98 : i1 to i32
      %cond3A_100 = arith.constant 0 : i32
      %cond3A_101 = arith.cmpi ne, %convert_element_type3A_99, %cond3A_100 : i32
      scf.if %cond3A_101 {
        %add3A_102 = arith.constant 2 : i32
        %add3A_103 = arith.addi %add3A_84, %add3A_102 : i32
        %mul3A_104 = arith.constant 32 : i32
        %mul3A_105 = arith.muli %add3A_103, %mul3A_104 : i32
        %add3A_106 = arith.addi %add3A, %mul3A_105 : i32
        %mul3A_107 = arith.constant 128 : i32
        %mul3A_108 = arith.muli %add3A_106, %mul3A_107 : i32
        %multiple_of3A_109 = tpu.assume_multiple %mul3A_108, 128 : i32
        %dma_start3A_110 = tpu.memref_slice %arg3[%multiple_of3A_109] : memref<320000xi32, #tpu.memory_space<hbm>> -> memref<128xi32, #tpu.memory_space<hbm>>
        %dma_start3A_111 = tpu.memref_slice %arg3[%multiple_of3A_109] : memref<320000xi32, #tpu.memory_space<hbm>> -> memref<128xi32, #tpu.memory_space<hbm>>
        tpu.enqueue_dma source(%dma_start3A_111 : memref<128xi32, #tpu.memory_space<hbm>>) target(%arg8 : memref<128xi32, #tpu.memory_space<vmem>>) target_semaphore(%arg15 : memref<!tpu.dma_semaphore, #tpu.memory_space<semaphore_mem>>)
        %mul3A_112 = arith.constant 32 : i32
        %mul3A_113 = arith.muli %add3A_103, %mul3A_112 : i32
        %add3A_114 = arith.addi %add3A, %mul3A_113 : i32
        %mul3A_115 = arith.constant 128 : i32
        %mul3A_116 = arith.muli %add3A_114, %mul3A_115 : i32
        %multiple_of3A_117 = tpu.assume_multiple %mul3A_116, 128 : i32
        %dma_start3A_118 = tpu.memref_slice %arg4[%multiple_of3A_117] : memref<320000xi32, #tpu.memory_space<hbm>> -> memref<128xi32, #tpu.memory_space<hbm>>
        %dma_start3A_119 = tpu.memref_slice %arg4[%multiple_of3A_117] : memref<320000xi32, #tpu.memory_space<hbm>> -> memref<128xi32, #tpu.memory_space<hbm>>
        tpu.enqueue_dma source(%dma_start3A_119 : memref<128xi32, #tpu.memory_space<hbm>>) target(%arg10 : memref<128xi32, #tpu.memory_space<vmem>>) target_semaphore(%arg15 : memref<!tpu.dma_semaphore, #tpu.memory_space<semaphore_mem>>)
      } else {
      }
    }
    %scan3A_51 = arith.constant 39 : i32
    %lt3A = arith.constant 4 : i32
    %lt3A_52 = arith.cmpi slt, %add3A, %lt3A : i32
    %convert_element_type3A = arith.extui %lt3A_52 : i1 to i32
    %cond3A = arith.constant 0 : i32
    %cond3A_53 = arith.cmpi ne, %convert_element_type3A, %cond3A : i32
    scf.if %cond3A_53 {
      %add3A_59 = arith.constant 2496 : i32
      %add3A_60 = arith.addi %add3A, %add3A_59 : i32
      %mul3A_61 = arith.constant 128 : i32
      %mul3A_62 = arith.muli %add3A_60, %mul3A_61 : i32
      %multiple_of3A_63 = tpu.assume_multiple %mul3A_62, 128 : i32
      "tpu.region"() ({
        %run_scoped3A = tpu.sem_alloc : memref<!tpu.dma_semaphore, #tpu.memory_space<semaphore_mem>>
        %dma_start3A_70 = tpu.memref_slice %arg3[%multiple_of3A_63] : memref<320000xi32, #tpu.memory_space<hbm>> -> memref<128xi32, #tpu.memory_space<hbm>>
        %dma_start3A_71 = tpu.memref_slice %arg3[%multiple_of3A_63] : memref<320000xi32, #tpu.memory_space<hbm>> -> memref<128xi32, #tpu.memory_space<hbm>>
        tpu.enqueue_dma source(%dma_start3A_71 : memref<128xi32, #tpu.memory_space<hbm>>) target(%arg7 : memref<128xi32, #tpu.memory_space<vmem>>) target_semaphore(%run_scoped3A : memref<!tpu.dma_semaphore, #tpu.memory_space<semaphore_mem>>)
        %dma_wait3A_72 = tpu.memref_slice %arg3[%multiple_of3A_63] : memref<320000xi32, #tpu.memory_space<hbm>> -> memref<128xi32, #tpu.memory_space<hbm>>
        %dma_wait3A_73 = tpu.memref_slice %arg3[%multiple_of3A_63] : memref<320000xi32, #tpu.memory_space<hbm>> -> memref<128xi32, #tpu.memory_space<hbm>>
        tpu.wait_dma2 semaphore(%run_scoped3A : memref<!tpu.dma_semaphore, #tpu.memory_space<semaphore_mem>>) src(%dma_wait3A_73 : memref<128xi32, #tpu.memory_space<hbm>>) dst(%arg7 : memref<128xi32, #tpu.memory_space<vmem>>)
        tpu.yield
      }) : () -> ()
      "tpu.region"() ({
        %run_scoped3A = tpu.sem_alloc : memref<!tpu.dma_semaphore, #tpu.memory_space<semaphore_mem>>
        %dma_start3A_70 = tpu.memref_slice %arg4[%multiple_of3A_63] : memref<320000xi32, #tpu.memory_space<hbm>> -> memref<128xi32, #tpu.memory_space<hbm>>
        %dma_start3A_71 = tpu.memref_slice %arg4[%multiple_of3A_63] : memref<320000xi32, #tpu.memory_space<hbm>> -> memref<128xi32, #tpu.memory_space<hbm>>
        tpu.enqueue_dma source(%dma_start3A_71 : memref<128xi32, #tpu.memory_space<hbm>>) target(%arg9 : memref<128xi32, #tpu.memory_space<vmem>>) target_semaphore(%run_scoped3A : memref<!tpu.dma_semaphore, #tpu.memory_space<semaphore_mem>>)
        %dma_wait3A_72 = tpu.memref_slice %arg4[%multiple_of3A_63] : memref<320000xi32, #tpu.memory_space<hbm>> -> memref<128xi32, #tpu.memory_space<hbm>>
        %dma_wait3A_73 = tpu.memref_slice %arg4[%multiple_of3A_63] : memref<320000xi32, #tpu.memory_space<hbm>> -> memref<128xi32, #tpu.memory_space<hbm>>
        tpu.wait_dma2 semaphore(%run_scoped3A : memref<!tpu.dma_semaphore, #tpu.memory_space<semaphore_mem>>) src(%dma_wait3A_73 : memref<128xi32, #tpu.memory_space<hbm>>) dst(%arg9 : memref<128xi32, #tpu.memory_space<vmem>>)
        tpu.yield
      }) : () -> ()
      %dma_start3A_64 = arith.constant 0 : i32
      %dma_start3A_65 = arith.constant 0 : i32
      %dma_start3A_66 = tpu.memref_slice %arg2[%dma_start3A_64, %dma_start3A_65] : memref<10000x128xf32, #tpu.memory_space<hbm>> -> memref<10000x128xf32, #tpu.memory_space<hbm>>
      tpu.enqueue_indirect_dma source(%dma_start3A_66 : memref<10000x128xf32, #tpu.memory_space<hbm>>) target(%arg11 : memref<128x128xf32, #tpu.memory_space<vmem>>) offsets(%arg7 : memref<128xi32, #tpu.memory_space<vmem>>) semaphore(%arg16 : memref<!tpu.dma_semaphore, #tpu.memory_space<semaphore_mem>>)
      %dma_wait3A_67 = arith.constant 0 : i32
      %dma_wait3A_68 = arith.constant 0 : i32
      %dma_wait3A_69 = tpu.memref_slice %arg2[%dma_wait3A_67, %dma_wait3A_68] : memref<10000x128xf32, #tpu.memory_space<hbm>> -> memref<10000x128xf32, #tpu.memory_space<hbm>>
      tpu.wait_indirect_dma semaphore(%arg16 : memref<!tpu.dma_semaphore, #tpu.memory_space<semaphore_mem>>) src(%dma_wait3A_69 : memref<10000x128xf32, #tpu.memory_space<hbm>>) dst(%arg11 : memref<128x128xf32, #tpu.memory_space<vmem>>)
      "tpu.region"() ({
        %run_scoped3A = tpu.sem_alloc : memref<!tpu.dma_semaphore, #tpu.memory_space<semaphore_mem>>
        %dma_start3A_70 = arith.constant 0 : i32
        %dma_start3A_71 = arith.constant 0 : i32
        %dma_start3A_72 = tpu.memref_slice %arg13[%dma_start3A_70, %dma_start3A_71] : memref<10240x128xf32, #tpu.memory_space<vmem_shared>> -> memref<10240x128xf32, #tpu.memory_space<vmem_shared>>
        tpu.enqueue_indirect_dma source(%arg11 : memref<128x128xf32, #tpu.memory_space<vmem>>) target(%dma_start3A_72 : memref<10240x128xf32, #tpu.memory_space<vmem_shared>>) offsets(%arg9 : memref<128xi32, #tpu.memory_space<vmem>>) semaphore(%run_scoped3A : memref<!tpu.dma_semaphore, #tpu.memory_space<semaphore_mem>>) {add = true}
        %dma_wait3A_73 = arith.constant 0 : i32
        %dma_wait3A_74 = arith.constant 0 : i32
        %dma_wait3A_75 = tpu.memref_slice %arg13[%dma_wait3A_73, %dma_wait3A_74] : memref<10240x128xf32, #tpu.memory_space<vmem_shared>> -> memref<10240x128xf32, #tpu.memory_space<vmem_shared>>
        tpu.wait_indirect_dma semaphore(%run_scoped3A : memref<!tpu.dma_semaphore, #tpu.memory_space<semaphore_mem>>) src(%arg11 : memref<128x128xf32, #tpu.memory_space<vmem>>) dst(%dma_wait3A_75 : memref<10240x128xf32, #tpu.memory_space<vmem_shared>>)
        tpu.yield
      }) : () -> ()
    } else {
    }
    %barrier3A_54 = arith.constant 0 : index
    tpu.barrier barrier_id(%barrier3A_54)
    %mul3A_55 = arith.constant 640 : i32
    %mul3A_56 = arith.muli %arg1, %mul3A_55 : i32
    %mul3A_57 = arith.constant 640 : i32
    %mul3A_58 = arith.muli %arg1, %mul3A_57 : i32
    "tpu.region"() ({
      %run_scoped3A = tpu.sem_alloc : memref<!tpu.dma_semaphore, #tpu.memory_space<semaphore_mem>>
      %dma_start3A_59 = arith.constant 0 : i32
      %dma_start3A_60 = arith.constant 0 : i32
      %dma_start3A_61 = tpu.memref_slice %arg6[%arg0, %dma_start3A_59, %dma_start3A_60] : memref<2x10240x128xf32, #tpu.memory_space<hbm>> -> memref<1x10240x128xf32, #tpu.memory_space<hbm>>
      %dma_start3A_62 = tpu.memref_squeeze %dma_start3A_61 : memref<1x10240x128xf32, #tpu.memory_space<hbm>> -> memref<10240x128xf32, #tpu.memory_space<hbm>>
      %dma_start3A_63 = arith.constant 0 : i32
      %dma_start3A_64 = tpu.memref_slice %dma_start3A_62[%mul3A_58, %dma_start3A_63] : memref<10240x128xf32, #tpu.memory_space<hbm>> -> memref<640x128xf32, #tpu.memory_space<hbm>>
      %dma_start3A_65 = arith.constant 0 : i32
      %dma_start3A_66 = tpu.memref_slice %arg13[%mul3A_56, %dma_start3A_65] : memref<10240x128xf32, #tpu.memory_space<vmem_shared>> -> memref<640x128xf32, #tpu.memory_space<vmem_shared>>
      tpu.enqueue_dma source(%dma_start3A_66 : memref<640x128xf32, #tpu.memory_space<vmem_shared>>) target(%dma_start3A_64 : memref<640x128xf32, #tpu.memory_space<hbm>>) target_semaphore(%run_scoped3A : memref<!tpu.dma_semaphore, #tpu.memory_space<semaphore_mem>>)
      %dma_wait3A_67 = arith.constant 0 : i32
      %dma_wait3A_68 = arith.constant 0 : i32
      %dma_wait3A_69 = tpu.memref_slice %arg6[%arg0, %dma_wait3A_67, %dma_wait3A_68] : memref<2x10240x128xf32, #tpu.memory_space<hbm>> -> memref<1x10240x128xf32, #tpu.memory_space<hbm>>
      %dma_wait3A_70 = tpu.memref_squeeze %dma_wait3A_69 : memref<1x10240x128xf32, #tpu.memory_space<hbm>> -> memref<10240x128xf32, #tpu.memory_space<hbm>>
      %dma_wait3A_71 = arith.constant 0 : i32
      %dma_wait3A_72 = tpu.memref_slice %dma_wait3A_70[%mul3A_58, %dma_wait3A_71] : memref<10240x128xf32, #tpu.memory_space<hbm>> -> memref<640x128xf32, #tpu.memory_space<hbm>>
      %dma_wait3A_73 = arith.constant 0 : i32
      %dma_wait3A_74 = tpu.memref_slice %arg13[%mul3A_56, %dma_wait3A_73] : memref<10240x128xf32, #tpu.memory_space<vmem_shared>> -> memref<640x128xf32, #tpu.memory_space<vmem_shared>>
      tpu.wait_dma2 semaphore(%run_scoped3A : memref<!tpu.dma_semaphore, #tpu.memory_space<semaphore_mem>>) src(%dma_wait3A_74 : memref<640x128xf32, #tpu.memory_space<vmem_shared>>) dst(%dma_wait3A_72 : memref<640x128xf32, #tpu.memory_space<hbm>>)
      tpu.yield
    }) : () -> ()
    return
  }
}

module attributes {stable_mosaic.version = 14 : i64} {
  func.func @_mlp_stats_body(%arg0: i32, %arg1: memref<1000x128xf32, #tpu.memory_space<vmem>>, %arg2: memref<1000x128xf32, #tpu.memory_space<vmem>>, %arg3: memref<1000x128xf32, #tpu.memory_space<vmem>>, %arg4: memref<128x128xf32, #tpu.memory_space<vmem>>, %arg5: memref<1x128xf32, #tpu.memory_space<vmem>>, %arg6: memref<128x128xf32, #tpu.memory_space<vmem>>, %arg7: memref<1x128xf32, #tpu.memory_space<vmem>>, %arg8: memref<1000x128xf32, #tpu.memory_space<vmem>>, %arg9: memref<2x128xf32, #tpu.memory_space<vmem>>) attributes {dimension_semantics = [#tpu.dimension_semantics<arbitrary>], iteration_bounds = array<i64: 10>, scalar_prefetch = 0 : i64, scratch_operands = 0 : i64, tpu.core_type = #tpu.core_type<tc>, window_params = [{transform_indices = @transform_0, window_bounds = array<i64: 1000, 128>}, {transform_indices = @transform_1, window_bounds = array<i64: 1000, 128>}, {transform_indices = @transform_2, window_bounds = array<i64: 1000, 128>}, {pipeline_mode = #tpu.pipeline_mode<synchronous>, transform_indices = @transform_3, window_bounds = array<i64: 128, 128>}, {pipeline_mode = #tpu.pipeline_mode<synchronous>, transform_indices = @transform_4, window_bounds = array<i64: 1, 128>}, {pipeline_mode = #tpu.pipeline_mode<synchronous>, transform_indices = @transform_5, window_bounds = array<i64: 128, 128>}, {pipeline_mode = #tpu.pipeline_mode<synchronous>, transform_indices = @transform_6, window_bounds = array<i64: 1, 128>}, {transform_indices = @transform_7, window_bounds = array<i64: 1000, 128>}, {pipeline_mode = #tpu.pipeline_mode<synchronous>, transform_indices = @transform_8, window_bounds = array<i64: 2, 128>}]} {
    %get3A = arith.constant 0 : index
    %get3A_0 = arith.constant 0 : index
    %get3A_1 = vector.load %arg1[%get3A, %get3A_0] : memref<1000x128xf32, #tpu.memory_space<vmem>>, vector<1000x128xf32>
    %get3A_2 = arith.constant 0 : index
    %get3A_3 = arith.constant 0 : index
    %get3A_4 = vector.load %arg2[%get3A_2, %get3A_3] : memref<1000x128xf32, #tpu.memory_space<vmem>>, vector<1000x128xf32>
    %add3A = arith.addf %get3A_1, %get3A_4 : vector<1000x128xf32>
    %get3A_5 = arith.constant 0 : index
    %get3A_6 = arith.constant 0 : index
    %get3A_7 = vector.load %arg3[%get3A_5, %get3A_6] : memref<1000x128xf32, #tpu.memory_space<vmem>>, vector<1000x128xf32>
    %add3A_8 = arith.addf %add3A, %get3A_7 : vector<1000x128xf32>
    %get3A_9 = arith.constant 0 : index
    %get3A_10 = arith.constant 0 : index
    %get3A_11 = vector.load %arg4[%get3A_9, %get3A_10] : memref<128x128xf32, #tpu.memory_space<vmem>>, vector<128x128xf32>
    %dot_general3A = arith.constant dense<0.000000e+00> : vector<1000x128xf32>
    %dot_general3A_12 = tpu.matmul %add3A_8, %get3A_11, %dot_general3A {dimension_numbers = #tpu.dot_dimension_numbers<[1], [0], [0], [1], [0, 0, 1, 1], [], []>, transpose_lhs_hint = false} : vector<1000x128xf32>, vector<128x128xf32>, vector<1000x128xf32> -> vector<1000x128xf32>
    %get3A_13 = arith.constant 0 : index
    %get3A_14 = arith.constant 0 : index
    %get3A_15 = vector.load %arg5[%get3A_13, %get3A_14] : memref<1x128xf32, #tpu.memory_space<vmem>>, vector<1x128xf32>
    %add3A_16 = vector.broadcast %get3A_15 : vector<1x128xf32> to vector<1000x128xf32>
    %add3A_17 = arith.addf %dot_general3A_12, %add3A_16 : vector<1000x128xf32>
    %max3A = arith.constant 0.000000e+00 : f32
    %max3A_18 = vector.broadcast %max3A : f32 to vector<1000x128xf32>
    %max3A_19 = arith.maximumf %add3A_17, %max3A_18 : vector<1000x128xf32>
    %get3A_20 = arith.constant 0 : index
    %get3A_21 = arith.constant 0 : index
    %get3A_22 = vector.load %arg6[%get3A_20, %get3A_21] : memref<128x128xf32, #tpu.memory_space<vmem>>, vector<128x128xf32>
    %dot_general3A_23 = arith.constant dense<0.000000e+00> : vector<1000x128xf32>
    %dot_general3A_24 = tpu.matmul %max3A_19, %get3A_22, %dot_general3A_23 {dimension_numbers = #tpu.dot_dimension_numbers<[1], [0], [0], [1], [0, 0, 1, 1], [], []>, transpose_lhs_hint = false} : vector<1000x128xf32>, vector<128x128xf32>, vector<1000x128xf32> -> vector<1000x128xf32>
    %get3A_25 = arith.constant 0 : index
    %get3A_26 = arith.constant 0 : index
    %get3A_27 = vector.load %arg7[%get3A_25, %get3A_26] : memref<1x128xf32, #tpu.memory_space<vmem>>, vector<1x128xf32>
    %add3A_28 = vector.broadcast %get3A_27 : vector<1x128xf32> to vector<1000x128xf32>
    %add3A_29 = arith.addf %dot_general3A_24, %add3A_28 : vector<1000x128xf32>
    %max3A_30 = arith.constant 0.000000e+00 : f32
    %max3A_31 = vector.broadcast %max3A_30 : f32 to vector<1000x128xf32>
    %max3A_32 = arith.maximumf %add3A_29, %max3A_31 : vector<1000x128xf32>
    %swap3A = arith.constant 0 : index
    %swap3A_33 = arith.constant 0 : index
    %swap3A_34 = vector.load %arg8[%swap3A, %swap3A_33] : memref<1000x128xf32, #tpu.memory_space<vmem>>, vector<1000x128xf32>
    tpu.vector_store %arg8[%swap3A, %swap3A_33], %max3A_32 {strides = array<i32>} : memref<1000x128xf32, #tpu.memory_space<vmem>>, vector<1000x128xf32>,
    %sub3A = arith.constant 1.000000e+00 : f32
    %sub3A_35 = vector.broadcast %sub3A : f32 to vector<1000x128xf32>
    %sub3A_36 = arith.subf %max3A_32, %sub3A_35 : vector<1000x128xf32>
    %reduce_sum3A = arith.constant dense<0.000000e+00> : vector<128xf32>
    %reduce_sum3A_37 = vector.multi_reduction <add>, %sub3A_36, %reduce_sum3A [0] : vector<1000x128xf32> to vector<128xf32>
    %broadcast_in_dim3A = vector.shape_cast %reduce_sum3A_37 : vector<128xf32> to vector<1x128xf32>
    %mul3A = arith.mulf %sub3A_36, %sub3A_36 : vector<1000x128xf32>
    %reduce_sum3A_38 = arith.constant dense<0.000000e+00> : vector<128xf32>
    %reduce_sum3A_39 = vector.multi_reduction <add>, %mul3A, %reduce_sum3A_38 [0] : vector<1000x128xf32> to vector<128xf32>
    %broadcast_in_dim3A_40 = vector.shape_cast %reduce_sum3A_39 : vector<128xf32> to vector<1x128xf32>
    %concatenate3A = tpu.concatenate %broadcast_in_dim3A, %broadcast_in_dim3A_40 in 0 : vector<1x128xf32>, vector<1x128xf32> -> vector<2x128xf32>
    %eq3A = arith.constant 0 : i32
    %eq3A_41 = arith.cmpi eq, %arg0, %eq3A : i32
    %convert_element_type3A = arith.extui %eq3A_41 : i1 to i32
    %cond3A = arith.constant 0 : i32
    %cond3A_42 = arith.cmpi ne, %convert_element_type3A, %cond3A : i32
    scf.if %cond3A_42 {
      %swap3A_47 = arith.constant 0 : index
      %swap3A_48 = arith.constant 0 : index
      %swap3A_49 = vector.load %arg9[%swap3A_47, %swap3A_48] : memref<2x128xf32, #tpu.memory_space<vmem>>, vector<2x128xf32>
      tpu.vector_store %arg9[%swap3A_47, %swap3A_48], %concatenate3A {strides = array<i32>} : memref<2x128xf32, #tpu.memory_space<vmem>>, vector<2x128xf32>,
    } else {
    }
    %gt3A = arith.constant 0 : i32
    %gt3A_43 = arith.cmpi sgt, %arg0, %gt3A : i32
    %convert_element_type3A_44 = arith.extui %gt3A_43 : i1 to i32
    %cond3A_45 = arith.constant 0 : i32
    %cond3A_46 = arith.cmpi ne, %convert_element_type3A_44, %cond3A_45 : i32
    scf.if %cond3A_46 {
      %get3A_47 = arith.constant 0 : index
      %get3A_48 = arith.constant 0 : index
      %get3A_49 = vector.load %arg9[%get3A_47, %get3A_48] : memref<2x128xf32, #tpu.memory_space<vmem>>, vector<2x128xf32>
      %add3A_50 = arith.addf %get3A_49, %concatenate3A : vector<2x128xf32>
      %swap3A_51 = arith.constant 0 : index
      %swap3A_52 = arith.constant 0 : index
      %swap3A_53 = vector.load %arg9[%swap3A_51, %swap3A_52] : memref<2x128xf32, #tpu.memory_space<vmem>>, vector<2x128xf32>
      tpu.vector_store %arg9[%swap3A_51, %swap3A_52], %add3A_50 {strides = array<i32>} : memref<2x128xf32, #tpu.memory_space<vmem>>, vector<2x128xf32>,
    } else {
    }
    return
  }
  func.func @transform_0(%arg0: i32) -> (i32, i32) {
    %c0_i32 = arith.constant 0 : i32
    %c0_i32_0 = arith.constant 0 : i32
    return %arg0, %c0_i32 : i32, i32
  }
  func.func @transform_1(%arg0: i32) -> (i32, i32) {
    %c0_i32 = arith.constant 0 : i32
    %c0_i32_0 = arith.constant 0 : i32
    return %arg0, %c0_i32 : i32, i32
  }
  func.func @transform_2(%arg0: i32) -> (i32, i32) {
    %c0_i32 = arith.constant 0 : i32
    %c0_i32_0 = arith.constant 0 : i32
    return %arg0, %c0_i32 : i32, i32
  }
  func.func @transform_3(%arg0: i32) -> (i32, i32) {
    %c0_i32 = arith.constant 0 : i32
    %c0_i32_0 = arith.constant 0 : i32
    %c0_i32_1 = arith.constant 0 : i32
    return %c0_i32, %c0_i32_0 : i32, i32
  }
  func.func @transform_4(%arg0: i32) -> (i32, i32) {
    %c0_i32 = arith.constant 0 : i32
    %c0_i32_0 = arith.constant 0 : i32
    %c0_i32_1 = arith.constant 0 : i32
    return %c0_i32, %c0_i32_0 : i32, i32
  }
  func.func @transform_5(%arg0: i32) -> (i32, i32) {
    %c0_i32 = arith.constant 0 : i32
    %c0_i32_0 = arith.constant 0 : i32
    %c0_i32_1 = arith.constant 0 : i32
    return %c0_i32, %c0_i32_0 : i32, i32
  }
  func.func @transform_6(%arg0: i32) -> (i32, i32) {
    %c0_i32 = arith.constant 0 : i32
    %c0_i32_0 = arith.constant 0 : i32
    %c0_i32_1 = arith.constant 0 : i32
    return %c0_i32, %c0_i32_0 : i32, i32
  }
  func.func @transform_7(%arg0: i32) -> (i32, i32) {
    %c0_i32 = arith.constant 0 : i32
    %c0_i32_0 = arith.constant 0 : i32
    return %arg0, %c0_i32 : i32, i32
  }
  func.func @transform_8(%arg0: i32) -> (i32, i32) {
    %c0_i32 = arith.constant 0 : i32
    %c0_i32_0 = arith.constant 0 : i32
    %c0_i32_1 = arith.constant 0 : i32
    return %c0_i32, %c0_i32_0 : i32, i32
  }
}

module attributes {stable_mosaic.version = 14 : i64} {
  func.func @_norm_pool_body(%arg0: i32, %arg1: memref<1000x128xf32, #tpu.memory_space<vmem>>, %arg2: memref<2x128xf32, #tpu.memory_space<vmem>>, %arg3: memref<1x128xf32, #tpu.memory_space<vmem>>, %arg4: memref<1x128xf32, #tpu.memory_space<vmem>>, %arg5: memref<1x1x1000xi32, #tpu.memory_space<vmem>>, %arg6: memref<1000x128xf32, #tpu.memory_space<vmem>>, %arg7: memref<128x128xf32, #tpu.memory_space<vmem>>) attributes {dimension_semantics = [#tpu.dimension_semantics<arbitrary>], iteration_bounds = array<i64: 10>, scalar_prefetch = 0 : i64, scratch_operands = 0 : i64, tpu.core_type = #tpu.core_type<tc>, window_params = [{transform_indices = @transform_0, window_bounds = array<i64: 1000, 128>}, {pipeline_mode = #tpu.pipeline_mode<synchronous>, transform_indices = @transform_1, window_bounds = array<i64: 2, 128>}, {pipeline_mode = #tpu.pipeline_mode<synchronous>, transform_indices = @transform_2, window_bounds = array<i64: 1, 128>}, {pipeline_mode = #tpu.pipeline_mode<synchronous>, transform_indices = @transform_3, window_bounds = array<i64: 1, 128>}, {transform_indices = @transform_4, window_bounds = array<i64: 1, 1, 1000>}, {transform_indices = @transform_5, window_bounds = array<i64: 1000, 128>}, {pipeline_mode = #tpu.pipeline_mode<synchronous>, transform_indices = @transform_6, window_bounds = array<i64: 128, 128>}]} {
    %get3A = arith.constant 0 : index
    %get3A_0 = arith.constant 0 : index
    %get3A_1 = vector.load %arg2[%get3A, %get3A_0] : memref<2x128xf32, #tpu.memory_space<vmem>>, vector<1x128xf32>
    %mul3A = arith.constant 9.99999974E-5 : f32
    %mul3A_2 = vector.broadcast %mul3A : f32 to vector<1x128xf32>
    %mul3A_3 = arith.mulf %get3A_1, %mul3A_2 : vector<1x128xf32>
    %add3A = arith.constant 1.000000e+00 : f32
    %add3A_4 = vector.broadcast %add3A : f32 to vector<1x128xf32>
    %add3A_5 = arith.addf %mul3A_3, %add3A_4 : vector<1x128xf32>
    %get3A_6 = arith.constant 1 : index
    %get3A_7 = arith.constant 0 : index
    %get3A_8 = vector.load %arg2[%get3A_6, %get3A_7] : memref<2x128xf32, #tpu.memory_space<vmem>>, vector<1x128xf32>
    %mul3A_9 = arith.constant 9.99999974E-5 : f32
    %mul3A_10 = vector.broadcast %mul3A_9 : f32 to vector<1x128xf32>
    %mul3A_11 = arith.mulf %get3A_8, %mul3A_10 : vector<1x128xf32>
    %mul3A_12 = arith.mulf %mul3A_3, %mul3A_3 : vector<1x128xf32>
    %sub3A = arith.subf %mul3A_11, %mul3A_12 : vector<1x128xf32>
    %add3A_13 = arith.constant 9.99999974E-6 : f32
    %add3A_14 = vector.broadcast %add3A_13 : f32 to vector<1x128xf32>
    %add3A_15 = arith.addf %sub3A, %add3A_14 : vector<1x128xf32>
    %rsqrt3A = math.rsqrt %add3A_15 : vector<1x128xf32>
    %get3A_16 = arith.constant 0 : index
    %get3A_17 = arith.constant 0 : index
    %get3A_18 = vector.load %arg3[%get3A_16, %get3A_17] : memref<1x128xf32, #tpu.memory_space<vmem>>, vector<1x128xf32>
    %mul3A_19 = arith.mulf %rsqrt3A, %get3A_18 : vector<1x128xf32>
    %get3A_20 = arith.constant 0 : index
    %get3A_21 = arith.constant 0 : index
    %get3A_22 = vector.load %arg4[%get3A_20, %get3A_21] : memref<1x128xf32, #tpu.memory_space<vmem>>, vector<1x128xf32>
    %mul3A_23 = arith.mulf %add3A_5, %mul3A_19 : vector<1x128xf32>
    %sub3A_24 = arith.subf %get3A_22, %mul3A_23 : vector<1x128xf32>
    %get3A_25 = arith.constant 0 : index
    %get3A_26 = arith.constant 0 : index
    %get3A_27 = vector.load %arg1[%get3A_25, %get3A_26] : memref<1000x128xf32, #tpu.memory_space<vmem>>, vector<1000x128xf32>
    %mul3A_28 = vector.broadcast %mul3A_19 : vector<1x128xf32> to vector<1000x128xf32>
    %mul3A_29 = arith.mulf %get3A_27, %mul3A_28 : vector<1000x128xf32>
    %add3A_30 = vector.broadcast %sub3A_24 : vector<1x128xf32> to vector<1000x128xf32>
    %add3A_31 = arith.addf %mul3A_29, %add3A_30 : vector<1000x128xf32>
    %swap3A = arith.constant 0 : index
    %swap3A_32 = arith.constant 0 : index
    %swap3A_33 = vector.load %arg6[%swap3A, %swap3A_32] : memref<1000x128xf32, #tpu.memory_space<vmem>>, vector<1000x128xf32>
    tpu.vector_store %arg6[%swap3A, %swap3A_32], %add3A_31 {strides = array<i32>} : memref<1000x128xf32, #tpu.memory_space<vmem>>, vector<1000x128xf32>,
    %get3A_34 = arith.constant 0 : index
    %get3A_35 = arith.constant 0 : index
    %get3A_36 = arith.constant 0 : index
    %get3A_37 = vector.load %arg5[%get3A_34, %get3A_35, %get3A_36] : memref<1x1x1000xi32, #tpu.memory_space<vmem>>, vector<1x1x1000xi32>
    %get3A_38 = vector.shape_cast %get3A_37 : vector<1x1x1000xi32> to vector<1x1000xi32>
    %iota3A = tpu.iota {dimensions = array<i32: 0>} : vector<128x1000xi32>
    %eq3A = vector.broadcast %get3A_38 : vector<1x1000xi32> to vector<128x1000xi32>
    %eq3A_39 = arith.cmpi eq, %eq3A, %iota3A : vector<128x1000xi32>
    %convert_element_type3A = arith.extui %eq3A_39 : vector<128x1000xi1> to vector<128x1000xi32>
    %convert_element_type3A_40 = arith.sitofp %convert_element_type3A : vector<128x1000xi32> to vector<128x1000xf32>
    %dot_general3A = arith.constant dense<0.000000e+00> : vector<128x128xf32>
    %dot_general3A_41 = tpu.matmul %convert_element_type3A_40, %add3A_31, %dot_general3A {dimension_numbers = #tpu.dot_dimension_numbers<[1], [0], [0], [1], [0, 0, 1, 1], [], []>, transpose_lhs_hint = false} : vector<128x1000xf32>, vector<1000x128xf32>, vector<128x128xf32> -> vector<128x128xf32>
    %eq3A_42 = arith.constant 0 : i32
    %eq3A_43 = arith.cmpi eq, %arg0, %eq3A_42 : i32
    %convert_element_type3A_44 = arith.extui %eq3A_43 : i1 to i32
    %cond3A = arith.constant 0 : i32
    %cond3A_45 = arith.cmpi ne, %convert_element_type3A_44, %cond3A : i32
    scf.if %cond3A_45 {
      %swap3A_50 = arith.constant 0 : index
      %swap3A_51 = arith.constant 0 : index
      %swap3A_52 = vector.load %arg7[%swap3A_50, %swap3A_51] : memref<128x128xf32, #tpu.memory_space<vmem>>, vector<128x128xf32>
      tpu.vector_store %arg7[%swap3A_50, %swap3A_51], %dot_general3A_41 {strides = array<i32>} : memref<128x128xf32, #tpu.memory_space<vmem>>, vector<128x128xf32>,
    } else {
    }
    %gt3A = arith.constant 0 : i32
    %gt3A_46 = arith.cmpi sgt, %arg0, %gt3A : i32
    %convert_element_type3A_47 = arith.extui %gt3A_46 : i1 to i32
    %cond3A_48 = arith.constant 0 : i32
    %cond3A_49 = arith.cmpi ne, %convert_element_type3A_47, %cond3A_48 : i32
    scf.if %cond3A_49 {
      %get3A_50 = arith.constant 0 : index
      %get3A_51 = arith.constant 0 : index
      %get3A_52 = vector.load %arg7[%get3A_50, %get3A_51] : memref<128x128xf32, #tpu.memory_space<vmem>>, vector<128x128xf32>
      %add3A_53 = arith.addf %get3A_52, %dot_general3A_41 : vector<128x128xf32>
      %swap3A_54 = arith.constant 0 : index
      %swap3A_55 = arith.constant 0 : index
      %swap3A_56 = vector.load %arg7[%swap3A_54, %swap3A_55] : memref<128x128xf32, #tpu.memory_space<vmem>>, vector<128x128xf32>
      tpu.vector_store %arg7[%swap3A_54, %swap3A_55], %add3A_53 {strides = array<i32>} : memref<128x128xf32, #tpu.memory_space<vmem>>, vector<128x128xf32>,
    } else {
    }
    return
  }
  func.func @transform_0(%arg0: i32) -> (i32, i32) {
    %c0_i32 = arith.constant 0 : i32
    %c0_i32_0 = arith.constant 0 : i32
    return %arg0, %c0_i32 : i32, i32
  }
  func.func @transform_1(%arg0: i32) -> (i32, i32) {
    %c0_i32 = arith.constant 0 : i32
    %c0_i32_0 = arith.constant 0 : i32
    %c0_i32_1 = arith.constant 0 : i32
    return %c0_i32, %c0_i32_0 : i32, i32
  }
  func.func @transform_2(%arg0: i32) -> (i32, i32) {
    %c0_i32 = arith.constant 0 : i32
    %c0_i32_0 = arith.constant 0 : i32
    %c0_i32_1 = arith.constant 0 : i32
    return %c0_i32, %c0_i32_0 : i32, i32
  }
  func.func @transform_3(%arg0: i32) -> (i32, i32) {
    %c0_i32 = arith.constant 0 : i32
    %c0_i32_0 = arith.constant 0 : i32
    %c0_i32_1 = arith.constant 0 : i32
    return %c0_i32, %c0_i32_0 : i32, i32
  }
  func.func @transform_4(%arg0: i32) -> (i32, i32, i32) {
    %c0_i32 = arith.constant 0 : i32
    %c0_i32_0 = arith.constant 0 : i32
    %c0_i32_1 = arith.constant 0 : i32
    return %arg0, %c0_i32, %c0_i32_0 : i32, i32, i32
  }
  func.func @transform_5(%arg0: i32) -> (i32, i32) {
    %c0_i32 = arith.constant 0 : i32
    %c0_i32_0 = arith.constant 0 : i32
    return %arg0, %c0_i32 : i32, i32
  }
  func.func @transform_6(%arg0: i32) -> (i32, i32) {
    %c0_i32 = arith.constant 0 : i32
    %c0_i32_0 = arith.constant 0 : i32
    %c0_i32_1 = arith.constant 0 : i32
    return %c0_i32, %c0_i32_0 : i32, i32
  }
}

module attributes {stable_mosaic.version = 14 : i64} {
  func.func @_norm_pool_body(%arg0: i32, %arg1: memref<1000x128xf32, #tpu.memory_space<vmem>>, %arg2: memref<2x128xf32, #tpu.memory_space<vmem>>, %arg3: memref<1x128xf32, #tpu.memory_space<vmem>>, %arg4: memref<1x128xf32, #tpu.memory_space<vmem>>, %arg5: memref<1x1x1000xi32, #tpu.memory_space<vmem>>, %arg6: memref<1000x128xf32, #tpu.memory_space<vmem>>, %arg7: memref<128x128xf32, #tpu.memory_space<vmem>>) attributes {dimension_semantics = [#tpu.dimension_semantics<arbitrary>], iteration_bounds = array<i64: 10>, scalar_prefetch = 0 : i64, scratch_operands = 0 : i64, tpu.core_type = #tpu.core_type<tc>, window_params = [{transform_indices = @transform_0, window_bounds = array<i64: 1000, 128>}, {pipeline_mode = #tpu.pipeline_mode<synchronous>, transform_indices = @transform_1, window_bounds = array<i64: 2, 128>}, {pipeline_mode = #tpu.pipeline_mode<synchronous>, transform_indices = @transform_2, window_bounds = array<i64: 1, 128>}, {pipeline_mode = #tpu.pipeline_mode<synchronous>, transform_indices = @transform_3, window_bounds = array<i64: 1, 128>}, {transform_indices = @transform_4, window_bounds = array<i64: 1, 1, 1000>}, {transform_indices = @transform_5, window_bounds = array<i64: 1000, 128>}, {pipeline_mode = #tpu.pipeline_mode<synchronous>, transform_indices = @transform_6, window_bounds = array<i64: 128, 128>}]} {
    %get3A = arith.constant 0 : index
    %get3A_0 = arith.constant 0 : index
    %get3A_1 = vector.load %arg2[%get3A, %get3A_0] : memref<2x128xf32, #tpu.memory_space<vmem>>, vector<1x128xf32>
    %mul3A = arith.constant 9.99999974E-5 : f32
    %mul3A_2 = vector.broadcast %mul3A : f32 to vector<1x128xf32>
    %mul3A_3 = arith.mulf %get3A_1, %mul3A_2 : vector<1x128xf32>
    %add3A = arith.constant 1.000000e+00 : f32
    %add3A_4 = vector.broadcast %add3A : f32 to vector<1x128xf32>
    %add3A_5 = arith.addf %mul3A_3, %add3A_4 : vector<1x128xf32>
    %get3A_6 = arith.constant 1 : index
    %get3A_7 = arith.constant 0 : index
    %get3A_8 = vector.load %arg2[%get3A_6, %get3A_7] : memref<2x128xf32, #tpu.memory_space<vmem>>, vector<1x128xf32>
    %mul3A_9 = arith.constant 9.99999974E-5 : f32
    %mul3A_10 = vector.broadcast %mul3A_9 : f32 to vector<1x128xf32>
    %mul3A_11 = arith.mulf %get3A_8, %mul3A_10 : vector<1x128xf32>
    %mul3A_12 = arith.mulf %mul3A_3, %mul3A_3 : vector<1x128xf32>
    %sub3A = arith.subf %mul3A_11, %mul3A_12 : vector<1x128xf32>
    %add3A_13 = arith.constant 9.99999974E-6 : f32
    %add3A_14 = vector.broadcast %add3A_13 : f32 to vector<1x128xf32>
    %add3A_15 = arith.addf %sub3A, %add3A_14 : vector<1x128xf32>
    %rsqrt3A = math.rsqrt %add3A_15 : vector<1x128xf32>
    %get3A_16 = arith.constant 0 : index
    %get3A_17 = arith.constant 0 : index
    %get3A_18 = vector.load %arg3[%get3A_16, %get3A_17] : memref<1x128xf32, #tpu.memory_space<vmem>>, vector<1x128xf32>
    %mul3A_19 = arith.mulf %rsqrt3A, %get3A_18 : vector<1x128xf32>
    %get3A_20 = arith.constant 0 : index
    %get3A_21 = arith.constant 0 : index
    %get3A_22 = vector.load %arg4[%get3A_20, %get3A_21] : memref<1x128xf32, #tpu.memory_space<vmem>>, vector<1x128xf32>
    %mul3A_23 = arith.mulf %add3A_5, %mul3A_19 : vector<1x128xf32>
    %sub3A_24 = arith.subf %get3A_22, %mul3A_23 : vector<1x128xf32>
    %get3A_25 = arith.constant 0 : index
    %get3A_26 = arith.constant 0 : index
    %get3A_27 = vector.load %arg1[%get3A_25, %get3A_26] : memref<1000x128xf32, #tpu.memory_space<vmem>>, vector<1000x128xf32>
    %mul3A_28 = vector.broadcast %mul3A_19 : vector<1x128xf32> to vector<1000x128xf32>
    %mul3A_29 = arith.mulf %get3A_27, %mul3A_28 : vector<1000x128xf32>
    %add3A_30 = vector.broadcast %sub3A_24 : vector<1x128xf32> to vector<1000x128xf32>
    %add3A_31 = arith.addf %mul3A_29, %add3A_30 : vector<1000x128xf32>
    %swap3A = arith.constant 0 : index
    %swap3A_32 = arith.constant 0 : index
    %swap3A_33 = vector.load %arg6[%swap3A, %swap3A_32] : memref<1000x128xf32, #tpu.memory_space<vmem>>, vector<1000x128xf32>
    tpu.vector_store %arg6[%swap3A, %swap3A_32], %add3A_31 {strides = array<i32>} : memref<1000x128xf32, #tpu.memory_space<vmem>>, vector<1000x128xf32>,
    %get3A_34 = arith.constant 0 : index
    %get3A_35 = arith.constant 0 : index
    %get3A_36 = arith.constant 0 : index
    %get3A_37 = vector.load %arg5[%get3A_34, %get3A_35, %get3A_36] : memref<1x1x1000xi32, #tpu.memory_space<vmem>>, vector<1x1x1000xi32>
    %get3A_38 = vector.shape_cast %get3A_37 : vector<1x1x1000xi32> to vector<1x1000xi32>
    %iota3A = tpu.iota {dimensions = array<i32: 0>} : vector<128x1000xi32>
    %eq3A = vector.broadcast %get3A_38 : vector<1x1000xi32> to vector<128x1000xi32>
    %eq3A_39 = arith.cmpi eq, %eq3A, %iota3A : vector<128x1000xi32>
    %convert_element_type3A = arith.extui %eq3A_39 : vector<128x1000xi1> to vector<128x1000xi32>
    %convert_element_type3A_40 = arith.sitofp %convert_element_type3A : vector<128x1000xi32> to vector<128x1000xf32>
    %dot_general3A = arith.constant dense<0.000000e+00> : vector<128x128xf32>
    %dot_general3A_41 = tpu.matmul %convert_element_type3A_40, %add3A_31, %dot_general3A {dimension_numbers = #tpu.dot_dimension_numbers<[1], [0], [0], [1], [0, 0, 1, 1], [], []>, transpose_lhs_hint = false} : vector<128x1000xf32>, vector<1000x128xf32>, vector<128x128xf32> -> vector<128x128xf32>
    %eq3A_42 = arith.constant 0 : i32
    %eq3A_43 = arith.cmpi eq, %arg0, %eq3A_42 : i32
    %convert_element_type3A_44 = arith.extui %eq3A_43 : i1 to i32
    %cond3A = arith.constant 0 : i32
    %cond3A_45 = arith.cmpi ne, %convert_element_type3A_44, %cond3A : i32
    scf.if %cond3A_45 {
      %swap3A_50 = arith.constant 0 : index
      %swap3A_51 = arith.constant 0 : index
      %swap3A_52 = vector.load %arg7[%swap3A_50, %swap3A_51] : memref<128x128xf32, #tpu.memory_space<vmem>>, vector<128x128xf32>
      tpu.vector_store %arg7[%swap3A_50, %swap3A_51], %dot_general3A_41 {strides = array<i32>} : memref<128x128xf32, #tpu.memory_space<vmem>>, vector<128x128xf32>,
    } else {
    }
    %gt3A = arith.constant 0 : i32
    %gt3A_46 = arith.cmpi sgt, %arg0, %gt3A : i32
    %convert_element_type3A_47 = arith.extui %gt3A_46 : i1 to i32
    %cond3A_48 = arith.constant 0 : i32
    %cond3A_49 = arith.cmpi ne, %convert_element_type3A_47, %cond3A_48 : i32
    scf.if %cond3A_49 {
      %get3A_50 = arith.constant 0 : index
      %get3A_51 = arith.constant 0 : index
      %get3A_52 = vector.load %arg7[%get3A_50, %get3A_51] : memref<128x128xf32, #tpu.memory_space<vmem>>, vector<128x128xf32>
      %add3A_53 = arith.addf %get3A_52, %dot_general3A_41 : vector<128x128xf32>
      %swap3A_54 = arith.constant 0 : index
      %swap3A_55 = arith.constant 0 : index
      %swap3A_56 = vector.load %arg7[%swap3A_54, %swap3A_55] : memref<128x128xf32, #tpu.memory_space<vmem>>, vector<128x128xf32>
      tpu.vector_store %arg7[%swap3A_54, %swap3A_55], %add3A_53 {strides = array<i32>} : memref<128x128xf32, #tpu.memory_space<vmem>>, vector<128x128xf32>,
    } else {
    }
    return
  }
  func.func @transform_0(%arg0: i32) -> (i32, i32) {
    %c0_i32 = arith.constant 0 : i32
    %c0_i32_0 = arith.constant 0 : i32
    return %arg0, %c0_i32 : i32, i32
  }
  func.func @transform_1(%arg0: i32) -> (i32, i32) {
    %c0_i32 = arith.constant 0 : i32
    %c0_i32_0 = arith.constant 0 : i32
    %c0_i32_1 = arith.constant 0 : i32
    return %c0_i32, %c0_i32_0 : i32, i32
  }
  func.func @transform_2(%arg0: i32) -> (i32, i32) {
    %c0_i32 = arith.constant 0 : i32
    %c0_i32_0 = arith.constant 0 : i32
    %c0_i32_1 = arith.constant 0 : i32
    return %c0_i32, %c0_i32_0 : i32, i32
  }
  func.func @transform_3(%arg0: i32) -> (i32, i32) {
    %c0_i32 = arith.constant 0 : i32
    %c0_i32_0 = arith.constant 0 : i32
    %c0_i32_1 = arith.constant 0 : i32
    return %c0_i32, %c0_i32_0 : i32, i32
  }
  func.func @transform_4(%arg0: i32) -> (i32, i32, i32) {
    %c0_i32 = arith.constant 0 : i32
    %c0_i32_0 = arith.constant 0 : i32
    %c0_i32_1 = arith.constant 0 : i32
    return %arg0, %c0_i32, %c0_i32_0 : i32, i32, i32
  }
  func.func @transform_5(%arg0: i32) -> (i32, i32) {
    %c0_i32 = arith.constant 0 : i32
    %c0_i32_0 = arith.constant 0 : i32
    return %arg0, %c0_i32 : i32, i32
  }
  func.func @transform_6(%arg0: i32) -> (i32, i32) {
    %c0_i32 = arith.constant 0 : i32
    %c0_i32_0 = arith.constant 0 : i32
    %c0_i32_1 = arith.constant 0 : i32
    return %c0_i32, %c0_i32_0 : i32, i32
  }
}

module attributes {stable_mosaic.version = 14 : i64} {
  func.func @_head_body(%arg0: memref<128x128xf32, #tpu.memory_space<vmem>>, %arg1: memref<128x128xf32, #tpu.memory_space<vmem>>, %arg2: memref<128x128xf32, #tpu.memory_space<vmem>>, %arg3: memref<384x384xf32, #tpu.memory_space<vmem>>, %arg4: memref<1x384xf32, #tpu.memory_space<vmem>>, %arg5: memref<384x384xf32, #tpu.memory_space<vmem>>, %arg6: memref<1x384xf32, #tpu.memory_space<vmem>>, %arg7: memref<128x384xf32, #tpu.memory_space<vmem>>, %arg8: memref<128x384xf32, #tpu.memory_space<vmem>>) attributes {dimension_semantics = [], scalar_prefetch = 0 : i64, scratch_operands = 0 : i64, tpu.core_type = #tpu.core_type<tc>} {
    %get3A = arith.constant 0 : index
    %get3A_0 = arith.constant 0 : index
    %get3A_1 = vector.load %arg0[%get3A, %get3A_0] : memref<128x128xf32, #tpu.memory_space<vmem>>, vector<128x128xf32>
    %get3A_2 = arith.constant 0 : index
    %get3A_3 = arith.constant 0 : index
    %get3A_4 = vector.load %arg1[%get3A_2, %get3A_3] : memref<128x128xf32, #tpu.memory_space<vmem>>, vector<128x128xf32>
    %get3A_5 = arith.constant 0 : index
    %get3A_6 = arith.constant 0 : index
    %get3A_7 = vector.load %arg2[%get3A_5, %get3A_6] : memref<128x128xf32, #tpu.memory_space<vmem>>, vector<128x128xf32>
    %concatenate3A = tpu.concatenate %get3A_1, %get3A_4, %get3A_7 in 1 : vector<128x128xf32>, vector<128x128xf32>, vector<128x128xf32> -> vector<128x384xf32>
    %get3A_8 = arith.constant 0 : index
    %get3A_9 = arith.constant 0 : index
    %get3A_10 = vector.load %arg3[%get3A_8, %get3A_9] : memref<384x384xf32, #tpu.memory_space<vmem>>, vector<384x384xf32>
    %dot_general3A = arith.constant dense<0.000000e+00> : vector<128x384xf32>
    %dot_general3A_11 = tpu.matmul %concatenate3A, %get3A_10, %dot_general3A {dimension_numbers = #tpu.dot_dimension_numbers<[1], [0], [0], [1], [0, 0, 1, 1], [], []>, transpose_lhs_hint = false} : vector<128x384xf32>, vector<384x384xf32>, vector<128x384xf32> -> vector<128x384xf32>
    %get3A_12 = arith.constant 0 : index
    %get3A_13 = arith.constant 0 : index
    %get3A_14 = vector.load %arg4[%get3A_12, %get3A_13] : memref<1x384xf32, #tpu.memory_space<vmem>>, vector<1x384xf32>
    %add3A = vector.broadcast %get3A_14 : vector<1x384xf32> to vector<128x384xf32>
    %add3A_15 = arith.addf %dot_general3A_11, %add3A : vector<128x384xf32>
    %max3A = arith.constant 0.000000e+00 : f32
    %max3A_16 = vector.broadcast %max3A : f32 to vector<128x384xf32>
    %max3A_17 = arith.maximumf %add3A_15, %max3A_16 : vector<128x384xf32>
    %get3A_18 = arith.constant 0 : index
    %get3A_19 = arith.constant 0 : index
    %get3A_20 = vector.load %arg5[%get3A_18, %get3A_19] : memref<384x384xf32, #tpu.memory_space<vmem>>, vector<384x384xf32>
    %dot_general3A_21 = arith.constant dense<0.000000e+00> : vector<128x384xf32>
    %dot_general3A_22 = tpu.matmul %max3A_17, %get3A_20, %dot_general3A_21 {dimension_numbers = #tpu.dot_dimension_numbers<[1], [0], [0], [1], [0, 0, 1, 1], [], []>, transpose_lhs_hint = false} : vector<128x384xf32>, vector<384x384xf32>, vector<128x384xf32> -> vector<128x384xf32>
    %get3A_23 = arith.constant 0 : index
    %get3A_24 = arith.constant 0 : index
    %get3A_25 = vector.load %arg6[%get3A_23, %get3A_24] : memref<1x384xf32, #tpu.memory_space<vmem>>, vector<1x384xf32>
    %add3A_26 = vector.broadcast %get3A_25 : vector<1x384xf32> to vector<128x384xf32>
    %add3A_27 = arith.addf %dot_general3A_22, %add3A_26 : vector<128x384xf32>
    %mul3A = arith.mulf %concatenate3A, %concatenate3A : vector<128x384xf32>
    %reduce_sum3A = arith.constant dense<0.000000e+00> : vector<128xf32>
    %reduce_sum3A_28 = vector.multi_reduction <add>, %mul3A, %reduce_sum3A [1] : vector<128x384xf32> to vector<128xf32>
    %broadcast_in_dim3A = vector.shape_cast %reduce_sum3A_28 : vector<128xf32> to vector<128x1xf32>
    %sqrt3A = math.sqrt %broadcast_in_dim3A : vector<128x1xf32>
    %mul3A_29 = arith.mulf %add3A_27, %add3A_27 : vector<128x384xf32>
    %reduce_sum3A_30 = arith.constant dense<0.000000e+00> : vector<128xf32>
    %reduce_sum3A_31 = vector.multi_reduction <add>, %mul3A_29, %reduce_sum3A_30 [1] : vector<128x384xf32> to vector<128xf32>
    %broadcast_in_dim3A_32 = vector.shape_cast %reduce_sum3A_31 : vector<128xf32> to vector<128x1xf32>
    %sqrt3A_33 = math.sqrt %broadcast_in_dim3A_32 : vector<128x1xf32>
    %max3A_34 = arith.constant 9.99999996E-13 : f32
    %max3A_35 = vector.broadcast %max3A_34 : f32 to vector<128x1xf32>
    %max3A_36 = arith.maximumf %sqrt3A, %max3A_35 : vector<128x1xf32>
    %div3A = vector.broadcast %max3A_36 : vector<128x1xf32> to vector<128x384xf32>
    %div3A_37 = arith.divf %concatenate3A, %div3A : vector<128x384xf32>
    %swap3A = arith.constant 0 : index
    %swap3A_38 = arith.constant 0 : index
    %swap3A_39 = vector.load %arg8[%swap3A, %swap3A_38] : memref<128x384xf32, #tpu.memory_space<vmem>>, vector<128x384xf32>
    tpu.vector_store %arg8[%swap3A, %swap3A_38], %div3A_37 {strides = array<i32>} : memref<128x384xf32, #tpu.memory_space<vmem>>, vector<128x384xf32>,
    %max3A_40 = arith.constant 9.99999996E-13 : f32
    %max3A_41 = vector.broadcast %max3A_40 : f32 to vector<128x1xf32>
    %max3A_42 = arith.maximumf %sqrt3A_33, %max3A_41 : vector<128x1xf32>
    %div3A_43 = vector.broadcast %max3A_42 : vector<128x1xf32> to vector<128x384xf32>
    %div3A_44 = arith.divf %add3A_27, %div3A_43 : vector<128x384xf32>
    %swap3A_45 = arith.constant 0 : index
    %swap3A_46 = arith.constant 0 : index
    %swap3A_47 = vector.load %arg7[%swap3A_45, %swap3A_46] : memref<128x384xf32, #tpu.memory_space<vmem>>, vector<128x384xf32>
    tpu.vector_store %arg7[%swap3A_45, %swap3A_46], %div3A_44 {strides = array<i32>} : memref<128x384xf32, #tpu.memory_space<vmem>>, vector<128x384xf32>,
    return
  }
}

</mosaic_0001>

<sc_bundles>
// kernel: kernel.12.cloned.1.call-start
scs
__scs_entry_jumppad:
0x0: {  	(pc) =	sbr.rel $0x88, $3  }
0x1: {  	(tag) =	ssettag $0x0;
	lr =	simm.s32 $0x1  }
0x2: {  	[smem:$0x3F88] =	sst lr;
	_ =	strace $0xD0000000  }
0x3: {  	_ = 	snop  }
0x4: {  	_ = 	snop  }
0x5: {  	_ = 	snop  }
0x6: {  	_ = 	snop  }
0x7: {  	_ = 	snop  }
__scs_overlays_trampoline_lowered:
0x8: {  	[smem:$0x3F97] =	sst s0  }
0x9: {  	[smem:$0x3F98] =	sst s1  }
0xa: {  	[smem:$0x3F99] =	sst s2  }
0xb: {  	[smem:$0x3F9A] =	sst s3  }
0xc: {  	[smem:$0x3F9B] =	sst s4  }
0xd: {  	[smem:$0x3F9C] =	sst s5  }
0xe: {  	[smem:$0x3F9D] =	sst s6  }
0xf: {  	[smem:$0x3F9E] =	sst s7  }
0x10: {  	[smem:$0x3F9F] =	sst s8  }
0x11: {  	[smem:$0x3FA0] =	sst s9;
	s0 =	simm.s32 @!p0 $0x0  }
0x12: {  	s1 =	sld [smem:$0x3F86];
	s0 =	simm.s32 @p0 $0x1  }
0x13: {  	[smem:$0x3FA1] =	sst s0;
	s0 =	simm.s32 @!p1 $0x0  }
0x14: {  	s2 =	sld [smem:$0x3F85];
	s0 =	simm.s32 @p1 $0x1  }
0x15: {  	[smem:$0x3FA2] =	sst s0;
	s0 =	simm.s32 @!p2 $0x0  }
0x16: {  	s3 =	sld [smem:$0x3FDB];
	s0 =	simm.s32 @p2 $0x1  }
0x17: {  	s4 =	simm.s32 $0x1BF5;
	[smem:$0x3FA4] =	sst s0  }
0x18: {  	s0 =	sld [smem:$0x3F87];
	_ =	swait.ge [sflag:s4], $0x0  }
0x19: {  	s7 =	sld [smem:$0x3F88]  }
0x1a: {  	s8 =	sadd.s32 $0xFFFFE003, lr  }
0x1b: {  	s9 =	sadd.s32 $0xFFFFFEF7, lr;
	s5 =	simm.s32 $0xFFFFFFFF;
	p2 =	slt.u32 s8, $0xFFFFF086  }
0x1c: {  	p1 =	slt.u32 s9, $0xF7A;
	s5 =	simm.s32 @!p2 $0x0  }
0x1d: {  	s5 =	simm.s32 @p1 $0x1;
	p0 =	seq.s32 s7, s2  }
0x1e: {  	s7 =	smul.u32 @!p0 $0xF7A, s2;
	p2 =	seq.s32 @!p0 s5, $0x0  }
0x1f: {  	s9 =	smul.u32 $0xF7A, s1;
	s8 =	simm.s32 @!p0 $0x1BF5;
	p2 =	por !p2, p0  }
0x20: {  	[sflag:s8] =	ssyncset.s32 @!p0 $0xFFFFF086;
	s6 =	sadd.s32 @!p0 s3, s7;
	s7 =	simm.s32 @!p0 $0x108  }
0x21: {  	s3 =	sadd.s32 s3, s9;
	s6 =	sadd.s32 @!p0 $0x88, s6;
	s7 =	simm.s32 @p2 $0x1082  }
0x22: {  	[simem:s7], [sflag:s8] =	dma.local @!p0 [hbm:s6], $0xF7A  }
0x23: {  	s9 =	sor.u32 $0xD0000000, s2;
	s6 =	simm.s32 $0x108;
	_ =	swait.ge @!p0 [sflag:s8], $0x0  }
0x24: {  	s3 =	sadd.s32 $0x88, s3;
	s6 =	simm.s32 @!p1 $0x1082;
	[sflag:s4] =	ssyncset.s32 $0xFFFFF086  }
0x25: {  	[simem:s6], [sflag:s4] =	dma.local [hbm:s3], $0xF7A  }
0x26: {  	[smem:$0x3F88] =	sst s1;
	(tag) =	ssettag s2;
	_ =	strace s9  }
0x27: {  	s1 =	sld [smem:$0x3F98]  }
0x28: {  	s2 =	sld [smem:$0x3F99]  }
0x29: {  	s4 =	sld [smem:$0x3F9B]  }
0x2a: {  	p0 =	seq.s32 s5, $0x0;
	s5 =	sld [smem:$0x3F9C]  }
0x2b: {  	s6 =	sld [smem:$0x3F9D]  }
0x2c: {  	s7 =	sld [smem:$0x3F9E]  }
0x2d: {  	s3 =	simm.s32 $0x108;
	s8 =	sld [smem:$0x3F9F]  }
0x2e: {  	s3 =	simm.s32 @!p0 $0x1082;
	s9 =	sld [smem:$0x3FA0]  }
0x2f: {  	lr =	sadd.s32 s0, s3;
	s0 =	sld [smem:$0x3F97]  }
0x30: {  	s3 =	sld [smem:$0x3F9A]  }
0x31: {  	[smem:$0x3FA3] =	sst s10  }
0x32: {  	s10 =	sld [smem:$0x3FA1];
	_ =	sdelay $0x3  }
0x33: {  	p0 =	seq.s32 s10, $0x1;
	s10 =	sld [smem:$0x3FA3];
	_ =	sdelay $0x3  }
0x34: {  	[smem:$0x3FA3] =	sst s10  }
0x35: {  	s10 =	sld [smem:$0x3FA2];
	_ =	sdelay $0x3  }
0x36: {  	p1 =	seq.s32 s10, $0x1;
	s10 =	sld [smem:$0x3FA3];
	_ =	sdelay $0x3  }
0x37: {  	[smem:$0x3FA3] =	sst s10  }
0x38: {  	s10 =	sld [smem:$0x3FA4]  }
0x39: {  	_ = 	snop;
	(pc) =	sbr.ind lr, $3  }
0x3a: {  	_ = 	snop  }
0x3b: {  	_ = 	snop  }
0x3c: {  	p2 =	seq.s32 s10, $0x1;
	s10 =	sld [smem:$0x3FA3]  }
0x3d: {  	_ =	shalt  }
0x3e: {  	_ =	shalt  }
0x3f: {  	_ =	shalt  }
0x40: {  	_ =	shalt  }
0x41: {  	_ =	shalt  }
0x42: {  	_ =	shalt  }
0x43: {  	_ =	shalt  }
0x44: {  	_ =	shalt  }
0x45: {  	_ =	shalt  }
0x46: {  	_ =	shalt  }
0x47: {  	_ =	shalt  }
0x48: {  	_ =	shalt  }
0x49: {  	_ =	shalt  }
0x4a: {  	_ =	shalt  }
0x4b: {  	_ =	shalt  }
0x4c: {  	_ =	shalt  }
0x4d: {  	_ =	shalt  }
0x4e: {  	_ =	shalt  }
0x4f: {  	_ =	shalt  }
0x50: {  	_ =	shalt  }
0x51: {  	_ =	shalt  }
0x52: {  	_ =	shalt  }
0x53: {  	_ =	shalt  }
0x54: {  	_ =	shalt  }
0x55: {  	_ =	shalt  }
0x56: {  	_ =	shalt  }
0x57: {  	_ =	shalt  }
0x58: {  	_ =	shalt  }
0x59: {  	_ =	shalt  }
0x5a: {  	_ =	shalt  }
0x5b: {  	_ =	shalt  }
0x5c: {  	_ =	shalt  }
0x5d: {  	_ =	shalt  }
0x5e: {  	_ =	shalt  }
0x5f: {  	_ =	shalt  }
0x60: {  	_ =	shalt  }
0x61: {  	_ =	shalt  }
0x62: {  	_ =	shalt  }
0x63: {  	_ =	shalt  }
0x64: {  	_ =	shalt  }
0x65: {  	_ =	shalt  }
0x66: {  	_ =	shalt  }
0x67: {  	_ =	shalt  }
0x68: {  	_ =	shalt  }
0x69: {  	_ =	shalt  }
0x6a: {  	_ =	shalt  }
0x6b: {  	_ =	shalt  }
0x6c: {  	_ =	shalt  }
0x6d: {  	_ =	shalt  }
0x6e: {  	_ =	shalt  }
0x6f: {  	_ =	shalt  }
0x70: {  	_ =	shalt  }
0x71: {  	_ =	shalt  }
0x72: {  	_ =	shalt  }
0x73: {  	_ =	shalt  }
0x74: {  	_ =	shalt  }
0x75: {  	_ =	shalt  }
0x76: {  	_ =	shalt  }
0x77: {  	_ =	shalt  }
0x78: {  	_ =	shalt  }
0x79: {  	_ =	shalt  }
0x7a: {  	_ =	shalt  }
0x7b: {  	_ =	shalt  }
0x7c: {  	_ =	shalt  }
0x7d: {  	_ =	shalt  }
0x7e: {  	_ =	shalt  }
0x7f: {  	_ =	shalt  }
0x80: {  	_ =	shalt  }
0x81: {  	_ =	shalt  }
0x82: {  	_ =	shalt  }
0x83: {  	_ =	shalt  }
0x84: {  	_ =	shalt  }
0x85: {  	_ =	shalt  }
0x86: {  	_ =	shalt  }
0x87: {  	_ =	shalt  }
.Lfunc_end0:
.L_simem_size_0:
called_computation_lowered:
.L_overlay_start_0:
0x88: {  	s2 =	sld [smem:$0x3FD9]  }
0x89: {  	s3 =	sld [smem:$0x3FFE];
	_ =	sdelay $0x1  }
0x8a: {  	s1 =	srdreg.scid  }
0x8b: {  	s0 =	sand.u32 $0x1, s1  }
0x8c: {  	s17 =	sshll.u32 s0, $0xA;
	s2 =	sadd.s32 s3, s2  }
0x8d: {  	s2 =	sadd.s32 s2, s17  }
0x8e: {  	[smem:$0x3FAF] =	sst s2  }
0x8f: {  	_ = 	snop  }
0x90: {  	s2 =	sld [smem:$0x3FC9];
	(tm) =	ssettm $0x1  }
0x91: {  	s18 =	sld [smem:$0x3FFB];
	_ =	sdelay $0x3  }
0x92: {  	_ =	strace s18  }
0x93: {  	s3 =	sld [smem:$0x3FFC];
	_ =	sdelay $0x3  }
0x94: {  	_ =	strace s3  }
0x95: {  	s3 =	sld [smem:$0x3FFD];
	_ =	sdelay $0x3  }
0x96: {  	_ =	strace s3  }
0x97: {  	_ =	strace $0x8FFFFFFF  }
0x98: {  	s19 =	sld [smem:$0x3FDB];
	_ =	sdelay $0x1  }
0x99: {  	s4 =	simm.s32 $_scs_section_size  }
0x9a: {  	s5 =	simm.s32 $_size__tile_overlayer_lowered;
	s6 =	simm.s32 $_tile_overlayer_lowered  }
0x9b: {  	s22 =	simm.s32 $0x1BFF;
	s21 =	sshll.u32 s6, $0x1;
	s3 =	sadd.s32 s4, s19  }
0x9c: {  	s7 =	simm.s32 $0x0;
	s20 =	sshll.u32 s5, $0x1;
	s5 =	sadd.s32 s21, s3  }
0x9d: {  	[timem:s7], [sflag:s22] =	dma.local [hbm:s5], s20  }
0x9e: {  	_ =	swait.ge [sflag:s22], s20  }
0x9f: {  	s4 =	ssub.s32 $0x0, s20;
	[sflag:s22] =	ssyncset.done $0x0  }
0xa0: {  	[sflag:s22] =	ssyncadd.s32 s4;
	_ =	sdelay $0x1  }
0xa1: {  	s23 =	simm.s32 $0x1B8B  }
0xa2: {  	_ =	swait.ge [sflag:s23], $0x1  }
0xa3: {  	[sflag:s23] =	ssyncset.done $0x0  }
0xa4: {  	s25 =	simm.s32 $0x1B8E;
	s24 =	sld [smem:$0x3FFE];
	[sflag:s23] =	ssyncadd.s32 $0xFFFFFFFF  }
0xa5: {  	s26 =	simm.s32 $execute0_lowered;
	[smem:$0x3FD2] =	sst s25  }
0xa6: {  	s5 =	sshll.u32 s26, $0x1;
	_ =	strace $0x80000046;
	[dreg:$0x1] =	wrdreg $0xFFFFFFFF  }
0xa7: {  	s28 =	simm.s32 $_size_execute0_lowered;
	s3 =	sadd.s32 s3, s5;
	[dreg:$0x0] =	wrdreg $0x0  }
0xa8: {  	s5 =	sshll.u32 s28, $0x1;
	[dreg:$0x2] =	wrdreg s3  }
0xa9: {  	[dreg:$0x3] =	wrdreg s5  }
0xaa: {  	[dreg:$0x4] =	wrdreg $0xC0  }
0xab: {  	_ =	task [dreg:s7], $0x5FFFF  }
0xac: {  	[dreg:$0x1] =	wrdreg $0xFFFFFFFF  }
0xad: {  	[dreg:$0x0] =	wrdreg $0x60  }
0xae: {  	[dreg:$0x2] =	wrdreg s2  }
0xaf: {  	[dreg:$0x3] =	wrdreg s24  }
0xb0: {  	[dreg:$0x4] =	wrdreg $0x82000  }
0xb1: {  	[dreg:$0x5] =	wrdreg $0x9  }
0xb2: {  	_ =	task.clear_ibuf [dreg:s7], $0x6FFFF;
	_ =	strace $0x90000046  }
0xb3: {  	s29 =	simm.s32 $0x9;
	_ =	strace $0x80000048  }
0xb4: {  	_ =	swait.ge [sflag:s29], $0x1  }
0xb5: {  	[sflag:s29] =	ssyncadd.s32 $0xFFFFFFFF  }
0xb6: {  	_ =	strace $0x90000048  }
0xb7: {  	_ =	sfence  }
0xb8: {  	s30 =	sld [smem:$0x0];
	_ =	sdelay $0x2  }
0xb9: {  	s31 =	sshll.u32 s1, $0xD;
	s1 =	sshrl.u32 s1, $0x2  }
0xba: {  	s3 =	sand.u32 $0x4000, s31;
	s1 =	sadd.s32 s1, s30  }
0xbb: {  	s0 =	sor.u32 s3, s0;
	s1 =	sshll.u32 s1, $0x11  }
0xbc: {  	s0 =	sor.u32 s1, s0  }
0xbd: {  	s0 =	sadd.s32 $0x8F2B, s0  }
0xbe: {  	[sflag:s0] =	ssyncadd.remote.s32 $0x1  }
0xbf: {  	_ =	sfence.sel $0xFFFF  }
0xc0: {  	[dreg:$0x0] =	wrdreg $0xFFFFFFFF;
	(pc) =	sbr.abs _section_cstart, $3  }
0xc1: {  	[dreg:$0x1] =	wrdreg $0xFFFFFFFF  }
0xc2: {  	_ =	task.clear_ibuf [dreg:s7], $0x2FFFF;
	_ =	strace $0x9FFFFFFF  }
0xc3: {  	(tm) =	ssettm $0x7FFFFFFF  }
tec
execute0_lowered:
.L_overlay_start_1:
0x0: {  	(tag) =	ssettag $0x1  }
0x1: {  	s2 =	rddreg [dreg:$0x0]  }
0x2: {  	s0 =	rddreg [dreg:$0x1]  }
0x3: {  	s3 =	rddreg [dreg:$0x2]  }
0x4: {  	s1 =	stileid.u32;
	s5 =	srdreg.scid  }
0x5: {  	s4 =	simm.s32 $0x0;
	s19 =	simm.s32 $0x180;
	s20 =	simm.s32 $0x5  }
0x6: {  	s21 =	simm.s32 $0x1;
	s22 =	simm.s32 $0x200;
	s28 =	simm.s32 $0x4  }
0x7: {  	s29 =	simm.s32 $0x0;
	s24 =	smul.u32 $0x2800, s1;
	s5 =	sand.u32 $0x1, s5  }
0x8: {  	[smem:$0x7FF] =	sst s4;
	s15 =	sadd.s32 $0xFE00, s0;
	s16 =	sadd.s32 $0x6000, s0  }
0x9: {  	s17 =	sshll.u32 s1, $0x5;
	s8 =	smul.u32 $0x50000, s1;
	s31 =	sshll.u32 s1, $0x6  }
0xa: {  	p0 =	sgt.u32 s1, $0x1;
	s6 =	smul.u32 $0x28000, s5;
	_ =	strace $0x80000047  }
0xb: {  	s23 =	ssub.s32 $0x2, s5;
	s18 =	sshll.u32 s5, $0x4;
	s10 =	sadd.s32 s24, s0  }
0xc: {  	s25 =	sshrl.u32 s23, $0x1;
	s12 =	sor.u32 s18, s17;
	s11 =	sshrl.u32 s8, $0x2  }
0xd: {  	s0 =	sadd.s32 s6, s0;
	s14 =	ssub.s32 s23, s25;
	s26 =	sadd.s32 s15, s12  }
0xe: {  	s9 =	sor.u32 $0x200, s12;
	s30 =	sadd.s32 s16, s12;
	s10 =	sadd.s32 $0x19C00, s10  }
0xf: {  	s13 =	sor.u32 $0x9C00, s12;
	s23 =	simm.s32 $0x2;
	[dreg:$0x4] =	wrdreg s26  }
0x10: {  	s25 =	simm.s32 $0x4200;
	[dreg:$0x5] =	wrdreg s30;
	s7 =	sadd.s32 s15, s9  }
0x11: {  	s8 =	sadd.s32 s16, s9;
	s9 =	sadd.s32 s11, s3;
	s11 =	sor.u32 $0x1C05, s31  }
0x12: {  	s12 =	sadd.s32 s15, s13;
	s13 =	sadd.s32 s16, s13;
	s0 =	sadd.s32 $0x41C00, s0  }
0x13: {  	s14 =	smax.u32 s14, $0x1;
	s15 =	sadd.s32 s17, s15;
	s16 =	sadd.s32 s17, s16  }
0x14: {  	s17 =	simm.s32 $0x100;
	s26 =	simm.s32 $0x3;
	s15 =	sadd.s32 s18, s15  }
0x15: {  	s16 =	sadd.s32 s18, s16;
	s18 =	simm.s32 $0x80;
	s24 =	sadd.s32 s24, s0  }
.LBB2_1:
0x16: {  	s0 =	rddreg [dreg:$0x4]  }
0x17: {  	[tilespmem:s4], [sflag:$0x1] =	stream.linear.gather [hbm4b:s0+s4], $0x80, $0x38;
	[tilespmem:$0x1C200] =	vst v63  }
0x18: {  	s5 =	rddreg [dreg:$0x5]  }
0x19: {  	[tilespmem:s17], [sflag:$0x1] =	stream.linear.gather [hbm4b:s5+s4], $0x80, $0x38;
	[tilespmem:$0x1C200] =	vst v63  }
0x1a: {  	_ = 	snop  }
0x1b: {  	[tilespmem:s18], [sflag:$0x2] =	stream.linear.gather [hbm4b:s7+s4], $0x80, $0x38;
	[tilespmem:$0x1C200] =	vst v63  }
0x1c: {  	s30 =	sshrl.u32 s9, $0x3  }
0x1d: {  	[tilespmem:s19], [sflag:$0x2] =	stream.linear.gather [hbm4b:s8+s4], $0x80, $0x38;
	[tilespmem:$0x1C200] =	vst v63  }
0x1e: {  	[spmem:s30], [sflag:s11] =	dma.local [hbm:s10], $0x2800  }
0x1f: {  	_ =	swait.ge [sflag:s20], $0x2800  }
0x20: {  	[sflag:s20] =	ssyncset.done $0x0  }
0x21: {  	[sflag:s20] =	ssyncadd.s32 $0xFFFFD800  }
0x22: {  	[bflag:$0x0] =	sbarrier.arrive $0xFFFF  }
0x23: {  	_ =	swait.ge [sflag:s21], $0x80  }
0x24: {  	[sflag:s21] =	ssyncset.done $0x0  }
0x25: {  	[sflag:s21] =	ssyncadd.s32 $0xFFFFFF80  }
0x26: {  	_ =	swait.ge [sflag:s21], $0x80  }
0x27: {  	[sflag:s21] =	ssyncset.done $0x0  }
0x28: {  	[sflag:s21] =	ssyncadd.s32 $0xFFFFFF80  }
0x29: {  	[tilespmem:s22], [sflag:$0x3] =	stream.indirect.gather [hbm4b:s2+s18], $0x80, s4, s18, $0xb8;
	[tilespmem:$0x1C200] =	vst v63  }
0x2a: {  	_ =	swait.ge [sflag:s23], $0x80  }
0x2b: {  	[sflag:s23] =	ssyncset.done $0x0  }
0x2c: {  	[sflag:s23] =	ssyncadd.s32 $0xFFFFFF80  }
0x2d: {  	_ =	swait.ge [sflag:s23], $0x80  }
0x2e: {  	[sflag:s23] =	ssyncset.done $0x0  }
0x2f: {  	[sflag:s23] =	ssyncadd.s32 $0xFFFFFF80  }
0x30: {  	[tilespmem:s25], [sflag:$0x4] =	stream.indirect.gather [hbm4b:s2+s18], $0x80, s18, s18, $0xb8;
	[tilespmem:$0x1C200] =	vst v63  }
0x31: {  	_ =	swait.ge [sflag:s26], $0x4000  }
0x32: {  	[sflag:s26] =	ssyncset.done $0x0  }
0x33: {  	[sflag:s26] =	ssyncadd.s32 $0xFFFFC000  }
0x34: {  	[spmem:s3] =	stream.indirect.scatter.add.f32 [tilespmem:s22], [sflag:$0x5], $0x80, s17, s18, $0xb8;
	[tilespmem:$0x1C200] =	vst v63  }
0x35: {  	_ =	swait.ge [sflag:s20], $0x4000  }
0x36: {  	s6 =	sadd.s32 $0x0, s15;
	[sflag:s20] =	ssyncset.done $0x0  }
0x37: {  	s1 =	sadd.s32 $0x0, s16;
	s31 =	sadd.s32 $0x400, s6;
	[sflag:s20] =	ssyncadd.s32 $0xFFFFC000  }
0x38: {  	[tilespmem:s4], [sflag:$0x1] =	stream.linear.gather [hbm4b:s31+s4], $0x80, $0x38;
	[tilespmem:$0x1C200] =	vst v63  }
0x39: {  	s31 =	sadd.s32 $0x400, s1  }
0x3a: {  	[tilespmem:s17], [sflag:$0x1] =	stream.linear.gather [hbm4b:s31+s4], $0x80, $0x38;
	[tilespmem:$0x1C200] =	vst v63  }
0x3b: {  	_ =	swait.ge [sflag:s21], $0x80  }
0x3c: {  	[sflag:s21] =	ssyncset.done $0x0  }
0x3d: {  	[sflag:s21] =	ssyncadd.s32 $0xFFFFFF80  }
0x3e: {  	_ =	swait.ge [sflag:s21], $0x80  }
0x3f: {  	[sflag:s21] =	ssyncset.done $0x0  }
0x40: {  	[sflag:s21] =	ssyncadd.s32 $0xFFFFFF80  }
0x41: {  	[tilespmem:s22], [sflag:$0x3] =	stream.indirect.gather [hbm4b:s2+s18], $0x80, s4, s18, $0xb8;
	[tilespmem:$0x1C200] =	vst v63  }
0x42: {  	_ =	swait.ge [sflag:s28], $0x4000  }
0x43: {  	[sflag:s28] =	ssyncset.done $0x0  }
0x44: {  	[sflag:s28] =	ssyncadd.s32 $0xFFFFC000  }
0x45: {  	[spmem:s3] =	stream.indirect.scatter.add.f32 [tilespmem:s25], [sflag:$0x5], $0x80, s19, s18, $0xb8;
	[tilespmem:$0x1C200] =	vst v63  }
0x46: {  	_ =	swait.ge [sflag:s20], $0x4000  }
0x47: {  	[sflag:s20] =	ssyncset.done $0x0  }
0x48: {  	s0 =	sadd.s32 $0x600, s6;
	[sflag:s20] =	ssyncadd.s32 $0xFFFFC000  }
0x49: {  	[tilespmem:s18], [sflag:$0x2] =	stream.linear.gather [hbm4b:s0+s4], $0x80, $0x38;
	[tilespmem:$0x1C200] =	vst v63  }
0x4a: {  	s31 =	simm.s32 $0x400;
	s0 =	sadd.s32 $0x600, s1  }
.LBB2_2:
0x4b: {  	[tilespmem:s19], [sflag:$0x2] =	stream.linear.gather [hbm4b:s0+s4], $0x80, $0x38;
	[tilespmem:$0x1C200] =	vst v63  }
0x4c: {  	s0 =	smov.u32 s31  }
0x4d: {  	p1 =	sne.s32 s31, $0x9400;
	s31 =	sadd.s32 $0x400, s31;
	_ =	swait.ge [sflag:s23], $0x80  }
0x4e: {  	[sflag:s23] =	ssyncset.done $0x0  }
0x4f: {  	[sflag:s23] =	ssyncadd.s32 $0xFFFFFF80  }
0x50: {  	_ =	swait.ge [sflag:s23], $0x80  }
0x51: {  	[sflag:s23] =	ssyncset.done $0x0  }
0x52: {  	[sflag:s23] =	ssyncadd.s32 $0xFFFFFF80  }
0x53: {  	[tilespmem:s25], [sflag:$0x4] =	stream.indirect.gather [hbm4b:s2+s18], $0x80, s18, s18, $0xb8;
	[tilespmem:$0x1C200] =	vst v63  }
0x54: {  	_ =	swait.ge [sflag:s26], $0x4000  }
0x55: {  	[sflag:s26] =	ssyncset.done $0x0  }
0x56: {  	[sflag:s26] =	ssyncadd.s32 $0xFFFFC000  }
0x57: {  	[spmem:s3] =	stream.indirect.scatter.add.f32 [tilespmem:s22], [sflag:$0x5], $0x80, s17, s18, $0xb8;
	[tilespmem:$0x1C200] =	vst v63  }
0x58: {  	_ =	swait.ge [sflag:s20], $0x4000  }
0x59: {  	s1 =	sadd.s32 s0, s15;
	[sflag:s20] =	ssyncset.done $0x0  }
0x5a: {  	s0 =	sadd.s32 s0, s16;
	s5 =	sadd.s32 $0x400, s1;
	[sflag:s20] =	ssyncadd.s32 $0xFFFFC000  }
0x5b: {  	[tilespmem:s4], [sflag:$0x1] =	stream.linear.gather [hbm4b:s5+s4], $0x80, $0x38;
	[tilespmem:$0x1C200] =	vst v63  }
0x5c: {  	s5 =	sadd.s32 $0x400, s0  }
0x5d: {  	[tilespmem:s17], [sflag:$0x1] =	stream.linear.gather [hbm4b:s5+s4], $0x80, $0x38;
	[tilespmem:$0x1C200] =	vst v63  }
0x5e: {  	_ =	swait.ge [sflag:s21], $0x80  }
0x5f: {  	[sflag:s21] =	ssyncset.done $0x0  }
0x60: {  	[sflag:s21] =	ssyncadd.s32 $0xFFFFFF80  }
0x61: {  	_ =	swait.ge [sflag:s21], $0x80  }
0x62: {  	[sflag:s21] =	ssyncset.done $0x0  }
0x63: {  	[sflag:s21] =	ssyncadd.s32 $0xFFFFFF80  }
0x64: {  	[tilespmem:s22], [sflag:$0x3] =	stream.indirect.gather [hbm4b:s2+s18], $0x80, s4, s18, $0xb8;
	[tilespmem:$0x1C200] =	vst v63  }
0x65: {  	_ =	swait.ge [sflag:s28], $0x4000  }
0x66: {  	[sflag:s28] =	ssyncset.done $0x0  }
0x67: {  	[sflag:s28] =	ssyncadd.s32 $0xFFFFC000  }
0x68: {  	[spmem:s3] =	stream.indirect.scatter.add.f32 [tilespmem:s25], [sflag:$0x5], $0x80, s19, s18, $0xb8;
	[tilespmem:$0x1C200] =	vst v63  }
.Ltmp0:
0x69: {  	_ =	swait.ge [sflag:s20], $0x4000;
	(pc) =	sbr.rel @p1 .LBB2_2-.Ltmp0, $4  }
0x6a: {  	[sflag:s20] =	ssyncset.done $0x0  }
0x6b: {  	s1 =	sadd.s32 $0x600, s1;
	[sflag:s20] =	ssyncadd.s32 $0xFFFFC000  }
0x6c: {  	[tilespmem:s18], [sflag:$0x2] =	stream.linear.gather [hbm4b:s1+s4], $0x80, $0x38;
	[tilespmem:$0x1C200] =	vst v63  }
0x6d: {  	s0 =	sadd.s32 $0x600, s0  }
0x6e: {  	[tilespmem:s19], [sflag:$0x2] =	stream.linear.gather [hbm4b:s0+s4], $0x80, $0x38;
	[tilespmem:$0x1C200] =	vst v63  }
0x6f: {  	_ =	swait.ge [sflag:s23], $0x80  }
0x70: {  	[sflag:s23] =	ssyncset.done $0x0  }
0x71: {  	[sflag:s23] =	ssyncadd.s32 $0xFFFFFF80  }
0x72: {  	_ =	swait.ge [sflag:s23], $0x80  }
0x73: {  	[sflag:s23] =	ssyncset.done $0x0  }
0x74: {  	[sflag:s23] =	ssyncadd.s32 $0xFFFFFF80  }
0x75: {  	[tilespmem:s25], [sflag:$0x4] =	stream.indirect.gather [hbm4b:s2+s18], $0x80, s18, s18, $0xb8;
	[tilespmem:$0x1C200] =	vst v63  }
0x76: {  	_ =	swait.ge [sflag:s26], $0x4000  }
0x77: {  	[sflag:s26] =	ssyncset.done $0x0  }
0x78: {  	[sflag:s26] =	ssyncadd.s32 $0xFFFFC000  }
0x79: {  	[spmem:s3] =	stream.indirect.scatter.add.f32 [tilespmem:s22], [sflag:$0x5], $0x80, s17, s18, $0xb8;
	[tilespmem:$0x1C200] =	vst v63  }
0x7a: {  	_ =	swait.ge [sflag:s20], $0x4000  }
0x7b: {  	[sflag:s20] =	ssyncset.done $0x0  }
0x7c: {  	[sflag:s20] =	ssyncadd.s32 $0xFFFFC000  }
0x7d: {  	_ =	swait.ge [sflag:s28], $0x4000  }
0x7e: {  	[sflag:s28] =	ssyncset.done $0x0  }
0x7f: {  	[sflag:s28] =	ssyncadd.s32 $0xFFFFC000  }
0x80: {  	[spmem:s3] =	stream.indirect.scatter.add.f32 [tilespmem:s25], [sflag:$0x5], $0x80, s19, s18, $0xb8;
	[tilespmem:$0x1C200] =	vst v63  }
0x81: {  	_ =	swait.ge [sflag:s20], $0x4000  }
0x82: {  	[sflag:s20] =	ssyncset.done $0x0  }
0x83: {  	s0 =	simm.s32 @!p0 $0x0;
	s1 =	simm.s32 @!p0 $0x5;
	[sflag:s20] =	ssyncadd.s32 $0xFFFFC000  }
0x84: {  	[tilespmem:s0], [sflag:$0x5] =	stream.linear.gather @!p0 [hbm4b:s12+s0], $0x80, $0x38;
	[tilespmem:$0x1C200] =	vst v63  }
0x85: {  	_ =	swait.ge @!p0 [sflag:s1], $0x80  }
0x86: {  	[sflag:s1] =	ssyncset.done @!p0 $0x0  }
0x87: {  	s5 =	simm.s32 @!p0 $0x100;
	[sflag:s1] =	ssyncadd.s32 @!p0 $0xFFFFFF80  }
0x88: {  	[tilespmem:s5], [sflag:$0x5] =	stream.linear.gather @!p0 [hbm4b:s13+s0], $0x80, $0x38;
	[tilespmem:$0x1C200] =	vst v63  }
0x89: {  	_ =	swait.ge @!p0 [sflag:s1], $0x80  }
0x8a: {  	[sflag:s1] =	ssyncset.done @!p0 $0x0  }
0x8b: {  	s31 =	simm.s32 @!p0 $0x80;
	s6 =	simm.s32 @!p0 $0x200;
	[sflag:s1] =	ssyncadd.s32 @!p0 $0xFFFFFF80  }
0x8c: {  	[tilespmem:s6], [sflag:$0x3] =	stream.indirect.gather @!p0 [hbm4b:s2+s31], $0x80, s0, s31, $0xb8;
	[tilespmem:$0x1C200] =	vst v63  }
0x8d: {  	s0 =	simm.s32 @!p0 $0x3  }
0x8e: {  	_ =	swait.ge @!p0 [sflag:s0], $0x4000  }
0x8f: {  	[sflag:s0] =	ssyncset.done @!p0 $0x0  }
0x90: {  	[sflag:s0] =	ssyncadd.s32 @!p0 $0xFFFFC000  }
0x91: {  	[spmem:s3] =	stream.indirect.scatter.add.f32 @!p0 [tilespmem:s6], [sflag:$0x5], $0x80, s5, s31, $0xb8;
	[tilespmem:$0x1C200] =	vst v63  }
0x92: {  	_ =	swait.ge @!p0 [sflag:s1], $0x4000  }
0x93: {  	s29 =	sadd.s32 $0x1, s29;
	[sflag:s1] =	ssyncset.done @!p0 $0x0  }
0x94: {  	p1 =	sne.s32 s29, s14;
	[sflag:s1] =	ssyncadd.s32 @!p0 $0xFFFFC000  }
.Ltmp1:
0x95: {  	[bflag:$0x0] =	sbarrier.arrive $0xFFFF;
	(pc) =	sbr.rel @p1 .LBB2_1-.Ltmp1, $4  }
0x96: {  	[hbm:s24], [sflag:s11] =	dma.local [spmem:s30], $0x2800  }
0x97: {  	_ =	swait.ge [sflag:s20], $0x2800  }
0x98: {  	[sflag:s20] =	ssyncset.done $0x0  }
0x99: {  	[sflag:s20] =	ssyncadd.s32 $0xFFFFD800  }
0x9a: {  	_ =	sfence.sel $0x180000  }
0x9b: {  	[bflag:$0x0] =	sbarrier.arrive $0xFFFF  }
0x9c: {  	_ =	strace $0x90000047  }
0x9d: {  	s0 =	stileid.u32;
	[bflag:$0x2] =	sbarrier.arrive $0xFFFF  }
0x9e: {  	p0 =	sne.s32 s0, $0x0;
	s0 =	rddreg [dreg:$0x3]  }
0x9f: {  	s0 =	sadd.s32 @!p0 $0x100000, s0  }
0xa0: {  	[sflag:s0] =	ssyncadd.tile.s32 @!p0 $0x1;
	_ =	shalt  }
.Lfunc_end2:
_tile_overlayer_lowered:
.L_overlay_start_2:
0xa1: {  	(tag) =	ssettag $0x2  }
0xa2: {  	s0 =	rddreg [dreg:$0x0];
	s2 =	stileid.u32  }
0xa3: {  	s1 =	rddreg [dreg:$0x1];
	p0 =	sne.s32 s2, $0x0  }
0xa4: {  	s3 =	rddreg [dreg:$0x2];
	[bflag:$0x3] =	sbarrier.arrive $0xFFFF;
	s2 =	simm.s32 @!p0 $0x1C05  }
0xa5: {  	[timem:s3], [sflag:s2] =	dma.local @!p0 [hbm:s0], s1  }
0xa6: {  	s0 =	simm.s32 @!p0 $0x5  }
0xa7: {  	_ =	swait.ge @!p0 [sflag:s0], s1  }
0xa8: {  	s1 =	ssub.s32 @!p0 $0x0, s1;
	[sflag:s0] =	ssyncset.done @!p0 $0x0  }
0xa9: {  	[sflag:s0] =	ssyncadd.s32 @!p0 s1  }
0xaa: {  	[bflag:$0x3] =	sbarrier.arrive $0xFFFF  }
0xab: {  	_ =	shalt  }

// kernel: kernel.15.cloned.1.call-start
scs
__scs_entry_jumppad:
0x0: {  	(pc) =	sbr.rel $0x88, $3  }
0x1: {  	(tag) =	ssettag $0x0;
	lr =	simm.s32 $0x1  }
0x2: {  	[smem:$0x3F88] =	sst lr;
	_ =	strace $0xD0000000  }
0x3: {  	_ = 	snop  }
0x4: {  	_ = 	snop  }
0x5: {  	_ = 	snop  }
0x6: {  	_ = 	snop  }
0x7: {  	_ = 	snop  }
__scs_overlays_trampoline_lowered:
0x8: {  	[smem:$0x3F97] =	sst s0  }
0x9: {  	[smem:$0x3F98] =	sst s1  }
0xa: {  	[smem:$0x3F99] =	sst s2  }
0xb: {  	[smem:$0x3F9A] =	sst s3  }
0xc: {  	[smem:$0x3F9B] =	sst s4  }
0xd: {  	[smem:$0x3F9C] =	sst s5  }
0xe: {  	[smem:$0x3F9D] =	sst s6  }
0xf: {  	[smem:$0x3F9E] =	sst s7  }
0x10: {  	[smem:$0x3F9F] =	sst s8  }
0x11: {  	[smem:$0x3FA0] =	sst s9;
	s0 =	simm.s32 @!p0 $0x0  }
0x12: {  	s1 =	sld [smem:$0x3F86];
	s0 =	simm.s32 @p0 $0x1  }
0x13: {  	[smem:$0x3FA1] =	sst s0;
	s0 =	simm.s32 @!p1 $0x0  }
0x14: {  	s2 =	sld [smem:$0x3F85];
	s0 =	simm.s32 @p1 $0x1  }
0x15: {  	[smem:$0x3FA2] =	sst s0;
	s0 =	simm.s32 @!p2 $0x0  }
0x16: {  	s3 =	sld [smem:$0x3FDB];
	s0 =	simm.s32 @p2 $0x1  }
0x17: {  	s4 =	simm.s32 $0x1BF5;
	[smem:$0x3FA4] =	sst s0  }
0x18: {  	s0 =	sld [smem:$0x3F87];
	_ =	swait.ge [sflag:s4], $0x0  }
0x19: {  	s7 =	sld [smem:$0x3F88]  }
0x1a: {  	s8 =	sadd.s32 $0xFFFFE003, lr  }
0x1b: {  	s9 =	sadd.s32 $0xFFFFFEF7, lr;
	s5 =	simm.s32 $0xFFFFFFFF;
	p2 =	slt.u32 s8, $0xFFFFF086  }
0x1c: {  	p1 =	slt.u32 s9, $0xF7A;
	s5 =	simm.s32 @!p2 $0x0  }
0x1d: {  	s5 =	simm.s32 @p1 $0x1;
	p0 =	seq.s32 s7, s2  }
0x1e: {  	s7 =	smul.u32 @!p0 $0xF7A, s2;
	p2 =	seq.s32 @!p0 s5, $0x0  }
0x1f: {  	s9 =	smul.u32 $0xF7A, s1;
	s8 =	simm.s32 @!p0 $0x1BF5;
	p2 =	por !p2, p0  }
0x20: {  	[sflag:s8] =	ssyncset.s32 @!p0 $0xFFFFF086;
	s6 =	sadd.s32 @!p0 s3, s7;
	s7 =	simm.s32 @!p0 $0x108  }
0x21: {  	s3 =	sadd.s32 s3, s9;
	s6 =	sadd.s32 @!p0 $0x88, s6;
	s7 =	simm.s32 @p2 $0x1082  }
0x22: {  	[simem:s7], [sflag:s8] =	dma.local @!p0 [hbm:s6], $0xF7A  }
0x23: {  	s9 =	sor.u32 $0xD0000000, s2;
	s6 =	simm.s32 $0x108;
	_ =	swait.ge @!p0 [sflag:s8], $0x0  }
0x24: {  	s3 =	sadd.s32 $0x88, s3;
	s6 =	simm.s32 @!p1 $0x1082;
	[sflag:s4] =	ssyncset.s32 $0xFFFFF086  }
0x25: {  	[simem:s6], [sflag:s4] =	dma.local [hbm:s3], $0xF7A  }
0x26: {  	[smem:$0x3F88] =	sst s1;
	(tag) =	ssettag s2;
	_ =	strace s9  }
0x27: {  	s1 =	sld [smem:$0x3F98]  }
0x28: {  	s2 =	sld [smem:$0x3F99]  }
0x29: {  	s4 =	sld [smem:$0x3F9B]  }
0x2a: {  	p0 =	seq.s32 s5, $0x0;
	s5 =	sld [smem:$0x3F9C]  }
0x2b: {  	s6 =	sld [smem:$0x3F9D]  }
0x2c: {  	s7 =	sld [smem:$0x3F9E]  }
0x2d: {  	s3 =	simm.s32 $0x108;
	s8 =	sld [smem:$0x3F9F]  }
0x2e: {  	s3 =	simm.s32 @!p0 $0x1082;
	s9 =	sld [smem:$0x3FA0]  }
0x2f: {  	lr =	sadd.s32 s0, s3;
	s0 =	sld [smem:$0x3F97]  }
0x30: {  	s3 =	sld [smem:$0x3F9A]  }
0x31: {  	[smem:$0x3FA3] =	sst s10  }
0x32: {  	s10 =	sld [smem:$0x3FA1];
	_ =	sdelay $0x3  }
0x33: {  	p0 =	seq.s32 s10, $0x1;
	s10 =	sld [smem:$0x3FA3];
	_ =	sdelay $0x3  }
0x34: {  	[smem:$0x3FA3] =	sst s10  }
0x35: {  	s10 =	sld [smem:$0x3FA2];
	_ =	sdelay $0x3  }
0x36: {  	p1 =	seq.s32 s10, $0x1;
	s10 =	sld [smem:$0x3FA3];
	_ =	sdelay $0x3  }
0x37: {  	[smem:$0x3FA3] =	sst s10  }
0x38: {  	s10 =	sld [smem:$0x3FA4]  }
0x39: {  	_ = 	snop;
	(pc) =	sbr.ind lr, $3  }
0x3a: {  	_ = 	snop  }
0x3b: {  	_ = 	snop  }
0x3c: {  	p2 =	seq.s32 s10, $0x1;
	s10 =	sld [smem:$0x3FA3]  }
0x3d: {  	_ =	shalt  }
0x3e: {  	_ =	shalt  }
0x3f: {  	_ =	shalt  }
0x40: {  	_ =	shalt  }
0x41: {  	_ =	shalt  }
0x42: {  	_ =	shalt  }
0x43: {  	_ =	shalt  }
0x44: {  	_ =	shalt  }
0x45: {  	_ =	shalt  }
0x46: {  	_ =	shalt  }
0x47: {  	_ =	shalt  }
0x48: {  	_ =	shalt  }
0x49: {  	_ =	shalt  }
0x4a: {  	_ =	shalt  }
0x4b: {  	_ =	shalt  }
0x4c: {  	_ =	shalt  }
0x4d: {  	_ =	shalt  }
0x4e: {  	_ =	shalt  }
0x4f: {  	_ =	shalt  }
0x50: {  	_ =	shalt  }
0x51: {  	_ =	shalt  }
0x52: {  	_ =	shalt  }
0x53: {  	_ =	shalt  }
0x54: {  	_ =	shalt  }
0x55: {  	_ =	shalt  }
0x56: {  	_ =	shalt  }
0x57: {  	_ =	shalt  }
0x58: {  	_ =	shalt  }
0x59: {  	_ =	shalt  }
0x5a: {  	_ =	shalt  }
0x5b: {  	_ =	shalt  }
0x5c: {  	_ =	shalt  }
0x5d: {  	_ =	shalt  }
0x5e: {  	_ =	shalt  }
0x5f: {  	_ =	shalt  }
0x60: {  	_ =	shalt  }
0x61: {  	_ =	shalt  }
0x62: {  	_ =	shalt  }
0x63: {  	_ =	shalt  }
0x64: {  	_ =	shalt  }
0x65: {  	_ =	shalt  }
0x66: {  	_ =	shalt  }
0x67: {  	_ =	shalt  }
0x68: {  	_ =	shalt  }
0x69: {  	_ =	shalt  }
0x6a: {  	_ =	shalt  }
0x6b: {  	_ =	shalt  }
0x6c: {  	_ =	shalt  }
0x6d: {  	_ =	shalt  }
0x6e: {  	_ =	shalt  }
0x6f: {  	_ =	shalt  }
0x70: {  	_ =	shalt  }
0x71: {  	_ =	shalt  }
0x72: {  	_ =	shalt  }
0x73: {  	_ =	shalt  }
0x74: {  	_ =	shalt  }
0x75: {  	_ =	shalt  }
0x76: {  	_ =	shalt  }
0x77: {  	_ =	shalt  }
0x78: {  	_ =	shalt  }
0x79: {  	_ =	shalt  }
0x7a: {  	_ =	shalt  }
0x7b: {  	_ =	shalt  }
0x7c: {  	_ =	shalt  }
0x7d: {  	_ =	shalt  }
0x7e: {  	_ =	shalt  }
0x7f: {  	_ =	shalt  }
0x80: {  	_ =	shalt  }
0x81: {  	_ =	shalt  }
0x82: {  	_ =	shalt  }
0x83: {  	_ =	shalt  }
0x84: {  	_ =	shalt  }
0x85: {  	_ =	shalt  }
0x86: {  	_ =	shalt  }
0x87: {  	_ =	shalt  }
.Lfunc_end0:
.L_simem_size_0:
called_computation.1_lowered:
.L_overlay_start_0:
0x88: {  	s2 =	sld [smem:$0x3FD9]  }
0x89: {  	s3 =	sld [smem:$0x3FFE];
	_ =	sdelay $0x1  }
0x8a: {  	s1 =	srdreg.scid  }
0x8b: {  	s0 =	sand.u32 $0x1, s1  }
0x8c: {  	s16 =	sshll.u32 s0, $0xA;
	s2 =	sadd.s32 s3, s2  }
0x8d: {  	s2 =	sadd.s32 s2, s16  }
0x8e: {  	[smem:$0x3FAF] =	sst s2  }
0x8f: {  	_ = 	snop  }
0x90: {  	(tm) =	ssettm $0x1  }
0x91: {  	s17 =	sld [smem:$0x3FFB];
	_ =	sdelay $0x3  }
0x92: {  	_ =	strace s17  }
0x93: {  	s2 =	sld [smem:$0x3FFC];
	_ =	sdelay $0x3  }
0x94: {  	_ =	strace s2  }
0x95: {  	s2 =	sld [smem:$0x3FFD];
	_ =	sdelay $0x3  }
0x96: {  	_ =	strace s2  }
0x97: {  	_ =	strace $0x8FFFFFFF  }
0x98: {  	s18 =	sld [smem:$0x3FDB];
	_ =	sdelay $0x1  }
0x99: {  	s19 =	simm.s32 $_scs_section_size  }
0x9a: {  	s4 =	simm.s32 $_size__tile_overlayer_lowered;
	s5 =	simm.s32 $_tile_overlayer_lowered  }
0x9b: {  	s22 =	simm.s32 $0x1BFF;
	s21 =	sshll.u32 s5, $0x1;
	s2 =	sadd.s32 s19, s18  }
0x9c: {  	s6 =	simm.s32 $0x0;
	s20 =	sshll.u32 s4, $0x1;
	s4 =	sadd.s32 s21, s2  }
0x9d: {  	[timem:s6], [sflag:s22] =	dma.local [hbm:s4], s20  }
0x9e: {  	_ =	swait.ge [sflag:s22], s20  }
0x9f: {  	s3 =	ssub.s32 $0x0, s20;
	[sflag:s22] =	ssyncset.done $0x0  }
0xa0: {  	[sflag:s22] =	ssyncadd.s32 s3;
	_ =	sdelay $0x1  }
0xa1: {  	s23 =	simm.s32 $0x1B8B  }
0xa2: {  	_ =	swait.ge [sflag:s23], $0x1  }
0xa3: {  	[sflag:s23] =	ssyncset.done $0x0  }
0xa4: {  	s25 =	simm.s32 $0x1B8E;
	s24 =	sld [smem:$0x3FFE];
	[sflag:s23] =	ssyncadd.s32 $0xFFFFFFFF  }
0xa5: {  	s26 =	simm.s32 $execute0_lowered;
	[smem:$0x3FD2] =	sst s25  }
0xa6: {  	s4 =	sshll.u32 s26, $0x1;
	_ =	strace $0x80000049;
	[dreg:$0x1] =	wrdreg $0xFFFFFFFF  }
0xa7: {  	s28 =	simm.s32 $_size_execute0_lowered;
	s2 =	sadd.s32 s2, s4;
	[dreg:$0x0] =	wrdreg $0x0  }
0xa8: {  	s4 =	sshll.u32 s28, $0x1;
	[dreg:$0x2] =	wrdreg s2  }
0xa9: {  	[dreg:$0x3] =	wrdreg s4  }
0xaa: {  	[dreg:$0x4] =	wrdreg $0xC0  }
0xab: {  	_ =	task [dreg:s6], $0x5FFFF  }
0xac: {  	[dreg:$0x1] =	wrdreg $0xFFFFFFFF  }
0xad: {  	[dreg:$0x0] =	wrdreg $0x60  }
0xae: {  	[dreg:$0x2] =	wrdreg s24  }
0xaf: {  	[dreg:$0x3] =	wrdreg $0x82000  }
0xb0: {  	[dreg:$0x4] =	wrdreg $0x9  }
0xb1: {  	_ =	task.clear_ibuf [dreg:s6], $0x5FFFF;
	_ =	strace $0x90000049  }
0xb2: {  	s29 =	simm.s32 $0x9;
	_ =	strace $0x8000004B  }
0xb3: {  	_ =	swait.ge [sflag:s29], $0x1  }
0xb4: {  	[sflag:s29] =	ssyncadd.s32 $0xFFFFFFFF  }
0xb5: {  	_ =	strace $0x9000004B  }
0xb6: {  	_ =	sfence  }
0xb7: {  	s30 =	sld [smem:$0x0];
	_ =	sdelay $0x2  }
0xb8: {  	s31 =	sshll.u32 s1, $0xD;
	s1 =	sshrl.u32 s1, $0x2  }
0xb9: {  	s3 =	sand.u32 $0x4000, s31;
	s1 =	sadd.s32 s1, s30  }
0xba: {  	s0 =	sor.u32 s3, s0;
	s1 =	sshll.u32 s1, $0x11  }
0xbb: {  	s0 =	sor.u32 s1, s0  }
0xbc: {  	s0 =	sadd.s32 $0x8F2B, s0  }
0xbd: {  	[sflag:s0] =	ssyncadd.remote.s32 $0x1  }
0xbe: {  	_ =	sfence.sel $0xFFFF  }
0xbf: {  	[dreg:$0x0] =	wrdreg $0xFFFFFFFF;
	(pc) =	sbr.abs _section_cstart, $3  }
0xc0: {  	[dreg:$0x1] =	wrdreg $0xFFFFFFFF  }
0xc1: {  	_ =	task.clear_ibuf [dreg:s6], $0x2FFFF;
	_ =	strace $0x9FFFFFFF  }
0xc2: {  	(tm) =	ssettm $0x7FFFFFFF  }
0xc3: {  	_ =	shalt  }
tec
execute0_lowered:
.L_overlay_start_1:
0x0: {  	(tag) =	ssettag $0x1  }
0x1: {  	s0 =	rddreg [dreg:$0x0]  }
0x2: {  	s2 =	rddreg [dreg:$0x1]  }
0x3: {  	s1 =	stileid.u32;
	s4 =	srdreg.scid;
	s3 =	simm.s32 $0x0  }
0x4: {  	s19 =	simm.s32 $0x180;
	s20 =	simm.s32 $0x5;
	s21 =	simm.s32 $0x1  }
0x5: {  	s22 =	simm.s32 $0x200;
	s28 =	simm.s32 $0x4;
	s29 =	simm.s32 $0x0  }
0x6: {  	s24 =	smul.u32 $0x2800, s1;
	s5 =	sand.u32 $0x1, s4;
	[smem:$0x7FF] =	sst s3  }
0x7: {  	s4 =	sadd.s32 $0x41C00, s0;
	s15 =	sadd.s32 $0xFE00, s0;
	s16 =	sadd.s32 $0x6000, s0  }
0x8: {  	s17 =	sshll.u32 s1, $0x5;
	s8 =	smul.u32 $0x50000, s1;
	s31 =	sshll.u32 s1, $0x6  }
0x9: {  	p0 =	sgt.u32 s1, $0x1;
	s6 =	smul.u32 $0x28000, s5;
	_ =	strace $0x8000004A  }
0xa: {  	s23 =	ssub.s32 $0x2, s5;
	s18 =	sshll.u32 s5, $0x4;
	s10 =	sadd.s32 s24, s0  }
0xb: {  	s25 =	sshrl.u32 s23, $0x1;
	s12 =	sor.u32 s18, s17;
	s11 =	sshrl.u32 s8, $0x2  }
0xc: {  	s0 =	sadd.s32 s6, s0;
	s14 =	ssub.s32 s23, s25;
	s26 =	sadd.s32 s15, s12  }
0xd: {  	s9 =	sor.u32 $0x200, s12;
	s30 =	sadd.s32 s16, s12;
	s10 =	sadd.s32 $0x19C00, s10  }
0xe: {  	s13 =	sor.u32 $0x9C00, s12;
	s23 =	simm.s32 $0x2;
	[dreg:$0x3] =	wrdreg s26  }
0xf: {  	s25 =	simm.s32 $0x4200;
	[dreg:$0x4] =	wrdreg s30;
	s7 =	sadd.s32 s15, s9  }
0x10: {  	s8 =	sadd.s32 s16, s9;
	s9 =	sadd.s32 s11, s2;
	s11 =	sor.u32 $0x1C05, s31  }
0x11: {  	s12 =	sadd.s32 s15, s13;
	s13 =	sadd.s32 s16, s13;
	s0 =	sadd.s32 $0x68E00, s0  }
0x12: {  	s14 =	smax.u32 s14, $0x1;
	s15 =	sadd.s32 s17, s15;
	s16 =	sadd.s32 s17, s16  }
0x13: {  	s17 =	simm.s32 $0x100;
	s26 =	simm.s32 $0x3;
	s15 =	sadd.s32 s18, s15  }
0x14: {  	s16 =	sadd.s32 s18, s16;
	s18 =	simm.s32 $0x80;
	s24 =	sadd.s32 s24, s0  }
.LBB2_1:
0x15: {  	s0 =	rddreg [dreg:$0x3]  }
0x16: {  	[tilespmem:s3], [sflag:$0x1] =	stream.linear.gather [hbm4b:s0+s3], $0x80, $0x38;
	[tilespmem:$0x1C200] =	vst v63  }
0x17: {  	s5 =	rddreg [dreg:$0x4]  }
0x18: {  	[tilespmem:s17], [sflag:$0x1] =	stream.linear.gather [hbm4b:s5+s3], $0x80, $0x38;
	[tilespmem:$0x1C200] =	vst v63  }
0x19: {  	_ = 	snop  }
0x1a: {  	[tilespmem:s18], [sflag:$0x2] =	stream.linear.gather [hbm4b:s7+s3], $0x80, $0x38;
	[tilespmem:$0x1C200] =	vst v63  }
0x1b: {  	s30 =	sshrl.u32 s9, $0x3  }
0x1c: {  	[tilespmem:s19], [sflag:$0x2] =	stream.linear.gather [hbm4b:s8+s3], $0x80, $0x38;
	[tilespmem:$0x1C200] =	vst v63  }
0x1d: {  	[spmem:s30], [sflag:s11] =	dma.local [hbm:s10], $0x2800  }
0x1e: {  	_ =	swait.ge [sflag:s20], $0x2800  }
0x1f: {  	[sflag:s20] =	ssyncset.done $0x0  }
0x20: {  	[sflag:s20] =	ssyncadd.s32 $0xFFFFD800  }
0x21: {  	[bflag:$0x0] =	sbarrier.arrive $0xFFFF  }
0x22: {  	_ =	swait.ge [sflag:s21], $0x80  }
0x23: {  	[sflag:s21] =	ssyncset.done $0x0  }
0x24: {  	[sflag:s21] =	ssyncadd.s32 $0xFFFFFF80  }
0x25: {  	_ =	swait.ge [sflag:s21], $0x80  }
0x26: {  	[sflag:s21] =	ssyncset.done $0x0  }
0x27: {  	[sflag:s21] =	ssyncadd.s32 $0xFFFFFF80  }
0x28: {  	[tilespmem:s22], [sflag:$0x3] =	stream.indirect.gather [hbm4b:s4+s18], $0x80, s3, s18, $0xb8;
	[tilespmem:$0x1C200] =	vst v63  }
0x29: {  	_ =	swait.ge [sflag:s23], $0x80  }
0x2a: {  	[sflag:s23] =	ssyncset.done $0x0  }
0x2b: {  	[sflag:s23] =	ssyncadd.s32 $0xFFFFFF80  }
0x2c: {  	_ =	swait.ge [sflag:s23], $0x80  }
0x2d: {  	[sflag:s23] =	ssyncset.done $0x0  }
0x2e: {  	[sflag:s23] =	ssyncadd.s32 $0xFFFFFF80  }
0x2f: {  	[tilespmem:s25], [sflag:$0x4] =	stream.indirect.gather [hbm4b:s4+s18], $0x80, s18, s18, $0xb8;
	[tilespmem:$0x1C200] =	vst v63  }
0x30: {  	_ =	swait.ge [sflag:s26], $0x4000  }
0x31: {  	[sflag:s26] =	ssyncset.done $0x0  }
0x32: {  	[sflag:s26] =	ssyncadd.s32 $0xFFFFC000  }
0x33: {  	[spmem:s2] =	stream.indirect.scatter.add.f32 [tilespmem:s22], [sflag:$0x5], $0x80, s17, s18, $0xb8;
	[tilespmem:$0x1C200] =	vst v63  }
0x34: {  	_ =	swait.ge [sflag:s20], $0x4000  }
0x35: {  	s6 =	sadd.s32 $0x0, s15;
	[sflag:s20] =	ssyncset.done $0x0  }
0x36: {  	s1 =	sadd.s32 $0x0, s16;
	s31 =	sadd.s32 $0x400, s6;
	[sflag:s20] =	ssyncadd.s32 $0xFFFFC000  }
0x37: {  	[tilespmem:s3], [sflag:$0x1] =	stream.linear.gather [hbm4b:s31+s3], $0x80, $0x38;
	[tilespmem:$0x1C200] =	vst v63  }
0x38: {  	s31 =	sadd.s32 $0x400, s1  }
0x39: {  	[tilespmem:s17], [sflag:$0x1] =	stream.linear.gather [hbm4b:s31+s3], $0x80, $0x38;
	[tilespmem:$0x1C200] =	vst v63  }
0x3a: {  	_ =	swait.ge [sflag:s21], $0x80  }
0x3b: {  	[sflag:s21] =	ssyncset.done $0x0  }
0x3c: {  	[sflag:s21] =	ssyncadd.s32 $0xFFFFFF80  }
0x3d: {  	_ =	swait.ge [sflag:s21], $0x80  }
0x3e: {  	[sflag:s21] =	ssyncset.done $0x0  }
0x3f: {  	[sflag:s21] =	ssyncadd.s32 $0xFFFFFF80  }
0x40: {  	[tilespmem:s22], [sflag:$0x3] =	stream.indirect.gather [hbm4b:s4+s18], $0x80, s3, s18, $0xb8;
	[tilespmem:$0x1C200] =	vst v63  }
0x41: {  	_ =	swait.ge [sflag:s28], $0x4000  }
0x42: {  	[sflag:s28] =	ssyncset.done $0x0  }
0x43: {  	[sflag:s28] =	ssyncadd.s32 $0xFFFFC000  }
0x44: {  	[spmem:s2] =	stream.indirect.scatter.add.f32 [tilespmem:s25], [sflag:$0x5], $0x80, s19, s18, $0xb8;
	[tilespmem:$0x1C200] =	vst v63  }
0x45: {  	_ =	swait.ge [sflag:s20], $0x4000  }
0x46: {  	[sflag:s20] =	ssyncset.done $0x0  }
0x47: {  	s0 =	sadd.s32 $0x600, s6;
	[sflag:s20] =	ssyncadd.s32 $0xFFFFC000  }
0x48: {  	[tilespmem:s18], [sflag:$0x2] =	stream.linear.gather [hbm4b:s0+s3], $0x80, $0x38;
	[tilespmem:$0x1C200] =	vst v63  }
0x49: {  	s31 =	simm.s32 $0x400;
	s0 =	sadd.s32 $0x600, s1  }
.LBB2_2:
0x4a: {  	[tilespmem:s19], [sflag:$0x2] =	stream.linear.gather [hbm4b:s0+s3], $0x80, $0x38;
	[tilespmem:$0x1C200] =	vst v63  }
0x4b: {  	s0 =	smov.u32 s31  }
0x4c: {  	p1 =	sne.s32 s31, $0x9400;
	s31 =	sadd.s32 $0x400, s31;
	_ =	swait.ge [sflag:s23], $0x80  }
0x4d: {  	[sflag:s23] =	ssyncset.done $0x0  }
0x4e: {  	[sflag:s23] =	ssyncadd.s32 $0xFFFFFF80  }
0x4f: {  	_ =	swait.ge [sflag:s23], $0x80  }
0x50: {  	[sflag:s23] =	ssyncset.done $0x0  }
0x51: {  	[sflag:s23] =	ssyncadd.s32 $0xFFFFFF80  }
0x52: {  	[tilespmem:s25], [sflag:$0x4] =	stream.indirect.gather [hbm4b:s4+s18], $0x80, s18, s18, $0xb8;
	[tilespmem:$0x1C200] =	vst v63  }
0x53: {  	_ =	swait.ge [sflag:s26], $0x4000  }
0x54: {  	[sflag:s26] =	ssyncset.done $0x0  }
0x55: {  	[sflag:s26] =	ssyncadd.s32 $0xFFFFC000  }
0x56: {  	[spmem:s2] =	stream.indirect.scatter.add.f32 [tilespmem:s22], [sflag:$0x5], $0x80, s17, s18, $0xb8;
	[tilespmem:$0x1C200] =	vst v63  }
0x57: {  	_ =	swait.ge [sflag:s20], $0x4000  }
0x58: {  	s1 =	sadd.s32 s0, s15;
	[sflag:s20] =	ssyncset.done $0x0  }
0x59: {  	s0 =	sadd.s32 s0, s16;
	s5 =	sadd.s32 $0x400, s1;
	[sflag:s20] =	ssyncadd.s32 $0xFFFFC000  }
0x5a: {  	[tilespmem:s3], [sflag:$0x1] =	stream.linear.gather [hbm4b:s5+s3], $0x80, $0x38;
	[tilespmem:$0x1C200] =	vst v63  }
0x5b: {  	s5 =	sadd.s32 $0x400, s0  }
0x5c: {  	[tilespmem:s17], [sflag:$0x1] =	stream.linear.gather [hbm4b:s5+s3], $0x80, $0x38;
	[tilespmem:$0x1C200] =	vst v63  }
0x5d: {  	_ =	swait.ge [sflag:s21], $0x80  }
0x5e: {  	[sflag:s21] =	ssyncset.done $0x0  }
0x5f: {  	[sflag:s21] =	ssyncadd.s32 $0xFFFFFF80  }
0x60: {  	_ =	swait.ge [sflag:s21], $0x80  }
0x61: {  	[sflag:s21] =	ssyncset.done $0x0  }
0x62: {  	[sflag:s21] =	ssyncadd.s32 $0xFFFFFF80  }
0x63: {  	[tilespmem:s22], [sflag:$0x3] =	stream.indirect.gather [hbm4b:s4+s18], $0x80, s3, s18, $0xb8;
	[tilespmem:$0x1C200] =	vst v63  }
0x64: {  	_ =	swait.ge [sflag:s28], $0x4000  }
0x65: {  	[sflag:s28] =	ssyncset.done $0x0  }
0x66: {  	[sflag:s28] =	ssyncadd.s32 $0xFFFFC000  }
0x67: {  	[spmem:s2] =	stream.indirect.scatter.add.f32 [tilespmem:s25], [sflag:$0x5], $0x80, s19, s18, $0xb8;
	[tilespmem:$0x1C200] =	vst v63  }
.Ltmp0:
0x68: {  	_ =	swait.ge [sflag:s20], $0x4000;
	(pc) =	sbr.rel @p1 .LBB2_2-.Ltmp0, $4  }
0x69: {  	[sflag:s20] =	ssyncset.done $0x0  }
0x6a: {  	s1 =	sadd.s32 $0x600, s1;
	[sflag:s20] =	ssyncadd.s32 $0xFFFFC000  }
0x6b: {  	[tilespmem:s18], [sflag:$0x2] =	stream.linear.gather [hbm4b:s1+s3], $0x80, $0x38;
	[tilespmem:$0x1C200] =	vst v63  }
0x6c: {  	s0 =	sadd.s32 $0x600, s0  }
0x6d: {  	[tilespmem:s19], [sflag:$0x2] =	stream.linear.gather [hbm4b:s0+s3], $0x80, $0x38;
	[tilespmem:$0x1C200] =	vst v63  }
0x6e: {  	_ =	swait.ge [sflag:s23], $0x80  }
0x6f: {  	[sflag:s23] =	ssyncset.done $0x0  }
0x70: {  	[sflag:s23] =	ssyncadd.s32 $0xFFFFFF80  }
0x71: {  	_ =	swait.ge [sflag:s23], $0x80  }
0x72: {  	[sflag:s23] =	ssyncset.done $0x0  }
0x73: {  	[sflag:s23] =	ssyncadd.s32 $0xFFFFFF80  }
0x74: {  	[tilespmem:s25], [sflag:$0x4] =	stream.indirect.gather [hbm4b:s4+s18], $0x80, s18, s18, $0xb8;
	[tilespmem:$0x1C200] =	vst v63  }
0x75: {  	_ =	swait.ge [sflag:s26], $0x4000  }
0x76: {  	[sflag:s26] =	ssyncset.done $0x0  }
0x77: {  	[sflag:s26] =	ssyncadd.s32 $0xFFFFC000  }
0x78: {  	[spmem:s2] =	stream.indirect.scatter.add.f32 [tilespmem:s22], [sflag:$0x5], $0x80, s17, s18, $0xb8;
	[tilespmem:$0x1C200] =	vst v63  }
0x79: {  	_ =	swait.ge [sflag:s20], $0x4000  }
0x7a: {  	[sflag:s20] =	ssyncset.done $0x0  }
0x7b: {  	[sflag:s20] =	ssyncadd.s32 $0xFFFFC000  }
0x7c: {  	_ =	swait.ge [sflag:s28], $0x4000  }
0x7d: {  	[sflag:s28] =	ssyncset.done $0x0  }
0x7e: {  	[sflag:s28] =	ssyncadd.s32 $0xFFFFC000  }
0x7f: {  	[spmem:s2] =	stream.indirect.scatter.add.f32 [tilespmem:s25], [sflag:$0x5], $0x80, s19, s18, $0xb8;
	[tilespmem:$0x1C200] =	vst v63  }
0x80: {  	_ =	swait.ge [sflag:s20], $0x4000  }
0x81: {  	[sflag:s20] =	ssyncset.done $0x0  }
0x82: {  	s0 =	simm.s32 @!p0 $0x0;
	s1 =	simm.s32 @!p0 $0x5;
	[sflag:s20] =	ssyncadd.s32 $0xFFFFC000  }
0x83: {  	[tilespmem:s0], [sflag:$0x5] =	stream.linear.gather @!p0 [hbm4b:s12+s0], $0x80, $0x38;
	[tilespmem:$0x1C200] =	vst v63  }
0x84: {  	_ =	swait.ge @!p0 [sflag:s1], $0x80  }
0x85: {  	[sflag:s1] =	ssyncset.done @!p0 $0x0  }
0x86: {  	s5 =	simm.s32 @!p0 $0x100;
	[sflag:s1] =	ssyncadd.s32 @!p0 $0xFFFFFF80  }
0x87: {  	[tilespmem:s5], [sflag:$0x5] =	stream.linear.gather @!p0 [hbm4b:s13+s0], $0x80, $0x38;
	[tilespmem:$0x1C200] =	vst v63  }
0x88: {  	_ =	swait.ge @!p0 [sflag:s1], $0x80  }
0x89: {  	[sflag:s1] =	ssyncset.done @!p0 $0x0  }
0x8a: {  	s31 =	simm.s32 @!p0 $0x80;
	s6 =	simm.s32 @!p0 $0x200;
	[sflag:s1] =	ssyncadd.s32 @!p0 $0xFFFFFF80  }
0x8b: {  	[tilespmem:s6], [sflag:$0x3] =	stream.indirect.gather @!p0 [hbm4b:s4+s31], $0x80, s0, s31, $0xb8;
	[tilespmem:$0x1C200] =	vst v63  }
0x8c: {  	s0 =	simm.s32 @!p0 $0x3  }
0x8d: {  	_ =	swait.ge @!p0 [sflag:s0], $0x4000  }
0x8e: {  	[sflag:s0] =	ssyncset.done @!p0 $0x0  }
0x8f: {  	[sflag:s0] =	ssyncadd.s32 @!p0 $0xFFFFC000  }
0x90: {  	[spmem:s2] =	stream.indirect.scatter.add.f32 @!p0 [tilespmem:s6], [sflag:$0x5], $0x80, s5, s31, $0xb8;
	[tilespmem:$0x1C200] =	vst v63  }
0x91: {  	_ =	swait.ge @!p0 [sflag:s1], $0x4000  }
0x92: {  	s29 =	sadd.s32 $0x1, s29;
	[sflag:s1] =	ssyncset.done @!p0 $0x0  }
0x93: {  	p1 =	sne.s32 s29, s14;
	[sflag:s1] =	ssyncadd.s32 @!p0 $0xFFFFC000  }
.Ltmp1:
0x94: {  	[bflag:$0x0] =	sbarrier.arrive $0xFFFF;
	(pc) =	sbr.rel @p1 .LBB2_1-.Ltmp1, $4  }
0x95: {  	[hbm:s24], [sflag:s11] =	dma.local [spmem:s30], $0x2800  }
0x96: {  	_ =	swait.ge [sflag:s20], $0x2800  }
0x97: {  	[sflag:s20] =	ssyncset.done $0x0  }
0x98: {  	[sflag:s20] =	ssyncadd.s32 $0xFFFFD800  }
0x99: {  	_ =	sfence.sel $0x180000  }
0x9a: {  	[bflag:$0x0] =	sbarrier.arrive $0xFFFF  }
0x9b: {  	_ =	strace $0x9000004A  }
0x9c: {  	s0 =	stileid.u32;
	[bflag:$0x2] =	sbarrier.arrive $0xFFFF  }
0x9d: {  	p0 =	sne.s32 s0, $0x0;
	s0 =	rddreg [dreg:$0x2]  }
0x9e: {  	s0 =	sadd.s32 @!p0 $0x100000, s0  }
0x9f: {  	[sflag:s0] =	ssyncadd.tile.s32 @!p0 $0x1;
	_ =	shalt  }
.Lfunc_end2:
_tile_overlayer_lowered:
.L_overlay_start_2:
0xa0: {  	(tag) =	ssettag $0x2  }
0xa1: {  	s0 =	rddreg [dreg:$0x0];
	s2 =	stileid.u32  }
0xa2: {  	s1 =	rddreg [dreg:$0x1];
	p0 =	sne.s32 s2, $0x0  }
0xa3: {  	s3 =	rddreg [dreg:$0x2];
	[bflag:$0x3] =	sbarrier.arrive $0xFFFF;
	s2 =	simm.s32 @!p0 $0x1C05  }
0xa4: {  	[timem:s3], [sflag:s2] =	dma.local @!p0 [hbm:s0], s1  }
0xa5: {  	s0 =	simm.s32 @!p0 $0x5  }
0xa6: {  	_ =	swait.ge @!p0 [sflag:s0], s1  }
0xa7: {  	s1 =	ssub.s32 @!p0 $0x0, s1;
	[sflag:s0] =	ssyncset.done @!p0 $0x0  }
0xa8: {  	[sflag:s0] =	ssyncadd.s32 @!p0 s1  }
0xa9: {  	[bflag:$0x3] =	sbarrier.arrive $0xFFFF  }
0xaa: {  	_ =	shalt  }

// kernel: kernel.18.cloned.1.call-start
scs
__scs_entry_jumppad:
0x0: {  	(pc) =	sbr.rel $0x88, $3  }
0x1: {  	(tag) =	ssettag $0x0;
	lr =	simm.s32 $0x1  }
0x2: {  	[smem:$0x3F88] =	sst lr;
	_ =	strace $0xD0000000  }
0x3: {  	_ = 	snop  }
0x4: {  	_ = 	snop  }
0x5: {  	_ = 	snop  }
0x6: {  	_ = 	snop  }
0x7: {  	_ = 	snop  }
__scs_overlays_trampoline_lowered:
0x8: {  	[smem:$0x3F97] =	sst s0  }
0x9: {  	[smem:$0x3F98] =	sst s1  }
0xa: {  	[smem:$0x3F99] =	sst s2  }
0xb: {  	[smem:$0x3F9A] =	sst s3  }
0xc: {  	[smem:$0x3F9B] =	sst s4  }
0xd: {  	[smem:$0x3F9C] =	sst s5  }
0xe: {  	[smem:$0x3F9D] =	sst s6  }
0xf: {  	[smem:$0x3F9E] =	sst s7  }
0x10: {  	[smem:$0x3F9F] =	sst s8  }
0x11: {  	[smem:$0x3FA0] =	sst s9;
	s0 =	simm.s32 @!p0 $0x0  }
0x12: {  	s1 =	sld [smem:$0x3F86];
	s0 =	simm.s32 @p0 $0x1  }
0x13: {  	[smem:$0x3FA1] =	sst s0;
	s0 =	simm.s32 @!p1 $0x0  }
0x14: {  	s2 =	sld [smem:$0x3F85];
	s0 =	simm.s32 @p1 $0x1  }
0x15: {  	[smem:$0x3FA2] =	sst s0;
	s0 =	simm.s32 @!p2 $0x0  }
0x16: {  	s3 =	sld [smem:$0x3FDB];
	s0 =	simm.s32 @p2 $0x1  }
0x17: {  	s4 =	simm.s32 $0x1BF5;
	[smem:$0x3FA4] =	sst s0  }
0x18: {  	s0 =	sld [smem:$0x3F87];
	_ =	swait.ge [sflag:s4], $0x0  }
0x19: {  	s7 =	sld [smem:$0x3F88]  }
0x1a: {  	s8 =	sadd.s32 $0xFFFFE003, lr  }
0x1b: {  	s9 =	sadd.s32 $0xFFFFFEF7, lr;
	s5 =	simm.s32 $0xFFFFFFFF;
	p2 =	slt.u32 s8, $0xFFFFF086  }
0x1c: {  	p1 =	slt.u32 s9, $0xF7A;
	s5 =	simm.s32 @!p2 $0x0  }
0x1d: {  	s5 =	simm.s32 @p1 $0x1;
	p0 =	seq.s32 s7, s2  }
0x1e: {  	s7 =	smul.u32 @!p0 $0xF7A, s2;
	p2 =	seq.s32 @!p0 s5, $0x0  }
0x1f: {  	s9 =	smul.u32 $0xF7A, s1;
	s8 =	simm.s32 @!p0 $0x1BF5;
	p2 =	por !p2, p0  }
0x20: {  	[sflag:s8] =	ssyncset.s32 @!p0 $0xFFFFF086;
	s6 =	sadd.s32 @!p0 s3, s7;
	s7 =	simm.s32 @!p0 $0x108  }
0x21: {  	s3 =	sadd.s32 s3, s9;
	s6 =	sadd.s32 @!p0 $0x88, s6;
	s7 =	simm.s32 @p2 $0x1082  }
0x22: {  	[simem:s7], [sflag:s8] =	dma.local @!p0 [hbm:s6], $0xF7A  }
0x23: {  	s9 =	sor.u32 $0xD0000000, s2;
	s6 =	simm.s32 $0x108;
	_ =	swait.ge @!p0 [sflag:s8], $0x0  }
0x24: {  	s3 =	sadd.s32 $0x88, s3;
	s6 =	simm.s32 @!p1 $0x1082;
	[sflag:s4] =	ssyncset.s32 $0xFFFFF086  }
0x25: {  	[simem:s6], [sflag:s4] =	dma.local [hbm:s3], $0xF7A  }
0x26: {  	[smem:$0x3F88] =	sst s1;
	(tag) =	ssettag s2;
	_ =	strace s9  }
0x27: {  	s1 =	sld [smem:$0x3F98]  }
0x28: {  	s2 =	sld [smem:$0x3F99]  }
0x29: {  	s4 =	sld [smem:$0x3F9B]  }
0x2a: {  	p0 =	seq.s32 s5, $0x0;
	s5 =	sld [smem:$0x3F9C]  }
0x2b: {  	s6 =	sld [smem:$0x3F9D]  }
0x2c: {  	s7 =	sld [smem:$0x3F9E]  }
0x2d: {  	s3 =	simm.s32 $0x108;
	s8 =	sld [smem:$0x3F9F]  }
0x2e: {  	s3 =	simm.s32 @!p0 $0x1082;
	s9 =	sld [smem:$0x3FA0]  }
0x2f: {  	lr =	sadd.s32 s0, s3;
	s0 =	sld [smem:$0x3F97]  }
0x30: {  	s3 =	sld [smem:$0x3F9A]  }
0x31: {  	[smem:$0x3FA3] =	sst s10  }
0x32: {  	s10 =	sld [smem:$0x3FA1];
	_ =	sdelay $0x3  }
0x33: {  	p0 =	seq.s32 s10, $0x1;
	s10 =	sld [smem:$0x3FA3];
	_ =	sdelay $0x3  }
0x34: {  	[smem:$0x3FA3] =	sst s10  }
0x35: {  	s10 =	sld [smem:$0x3FA2];
	_ =	sdelay $0x3  }
0x36: {  	p1 =	seq.s32 s10, $0x1;
	s10 =	sld [smem:$0x3FA3];
	_ =	sdelay $0x3  }
0x37: {  	[smem:$0x3FA3] =	sst s10  }
0x38: {  	s10 =	sld [smem:$0x3FA4]  }
0x39: {  	_ = 	snop;
	(pc) =	sbr.ind lr, $3  }
0x3a: {  	_ = 	snop  }
0x3b: {  	_ = 	snop  }
0x3c: {  	p2 =	seq.s32 s10, $0x1;
	s10 =	sld [smem:$0x3FA3]  }
0x3d: {  	_ =	shalt  }
0x3e: {  	_ =	shalt  }
0x3f: {  	_ =	shalt  }
0x40: {  	_ =	shalt  }
0x41: {  	_ =	shalt  }
0x42: {  	_ =	shalt  }
0x43: {  	_ =	shalt  }
0x44: {  	_ =	shalt  }
0x45: {  	_ =	shalt  }
0x46: {  	_ =	shalt  }
0x47: {  	_ =	shalt  }
0x48: {  	_ =	shalt  }
0x49: {  	_ =	shalt  }
0x4a: {  	_ =	shalt  }
0x4b: {  	_ =	shalt  }
0x4c: {  	_ =	shalt  }
0x4d: {  	_ =	shalt  }
0x4e: {  	_ =	shalt  }
0x4f: {  	_ =	shalt  }
0x50: {  	_ =	shalt  }
0x51: {  	_ =	shalt  }
0x52: {  	_ =	shalt  }
0x53: {  	_ =	shalt  }
0x54: {  	_ =	shalt  }
0x55: {  	_ =	shalt  }
0x56: {  	_ =	shalt  }
0x57: {  	_ =	shalt  }
0x58: {  	_ =	shalt  }
0x59: {  	_ =	shalt  }
0x5a: {  	_ =	shalt  }
0x5b: {  	_ =	shalt  }
0x5c: {  	_ =	shalt  }
0x5d: {  	_ =	shalt  }
0x5e: {  	_ =	shalt  }
0x5f: {  	_ =	shalt  }
0x60: {  	_ =	shalt  }
0x61: {  	_ =	shalt  }
0x62: {  	_ =	shalt  }
0x63: {  	_ =	shalt  }
0x64: {  	_ =	shalt  }
0x65: {  	_ =	shalt  }
0x66: {  	_ =	shalt  }
0x67: {  	_ =	shalt  }
0x68: {  	_ =	shalt  }
0x69: {  	_ =	shalt  }
0x6a: {  	_ =	shalt  }
0x6b: {  	_ =	shalt  }
0x6c: {  	_ =	shalt  }
0x6d: {  	_ =	shalt  }
0x6e: {  	_ =	shalt  }
0x6f: {  	_ =	shalt  }
0x70: {  	_ =	shalt  }
0x71: {  	_ =	shalt  }
0x72: {  	_ =	shalt  }
0x73: {  	_ =	shalt  }
0x74: {  	_ =	shalt  }
0x75: {  	_ =	shalt  }
0x76: {  	_ =	shalt  }
0x77: {  	_ =	shalt  }
0x78: {  	_ =	shalt  }
0x79: {  	_ =	shalt  }
0x7a: {  	_ =	shalt  }
0x7b: {  	_ =	shalt  }
0x7c: {  	_ =	shalt  }
0x7d: {  	_ =	shalt  }
0x7e: {  	_ =	shalt  }
0x7f: {  	_ =	shalt  }
0x80: {  	_ =	shalt  }
0x81: {  	_ =	shalt  }
0x82: {  	_ =	shalt  }
0x83: {  	_ =	shalt  }
0x84: {  	_ =	shalt  }
0x85: {  	_ =	shalt  }
0x86: {  	_ =	shalt  }
0x87: {  	_ =	shalt  }
.Lfunc_end0:
.L_simem_size_0:
called_computation.2_lowered:
.L_overlay_start_0:
0x88: {  	s2 =	sld [smem:$0x3FD9]  }
0x89: {  	s3 =	sld [smem:$0x3FFE];
	_ =	sdelay $0x1  }
0x8a: {  	s1 =	srdreg.scid  }
0x8b: {  	s0 =	sand.u32 $0x1, s1  }
0x8c: {  	s16 =	sshll.u32 s0, $0xA;
	s2 =	sadd.s32 s3, s2  }
0x8d: {  	s2 =	sadd.s32 s2, s16  }
0x8e: {  	[smem:$0x3FAF] =	sst s2  }
0x8f: {  	_ = 	snop  }
0x90: {  	(tm) =	ssettm $0x1  }
0x91: {  	s17 =	sld [smem:$0x3FFB];
	_ =	sdelay $0x3  }
0x92: {  	_ =	strace s17  }
0x93: {  	s2 =	sld [smem:$0x3FFC];
	_ =	sdelay $0x3  }
0x94: {  	_ =	strace s2  }
0x95: {  	s2 =	sld [smem:$0x3FFD];
	_ =	sdelay $0x3  }
0x96: {  	_ =	strace s2  }
0x97: {  	_ =	strace $0x8FFFFFFF  }
0x98: {  	s18 =	sld [smem:$0x3FDB];
	_ =	sdelay $0x1  }
0x99: {  	s19 =	simm.s32 $_scs_section_size  }
0x9a: {  	s4 =	simm.s32 $_size__tile_overlayer_lowered;
	s5 =	simm.s32 $_tile_overlayer_lowered  }
0x9b: {  	s22 =	simm.s32 $0x1BFF;
	s21 =	sshll.u32 s5, $0x1;
	s2 =	sadd.s32 s19, s18  }
0x9c: {  	s6 =	simm.s32 $0x0;
	s20 =	sshll.u32 s4, $0x1;
	s4 =	sadd.s32 s21, s2  }
0x9d: {  	[timem:s6], [sflag:s22] =	dma.local [hbm:s4], s20  }
0x9e: {  	_ =	swait.ge [sflag:s22], s20  }
0x9f: {  	s3 =	ssub.s32 $0x0, s20;
	[sflag:s22] =	ssyncset.done $0x0  }
0xa0: {  	[sflag:s22] =	ssyncadd.s32 s3;
	_ =	sdelay $0x1  }
0xa1: {  	s23 =	simm.s32 $0x1B8B  }
0xa2: {  	_ =	swait.ge [sflag:s23], $0x1  }
0xa3: {  	[sflag:s23] =	ssyncset.done $0x0  }
0xa4: {  	s25 =	simm.s32 $0x1B8E;
	s24 =	sld [smem:$0x3FFE];
	[sflag:s23] =	ssyncadd.s32 $0xFFFFFFFF  }
0xa5: {  	s26 =	simm.s32 $execute0_lowered;
	[smem:$0x3FD2] =	sst s25  }
0xa6: {  	s4 =	sshll.u32 s26, $0x1;
	_ =	strace $0x8000004C;
	[dreg:$0x1] =	wrdreg $0xFFFFFFFF  }
0xa7: {  	s28 =	simm.s32 $_size_execute0_lowered;
	s2 =	sadd.s32 s2, s4;
	[dreg:$0x0] =	wrdreg $0x0  }
0xa8: {  	s4 =	sshll.u32 s28, $0x1;
	[dreg:$0x2] =	wrdreg s2  }
0xa9: {  	[dreg:$0x3] =	wrdreg s4  }
0xaa: {  	[dreg:$0x4] =	wrdreg $0xC0  }
0xab: {  	_ =	task [dreg:s6], $0x5FFFF  }
0xac: {  	[dreg:$0x1] =	wrdreg $0xFFFFFFFF  }
0xad: {  	[dreg:$0x0] =	wrdreg $0x60  }
0xae: {  	[dreg:$0x2] =	wrdreg s24  }
0xaf: {  	[dreg:$0x3] =	wrdreg $0x82000  }
0xb0: {  	[dreg:$0x4] =	wrdreg $0x9  }
0xb1: {  	_ =	task.clear_ibuf [dreg:s6], $0x5FFFF;
	_ =	strace $0x9000004C  }
0xb2: {  	s29 =	simm.s32 $0x9;
	_ =	strace $0x8000004E  }
0xb3: {  	_ =	swait.ge [sflag:s29], $0x1  }
0xb4: {  	[sflag:s29] =	ssyncadd.s32 $0xFFFFFFFF  }
0xb5: {  	_ =	strace $0x9000004E  }
0xb6: {  	_ =	sfence  }
0xb7: {  	s30 =	sld [smem:$0x0];
	_ =	sdelay $0x2  }
0xb8: {  	s31 =	sshll.u32 s1, $0xD;
	s1 =	sshrl.u32 s1, $0x2  }
0xb9: {  	s3 =	sand.u32 $0x4000, s31;
	s1 =	sadd.s32 s1, s30  }
0xba: {  	s0 =	sor.u32 s3, s0;
	s1 =	sshll.u32 s1, $0x11  }
0xbb: {  	s0 =	sor.u32 s1, s0  }
0xbc: {  	s0 =	sadd.s32 $0x8F2B, s0  }
0xbd: {  	[sflag:s0] =	ssyncadd.remote.s32 $0x1  }
0xbe: {  	_ =	sfence.sel $0xFFFF  }
0xbf: {  	[dreg:$0x0] =	wrdreg $0xFFFFFFFF;
	(pc) =	sbr.abs _section_cstart, $3  }
0xc0: {  	[dreg:$0x1] =	wrdreg $0xFFFFFFFF  }
0xc1: {  	_ =	task.clear_ibuf [dreg:s6], $0x2FFFF;
	_ =	strace $0x9FFFFFFF  }
0xc2: {  	(tm) =	ssettm $0x7FFFFFFF  }
0xc3: {  	_ =	shalt  }
tec
execute0_lowered:
.L_overlay_start_1:
0x0: {  	(tag) =	ssettag $0x1  }
0x1: {  	s0 =	rddreg [dreg:$0x0]  }
0x2: {  	s2 =	rddreg [dreg:$0x1]  }
0x3: {  	s1 =	stileid.u32;
	s4 =	srdreg.scid;
	s3 =	simm.s32 $0x0  }
0x4: {  	s19 =	simm.s32 $0x180;
	s20 =	simm.s32 $0x5;
	s21 =	simm.s32 $0x1  }
0x5: {  	s22 =	simm.s32 $0x200;
	s28 =	simm.s32 $0x4;
	s29 =	simm.s32 $0x0  }
0x6: {  	s24 =	smul.u32 $0x2800, s1;
	s5 =	sand.u32 $0x1, s4;
	[smem:$0x7FF] =	sst s3  }
0x7: {  	s4 =	sadd.s32 $0x41C00, s0;
	s15 =	sadd.s32 $0xFE00, s0;
	s16 =	sadd.s32 $0x6000, s0  }
0x8: {  	s17 =	sshll.u32 s1, $0x5;
	s8 =	smul.u32 $0x50000, s1;
	s31 =	sshll.u32 s1, $0x6  }
0x9: {  	p0 =	sgt.u32 s1, $0x1;
	s6 =	smul.u32 $0x28000, s5;
	_ =	strace $0x8000004D  }
0xa: {  	s23 =	ssub.s32 $0x2, s5;
	s18 =	sshll.u32 s5, $0x4;
	s10 =	sadd.s32 s24, s0  }
0xb: {  	s25 =	sshrl.u32 s23, $0x1;
	s12 =	sor.u32 s18, s17;
	s11 =	sshrl.u32 s8, $0x2  }
0xc: {  	s0 =	sadd.s32 s6, s0;
	s14 =	ssub.s32 s23, s25;
	s26 =	sadd.s32 s15, s12  }
0xd: {  	s9 =	sor.u32 $0x200, s12;
	s30 =	sadd.s32 s16, s12;
	s10 =	sadd.s32 $0x19C00, s10  }
0xe: {  	s13 =	sor.u32 $0x9C00, s12;
	s23 =	simm.s32 $0x2;
	[dreg:$0x3] =	wrdreg s26  }
0xf: {  	s25 =	simm.s32 $0x4200;
	[dreg:$0x4] =	wrdreg s30;
	s7 =	sadd.s32 s15, s9  }
0x10: {  	s8 =	sadd.s32 s16, s9;
	s9 =	sadd.s32 s11, s2;
	s11 =	sor.u32 $0x1C05, s31  }
0x11: {  	s12 =	sadd.s32 s15, s13;
	s13 =	sadd.s32 s16, s13;
	s0 =	sadd.s32 $0x68E00, s0  }
0x12: {  	s14 =	smax.u32 s14, $0x1;
	s15 =	sadd.s32 s17, s15;
	s16 =	sadd.s32 s17, s16  }
0x13: {  	s17 =	simm.s32 $0x100;
	s26 =	simm.s32 $0x3;
	s15 =	sadd.s32 s18, s15  }
0x14: {  	s16 =	sadd.s32 s18, s16;
	s18 =	simm.s32 $0x80;
	s24 =	sadd.s32 s24, s0  }
.LBB2_1:
0x15: {  	s0 =	rddreg [dreg:$0x3]  }
0x16: {  	[tilespmem:s3], [sflag:$0x1] =	stream.linear.gather [hbm4b:s0+s3], $0x80, $0x38;
	[tilespmem:$0x1C200] =	vst v63  }
0x17: {  	s5 =	rddreg [dreg:$0x4]  }
0x18: {  	[tilespmem:s17], [sflag:$0x1] =	stream.linear.gather [hbm4b:s5+s3], $0x80, $0x38;
	[tilespmem:$0x1C200] =	vst v63  }
0x19: {  	_ = 	snop  }
0x1a: {  	[tilespmem:s18], [sflag:$0x2] =	stream.linear.gather [hbm4b:s7+s3], $0x80, $0x38;
	[tilespmem:$0x1C200] =	vst v63  }
0x1b: {  	s30 =	sshrl.u32 s9, $0x3  }
0x1c: {  	[tilespmem:s19], [sflag:$0x2] =	stream.linear.gather [hbm4b:s8+s3], $0x80, $0x38;
	[tilespmem:$0x1C200] =	vst v63  }
0x1d: {  	[spmem:s30], [sflag:s11] =	dma.local [hbm:s10], $0x2800  }
0x1e: {  	_ =	swait.ge [sflag:s20], $0x2800  }
0x1f: {  	[sflag:s20] =	ssyncset.done $0x0  }
0x20: {  	[sflag:s20] =	ssyncadd.s32 $0xFFFFD800  }
0x21: {  	[bflag:$0x0] =	sbarrier.arrive $0xFFFF  }
0x22: {  	_ =	swait.ge [sflag:s21], $0x80  }
0x23: {  	[sflag:s21] =	ssyncset.done $0x0  }
0x24: {  	[sflag:s21] =	ssyncadd.s32 $0xFFFFFF80  }
0x25: {  	_ =	swait.ge [sflag:s21], $0x80  }
0x26: {  	[sflag:s21] =	ssyncset.done $0x0  }
0x27: {  	[sflag:s21] =	ssyncadd.s32 $0xFFFFFF80  }
0x28: {  	[tilespmem:s22], [sflag:$0x3] =	stream.indirect.gather [hbm4b:s4+s18], $0x80, s3, s18, $0xb8;
	[tilespmem:$0x1C200] =	vst v63  }
0x29: {  	_ =	swait.ge [sflag:s23], $0x80  }
0x2a: {  	[sflag:s23] =	ssyncset.done $0x0  }
0x2b: {  	[sflag:s23] =	ssyncadd.s32 $0xFFFFFF80  }
0x2c: {  	_ =	swait.ge [sflag:s23], $0x80  }
0x2d: {  	[sflag:s23] =	ssyncset.done $0x0  }
0x2e: {  	[sflag:s23] =	ssyncadd.s32 $0xFFFFFF80  }
0x2f: {  	[tilespmem:s25], [sflag:$0x4] =	stream.indirect.gather [hbm4b:s4+s18], $0x80, s18, s18, $0xb8;
	[tilespmem:$0x1C200] =	vst v63  }
0x30: {  	_ =	swait.ge [sflag:s26], $0x4000  }
0x31: {  	[sflag:s26] =	ssyncset.done $0x0  }
0x32: {  	[sflag:s26] =	ssyncadd.s32 $0xFFFFC000  }
0x33: {  	[spmem:s2] =	stream.indirect.scatter.add.f32 [tilespmem:s22], [sflag:$0x5], $0x80, s17, s18, $0xb8;
	[tilespmem:$0x1C200] =	vst v63  }
0x34: {  	_ =	swait.ge [sflag:s20], $0x4000  }
0x35: {  	s6 =	sadd.s32 $0x0, s15;
	[sflag:s20] =	ssyncset.done $0x0  }
0x36: {  	s1 =	sadd.s32 $0x0, s16;
	s31 =	sadd.s32 $0x400, s6;
	[sflag:s20] =	ssyncadd.s32 $0xFFFFC000  }
0x37: {  	[tilespmem:s3], [sflag:$0x1] =	stream.linear.gather [hbm4b:s31+s3], $0x80, $0x38;
	[tilespmem:$0x1C200] =	vst v63  }
0x38: {  	s31 =	sadd.s32 $0x400, s1  }
0x39: {  	[tilespmem:s17], [sflag:$0x1] =	stream.linear.gather [hbm4b:s31+s3], $0x80, $0x38;
	[tilespmem:$0x1C200] =	vst v63  }
0x3a: {  	_ =	swait.ge [sflag:s21], $0x80  }
0x3b: {  	[sflag:s21] =	ssyncset.done $0x0  }
0x3c: {  	[sflag:s21] =	ssyncadd.s32 $0xFFFFFF80  }
0x3d: {  	_ =	swait.ge [sflag:s21], $0x80  }
0x3e: {  	[sflag:s21] =	ssyncset.done $0x0  }
0x3f: {  	[sflag:s21] =	ssyncadd.s32 $0xFFFFFF80  }
0x40: {  	[tilespmem:s22], [sflag:$0x3] =	stream.indirect.gather [hbm4b:s4+s18], $0x80, s3, s18, $0xb8;
	[tilespmem:$0x1C200] =	vst v63  }
0x41: {  	_ =	swait.ge [sflag:s28], $0x4000  }
0x42: {  	[sflag:s28] =	ssyncset.done $0x0  }
0x43: {  	[sflag:s28] =	ssyncadd.s32 $0xFFFFC000  }
0x44: {  	[spmem:s2] =	stream.indirect.scatter.add.f32 [tilespmem:s25], [sflag:$0x5], $0x80, s19, s18, $0xb8;
	[tilespmem:$0x1C200] =	vst v63  }
0x45: {  	_ =	swait.ge [sflag:s20], $0x4000  }
0x46: {  	[sflag:s20] =	ssyncset.done $0x0  }
0x47: {  	s0 =	sadd.s32 $0x600, s6;
	[sflag:s20] =	ssyncadd.s32 $0xFFFFC000  }
0x48: {  	[tilespmem:s18], [sflag:$0x2] =	stream.linear.gather [hbm4b:s0+s3], $0x80, $0x38;
	[tilespmem:$0x1C200] =	vst v63  }
0x49: {  	s31 =	simm.s32 $0x400;
	s0 =	sadd.s32 $0x600, s1  }
.LBB2_2:
0x4a: {  	[tilespmem:s19], [sflag:$0x2] =	stream.linear.gather [hbm4b:s0+s3], $0x80, $0x38;
	[tilespmem:$0x1C200] =	vst v63  }
0x4b: {  	s0 =	smov.u32 s31  }
0x4c: {  	p1 =	sne.s32 s31, $0x9400;
	s31 =	sadd.s32 $0x400, s31;
	_ =	swait.ge [sflag:s23], $0x80  }
0x4d: {  	[sflag:s23] =	ssyncset.done $0x0  }
0x4e: {  	[sflag:s23] =	ssyncadd.s32 $0xFFFFFF80  }
0x4f: {  	_ =	swait.ge [sflag:s23], $0x80  }
0x50: {  	[sflag:s23] =	ssyncset.done $0x0  }
0x51: {  	[sflag:s23] =	ssyncadd.s32 $0xFFFFFF80  }
0x52: {  	[tilespmem:s25], [sflag:$0x4] =	stream.indirect.gather [hbm4b:s4+s18], $0x80, s18, s18, $0xb8;
	[tilespmem:$0x1C200] =	vst v63  }
0x53: {  	_ =	swait.ge [sflag:s26], $0x4000  }
0x54: {  	[sflag:s26] =	ssyncset.done $0x0  }
0x55: {  	[sflag:s26] =	ssyncadd.s32 $0xFFFFC000  }
0x56: {  	[spmem:s2] =	stream.indirect.scatter.add.f32 [tilespmem:s22], [sflag:$0x5], $0x80, s17, s18, $0xb8;
	[tilespmem:$0x1C200] =	vst v63  }
0x57: {  	_ =	swait.ge [sflag:s20], $0x4000  }
0x58: {  	s1 =	sadd.s32 s0, s15;
	[sflag:s20] =	ssyncset.done $0x0  }
0x59: {  	s0 =	sadd.s32 s0, s16;
	s5 =	sadd.s32 $0x400, s1;
	[sflag:s20] =	ssyncadd.s32 $0xFFFFC000  }
0x5a: {  	[tilespmem:s3], [sflag:$0x1] =	stream.linear.gather [hbm4b:s5+s3], $0x80, $0x38;
	[tilespmem:$0x1C200] =	vst v63  }
0x5b: {  	s5 =	sadd.s32 $0x400, s0  }
0x5c: {  	[tilespmem:s17], [sflag:$0x1] =	stream.linear.gather [hbm4b:s5+s3], $0x80, $0x38;
	[tilespmem:$0x1C200] =	vst v63  }
0x5d: {  	_ =	swait.ge [sflag:s21], $0x80  }
0x5e: {  	[sflag:s21] =	ssyncset.done $0x0  }
0x5f: {  	[sflag:s21] =	ssyncadd.s32 $0xFFFFFF80  }
0x60: {  	_ =	swait.ge [sflag:s21], $0x80  }
0x61: {  	[sflag:s21] =	ssyncset.done $0x0  }
0x62: {  	[sflag:s21] =	ssyncadd.s32 $0xFFFFFF80  }
0x63: {  	[tilespmem:s22], [sflag:$0x3] =	stream.indirect.gather [hbm4b:s4+s18], $0x80, s3, s18, $0xb8;
	[tilespmem:$0x1C200] =	vst v63  }
0x64: {  	_ =	swait.ge [sflag:s28], $0x4000  }
0x65: {  	[sflag:s28] =	ssyncset.done $0x0  }
0x66: {  	[sflag:s28] =	ssyncadd.s32 $0xFFFFC000  }
0x67: {  	[spmem:s2] =	stream.indirect.scatter.add.f32 [tilespmem:s25], [sflag:$0x5], $0x80, s19, s18, $0xb8;
	[tilespmem:$0x1C200] =	vst v63  }
.Ltmp0:
0x68: {  	_ =	swait.ge [sflag:s20], $0x4000;
	(pc) =	sbr.rel @p1 .LBB2_2-.Ltmp0, $4  }
0x69: {  	[sflag:s20] =	ssyncset.done $0x0  }
0x6a: {  	s1 =	sadd.s32 $0x600, s1;
	[sflag:s20] =	ssyncadd.s32 $0xFFFFC000  }
0x6b: {  	[tilespmem:s18], [sflag:$0x2] =	stream.linear.gather [hbm4b:s1+s3], $0x80, $0x38;
	[tilespmem:$0x1C200] =	vst v63  }
0x6c: {  	s0 =	sadd.s32 $0x600, s0  }
0x6d: {  	[tilespmem:s19], [sflag:$0x2] =	stream.linear.gather [hbm4b:s0+s3], $0x80, $0x38;
	[tilespmem:$0x1C200] =	vst v63  }
0x6e: {  	_ =	swait.ge [sflag:s23], $0x80  }
0x6f: {  	[sflag:s23] =	ssyncset.done $0x0  }
0x70: {  	[sflag:s23] =	ssyncadd.s32 $0xFFFFFF80  }
0x71: {  	_ =	swait.ge [sflag:s23], $0x80  }
0x72: {  	[sflag:s23] =	ssyncset.done $0x0  }
0x73: {  	[sflag:s23] =	ssyncadd.s32 $0xFFFFFF80  }
0x74: {  	[tilespmem:s25], [sflag:$0x4] =	stream.indirect.gather [hbm4b:s4+s18], $0x80, s18, s18, $0xb8;
	[tilespmem:$0x1C200] =	vst v63  }
0x75: {  	_ =	swait.ge [sflag:s26], $0x4000  }
0x76: {  	[sflag:s26] =	ssyncset.done $0x0  }
0x77: {  	[sflag:s26] =	ssyncadd.s32 $0xFFFFC000  }
0x78: {  	[spmem:s2] =	stream.indirect.scatter.add.f32 [tilespmem:s22], [sflag:$0x5], $0x80, s17, s18, $0xb8;
	[tilespmem:$0x1C200] =	vst v63  }
0x79: {  	_ =	swait.ge [sflag:s20], $0x4000  }
0x7a: {  	[sflag:s20] =	ssyncset.done $0x0  }
0x7b: {  	[sflag:s20] =	ssyncadd.s32 $0xFFFFC000  }
0x7c: {  	_ =	swait.ge [sflag:s28], $0x4000  }
0x7d: {  	[sflag:s28] =	ssyncset.done $0x0  }
0x7e: {  	[sflag:s28] =	ssyncadd.s32 $0xFFFFC000  }
0x7f: {  	[spmem:s2] =	stream.indirect.scatter.add.f32 [tilespmem:s25], [sflag:$0x5], $0x80, s19, s18, $0xb8;
	[tilespmem:$0x1C200] =	vst v63  }
0x80: {  	_ =	swait.ge [sflag:s20], $0x4000  }
0x81: {  	[sflag:s20] =	ssyncset.done $0x0  }
0x82: {  	s0 =	simm.s32 @!p0 $0x0;
	s1 =	simm.s32 @!p0 $0x5;
	[sflag:s20] =	ssyncadd.s32 $0xFFFFC000  }
0x83: {  	[tilespmem:s0], [sflag:$0x5] =	stream.linear.gather @!p0 [hbm4b:s12+s0], $0x80, $0x38;
	[tilespmem:$0x1C200] =	vst v63  }
0x84: {  	_ =	swait.ge @!p0 [sflag:s1], $0x80  }
0x85: {  	[sflag:s1] =	ssyncset.done @!p0 $0x0  }
0x86: {  	s5 =	simm.s32 @!p0 $0x100;
	[sflag:s1] =	ssyncadd.s32 @!p0 $0xFFFFFF80  }
0x87: {  	[tilespmem:s5], [sflag:$0x5] =	stream.linear.gather @!p0 [hbm4b:s13+s0], $0x80, $0x38;
	[tilespmem:$0x1C200] =	vst v63  }
0x88: {  	_ =	swait.ge @!p0 [sflag:s1], $0x80  }
0x89: {  	[sflag:s1] =	ssyncset.done @!p0 $0x0  }
0x8a: {  	s31 =	simm.s32 @!p0 $0x80;
	s6 =	simm.s32 @!p0 $0x200;
	[sflag:s1] =	ssyncadd.s32 @!p0 $0xFFFFFF80  }
0x8b: {  	[tilespmem:s6], [sflag:$0x3] =	stream.indirect.gather @!p0 [hbm4b:s4+s31], $0x80, s0, s31, $0xb8;
	[tilespmem:$0x1C200] =	vst v63  }
0x8c: {  	s0 =	simm.s32 @!p0 $0x3  }
0x8d: {  	_ =	swait.ge @!p0 [sflag:s0], $0x4000  }
0x8e: {  	[sflag:s0] =	ssyncset.done @!p0 $0x0  }
0x8f: {  	[sflag:s0] =	ssyncadd.s32 @!p0 $0xFFFFC000  }
0x90: {  	[spmem:s2] =	stream.indirect.scatter.add.f32 @!p0 [tilespmem:s6], [sflag:$0x5], $0x80, s5, s31, $0xb8;
	[tilespmem:$0x1C200] =	vst v63  }
0x91: {  	_ =	swait.ge @!p0 [sflag:s1], $0x4000  }
0x92: {  	s29 =	sadd.s32 $0x1, s29;
	[sflag:s1] =	ssyncset.done @!p0 $0x0  }
0x93: {  	p1 =	sne.s32 s29, s14;
	[sflag:s1] =	ssyncadd.s32 @!p0 $0xFFFFC000  }
.Ltmp1:
0x94: {  	[bflag:$0x0] =	sbarrier.arrive $0xFFFF;
	(pc) =	sbr.rel @p1 .LBB2_1-.Ltmp1, $4  }
0x95: {  	[hbm:s24], [sflag:s11] =	dma.local [spmem:s30], $0x2800  }
0x96: {  	_ =	swait.ge [sflag:s20], $0x2800  }
0x97: {  	[sflag:s20] =	ssyncset.done $0x0  }
0x98: {  	[sflag:s20] =	ssyncadd.s32 $0xFFFFD800  }
0x99: {  	_ =	sfence.sel $0x180000  }
0x9a: {  	[bflag:$0x0] =	sbarrier.arrive $0xFFFF  }
0x9b: {  	_ =	strace $0x9000004D  }
0x9c: {  	s0 =	stileid.u32;
	[bflag:$0x2] =	sbarrier.arrive $0xFFFF  }
0x9d: {  	p0 =	sne.s32 s0, $0x0;
	s0 =	rddreg [dreg:$0x2]  }
0x9e: {  	s0 =	sadd.s32 @!p0 $0x100000, s0  }
0x9f: {  	[sflag:s0] =	ssyncadd.tile.s32 @!p0 $0x1;
	_ =	shalt  }
.Lfunc_end2:
_tile_overlayer_lowered:
.L_overlay_start_2:
0xa0: {  	(tag) =	ssettag $0x2  }
0xa1: {  	s0 =	rddreg [dreg:$0x0];
	s2 =	stileid.u32  }
0xa2: {  	s1 =	rddreg [dreg:$0x1];
	p0 =	sne.s32 s2, $0x0  }
0xa3: {  	s3 =	rddreg [dreg:$0x2];
	[bflag:$0x3] =	sbarrier.arrive $0xFFFF;
	s2 =	simm.s32 @!p0 $0x1C05  }
0xa4: {  	[timem:s3], [sflag:s2] =	dma.local @!p0 [hbm:s0], s1  }
0xa5: {  	s0 =	simm.s32 @!p0 $0x5  }
0xa6: {  	_ =	swait.ge @!p0 [sflag:s0], s1  }
0xa7: {  	s1 =	ssub.s32 @!p0 $0x0, s1;
	[sflag:s0] =	ssyncset.done @!p0 $0x0  }
0xa8: {  	[sflag:s0] =	ssyncadd.s32 @!p0 s1  }
0xa9: {  	[bflag:$0x3] =	sbarrier.arrive $0xFFFF  }
0xaa: {  	_ =	shalt  }

</sc_bundles>
